<compile_context>
chip_gen: v7x
topology: tpu7x:2x2x1
jax: 0.10.2.dev20260603
libtpu: 0.0.44.dev20260713+nightly
codegen_flags: <defaults>
</compile_context>

<pallas_src>
import functools

import jax
import jax.numpy as jnp
from jax import lax
from jax.experimental import pallas as pl
from jax.experimental.pallas import tpu as pltpu
from jax.experimental.pallas import tpu_sc as plsc

_N = 100000
_D = 256
_G = 128
_GJ = _G + 16
_C = 8
_L = 16
_NT = 16
_NPAD = 102400
_H = _NPAD // 2
_RPT = _NPAD // _NT
_CHUNK = 128
_NCHUNK = _RPT // _CHUNK
_GPT = _G // _NT

_BLK = 2048
_NBLK = _H // _BLK
_LASTX = (_N - 1) // _BLK


def _dot3(xb, wh, wl):
    xh = xb.astype(jnp.bfloat16)
    xl = (xb - xh.astype(jnp.float32)).astype(jnp.bfloat16)
    return (jnp.dot(xh, wh, preferred_element_type=jnp.float32)
            + jnp.dot(xh, wl, preferred_element_type=jnp.float32)
            + jnp.dot(xl, wh, preferred_element_type=jnp.float32))


def _tc_logits_body(xa_ref, xb_ref, wh_ref, wl_ref, ya_ref, yb_ref):
    i = pl.program_id(0)
    wh = wh_ref[...]
    wl = wl_ref[...]
    onehot = (lax.broadcasted_iota(jnp.int32, (1, _L), 1) == _C).astype(
        jnp.float32)
    riota = lax.broadcasted_iota(jnp.int32, (_BLK, 1), 0)

    acc_a = _dot3(xa_ref[...], wh, wl)
    ya_ref[...] = acc_a + onehot

    acc_b = _dot3(xb_ref[...], wh, wl)
    rid_b = _H + i * _BLK + riota
    yb_ref[...] = jnp.where(rid_b < _N, acc_b + onehot, 0.0)


def _tc_logits(x, wh, wl):
    return pl.pallas_call(
        _tc_logits_body,
        grid=(_NBLK,),
        in_specs=[
            pl.BlockSpec((_BLK, _D), lambda i: (i, 0)),
            pl.BlockSpec((_BLK, _D),
                         lambda i: (jnp.minimum(i + _NBLK, _LASTX), 0)),
            pl.BlockSpec((_D, _L), lambda i: (0, 0)),
            pl.BlockSpec((_D, _L), lambda i: (0, 0)),
        ],
        out_specs=[
            pl.BlockSpec((_BLK, _L), lambda i: (i, 0)),
            pl.BlockSpec((_BLK, _L), lambda i: (i, 0)),
        ],
        out_shape=[
            jax.ShapeDtypeStruct((_H, _L), jnp.float32),
            jax.ShapeDtypeStruct((_H, _L), jnp.float32),
        ],
    )(x, x, wh, wl)


def _sc_segment_mean(ya, yb, batch3, bpad):
    mesh = plsc.VectorSubcoreMesh(
        core_axis_name="c", subcore_axis_name="s", num_cores=1,
        num_subcores=_NT)

    @functools.partial(
        pl.kernel,
        mesh=mesh,
        out_type=jax.ShapeDtypeStruct((_G, _L), jnp.float32),
        compiler_params=pltpu.CompilerParams(use_tc_tiling_on_sc=False),
        scratch_types=[
            pltpu.VMEM((_RPT, _L), jnp.float32),
            pltpu.VMEM((_NCHUNK, _CHUNK), jnp.int32),
            pltpu.VMEM((_GPT, _L), jnp.float32),
            pltpu.VMEM((_NT, _GPT, _L), jnp.float32),
            pltpu.VMEM((_L,), jnp.float32),
            pltpu.VMEM_SHARED((_NT * _GJ, _L), jnp.float32),
            pltpu.SemaphoreType.DMA,
        ],
    )
    def seg_kernel(ya_hbm, yb_hbm, batch_hbm, b_hbm, out_hbm, ybuf, idxbuf,
                   rowbuf, partbuf, bbuf, acc, sem):
        wid = lax.axis_index("s")
        gbase = wid * _GPT
        sbase = wid * _GJ
        hwid = wid % (_NT // 2)
        hbase = hwid * _RPT

        @pl.when(wid < _NT // 2)
        def _():
            pltpu.sync_copy(ya_hbm.at[pl.ds(hbase, _RPT)], ybuf)

        @pl.when(wid >= _NT // 2)
        def _():
            pltpu.sync_copy(yb_hbm.at[pl.ds(hbase, _RPT)], ybuf)

        pltpu.sync_copy(batch_hbm.at[wid], idxbuf)
        pltpu.sync_copy(b_hbm, bbuf)

        lane = lax.iota(jnp.int32, _L)
        zerov = jnp.where(lane == lane, 0.0, 0.0).astype(jnp.float32)

        for g in range(_GPT):
            rowbuf[g] = zerov
        for z in range(_G // _GPT):
            pltpu.sync_copy(rowbuf, acc.at[pl.ds(sbase + z * _GPT, _GPT)])

        def chunk_step(j, carry):
            pltpu.async_copy(ybuf.at[pl.ds(j * _CHUNK, _CHUNK)],
                             acc.at[idxbuf.at[j]], sem, add=True)
            return carry

        lax.fori_loop(0, _NCHUNK, chunk_step, 0)
        pltpu.make_async_copy(ya_hbm.at[pl.ds(hbase, _RPT)], ybuf, sem).wait()
        plsc.subcore_barrier()

        for t in range(_NT):
            pltpu.sync_copy(acc.at[pl.ds(t * _GJ + gbase, _GPT)],
                            partbuf.at[t])
        bv = bbuf[...]
        for g in range(_GPT):
            row = partbuf[0, g]
            for t in range(1, _NT):
                row = row + partbuf[t, g]
            cnt = row[_C]
            rowbuf[g] = row / jnp.maximum(cnt, 1.0) + bv
        pltpu.sync_copy(rowbuf, out_hbm.at[pl.ds(gbase, _GPT)])

    return seg_kernel(ya, yb, batch3, bpad)


def kernel(x, batch, W, b):
    wp = jnp.pad(W.T.astype(jnp.float32), ((0, 0), (0, _L - _C)))
    wh = wp.astype(jnp.bfloat16)
    wl = (wp - wh.astype(jnp.float32)).astype(jnp.bfloat16)
    batch3 = (jnp.pad(batch.astype(jnp.int32), (0, _NPAD - _N),
                      constant_values=_G).reshape(_NT, _NCHUNK, _CHUNK)
              + (jnp.arange(_NT, dtype=jnp.int32) * _GJ)[:, None, None])
    bpad = jnp.pad(b.astype(jnp.float32), (0, _L - _C))

    ya, yb = _tc_logits(x, wh, wl)
    out = _sc_segment_mean(ya, yb, batch3, bpad)
    return out[:, :_C]

# --- scband reference (transcript-rebuilt; emitter-appended) ---
"""Pipeline reference for scband-graph-transformer-40303973106070 (READ-ONLY COPY).

The authoritative reference and input builder live on the scoring server;
editing this copy changes nothing except your own understanding.
"""

import jax, jax.numpy as jnp
import numpy as np

NUM_GRAPHS = 128
N_NODES = 100000
HIDDEN_DIM = 256
NUM_CLASS = 8


def setup_inputs(seed: int = 0) -> dict:
    key = jax.random.key(seed)
    k1, k2, k3 = jax.random.split(key, 3)
    x = jax.random.normal(k1, (N_NODES, HIDDEN_DIM), dtype=jnp.float32)
    batch = jnp.sort(jax.random.randint(k2, (N_NODES,), 0, NUM_GRAPHS)).astype(jnp.int32)
    W = jax.random.normal(k3, (NUM_CLASS, HIDDEN_DIM), dtype=jnp.float32) * (1.0 / np.sqrt(HIDDEN_DIM))
    b = jnp.zeros((NUM_CLASS,), dtype=jnp.float32)
    return {"x": x, "batch": batch, "W": W, "b": b}


def reference(x, batch, W, b):
    # global_mean_pool: segment mean of node features into graph features
    sums = jax.ops.segment_sum(x, batch, num_segments=NUM_GRAPHS)
    counts = jax.ops.segment_sum(jnp.ones((x.shape[0],), dtype=x.dtype), batch, num_segments=NUM_GRAPHS)
    pooled = sums / jnp.clip(counts, 1.0)[:, None]
    # classifier: Linear(hidden_dim, num_class)
    logits = pooled @ W.T + b
    return logits

if __name__ == "__main__":
    import jax
    _d = setup_inputs()
    print(jax.jit(kernel)(*tuple(_d.values())))

</pallas_src>

<mosaic_0001>
#map = affine_map<(d0, d1) -> (0, 0)>
#map1 = affine_map<(d0, d1) -> (0, 0, 0)>
#map2 = affine_map<(d0, d1) -> (0)>
module attributes {stable_mosaic.version = 14 : i64} {
  func.func @seg_kernel(%arg0: i32, %arg1: i32, %arg2: memref<51200x16xf32, #tpu.memory_space<hbm>>, %arg3: memref<51200x16xf32, #tpu.memory_space<hbm>>, %arg4: memref<16x50x128xi32, #tpu.memory_space<hbm>>, %arg5: memref<16xf32, #tpu.memory_space<hbm>>, %arg6: memref<128x16xf32, #tpu.memory_space<hbm>>, %arg7: memref<6400x16xf32, #tpu.memory_space<vmem>>, %arg8: memref<50x128xi32, #tpu.memory_space<vmem>>, %arg9: memref<8x16xf32, #tpu.memory_space<vmem>>, %arg10: memref<16x8x16xf32, #tpu.memory_space<vmem>>, %arg11: memref<16xf32, #tpu.memory_space<vmem>>, %arg12: memref<2304x16xf32, #tpu.memory_space<vmem_shared>>, %arg13: memref<!tpu.dma_semaphore, #tpu.memory_space<semaphore_mem>>) attributes {dimension_semantics = [#tpu.dimension_semantics<core_parallel>, #tpu.dimension_semantics<subcore_parallel>], iteration_bounds = array<i64: 1, 16>, scalar_prefetch = 0 : i64, scratch_operands = 7 : i64, tpu.core_type = #tpu.core_type<sc_vector_subcore>, window_params = [{transform_indices = #map}, {transform_indices = #map}, {transform_indices = #map1}, {transform_indices = #map2}, {transform_indices = #map}]} {
    %mul3A = arith.constant 8 : i32
    %mul3A_0 = arith.muli %arg1, %mul3A : i32
    %mul3A_1 = arith.constant 144 : i32
    %mul3A_2 = arith.muli %arg1, %mul3A_1 : i32
    %jit3A = arith.constant 8 : i32
    %eq3A = arith.constant 0 : i32
    %eq3A_3 = arith.cmpi eq, %jit3A, %eq3A : i32
    %jit3A_4 = arith.constant 1 : i32
    %select_n3A = arith.select %eq3A_3, %jit3A_4, %jit3A : i32
    %rem3A = arith.remsi %arg1, %select_n3A : i32
    %ne3A = arith.constant 0 : i32
    %ne3A_5 = arith.cmpi ne, %rem3A, %ne3A : i32
    %lt3A = arith.constant 0 : i32
    %lt3A_6 = arith.cmpi slt, %rem3A, %lt3A : i32
    %lt3A_7 = arith.constant 0 : i32
    %lt3A_8 = arith.cmpi slt, %select_n3A, %lt3A_7 : i32
    %ne3A_9 = arith.xori %lt3A_6, %lt3A_8 : i1
    %and3A = arith.andi %ne3A_9, %ne3A_5 : i1
    %add3A = arith.addi %rem3A, %select_n3A : i32
    %select_n3A_10 = arith.select %and3A, %add3A, %rem3A : i32
    %mul3A_11 = arith.constant 6400 : i32
    %mul3A_12 = arith.muli %select_n3A_10, %mul3A_11 : i32
    %lt3A_13 = arith.constant 8 : i32
    %lt3A_14 = arith.cmpi slt, %arg1, %lt3A_13 : i32
    %convert_element_type3A = arith.extui %lt3A_14 : i1 to i32
    %cond3A = arith.constant 0 : i32
    %cond3A_15 = arith.cmpi ne, %convert_element_type3A, %cond3A : i32
    scf.if %cond3A_15 {
      "tpu.region"() ({
        %run_scoped3A_1277 = tpu.sem_alloc : memref<!tpu.dma_semaphore, #tpu.memory_space<semaphore_mem>>
        %dma_start3A = arith.constant 0 : i32
        %dma_start3A_1278 = tpu.memref_slice %arg2[%mul3A_12, %dma_start3A] : memref<51200x16xf32, #tpu.memory_space<hbm>> -> memref<6400x16xf32, #tpu.memory_space<hbm>>
        %dma_start3A_1279 = arith.constant 0 : i32
        %dma_start3A_1280 = tpu.memref_slice %arg2[%mul3A_12, %dma_start3A_1279] : memref<51200x16xf32, #tpu.memory_space<hbm>> -> memref<6400x16xf32, #tpu.memory_space<hbm>>
        tpu.enqueue_dma source(%dma_start3A_1280 : memref<6400x16xf32, #tpu.memory_space<hbm>>) target(%arg7 : memref<6400x16xf32, #tpu.memory_space<vmem>>) target_semaphore(%run_scoped3A_1277 : memref<!tpu.dma_semaphore, #tpu.memory_space<semaphore_mem>>)
        %dma_wait3A_1281 = arith.constant 0 : i32
        %dma_wait3A_1282 = tpu.memref_slice %arg2[%mul3A_12, %dma_wait3A_1281] : memref<51200x16xf32, #tpu.memory_space<hbm>> -> memref<6400x16xf32, #tpu.memory_space<hbm>>
        %dma_wait3A_1283 = arith.constant 0 : i32
        %dma_wait3A_1284 = tpu.memref_slice %arg2[%mul3A_12, %dma_wait3A_1283] : memref<51200x16xf32, #tpu.memory_space<hbm>> -> memref<6400x16xf32, #tpu.memory_space<hbm>>
        tpu.wait_dma2 semaphore(%run_scoped3A_1277 : memref<!tpu.dma_semaphore, #tpu.memory_space<semaphore_mem>>) src(%dma_wait3A_1284 : memref<6400x16xf32, #tpu.memory_space<hbm>>) dst(%arg7 : memref<6400x16xf32, #tpu.memory_space<vmem>>)
        tpu.yield
      }) : () -> ()
    } else {
    }
    %ge3A = arith.constant 8 : i32
    %ge3A_16 = arith.cmpi sge, %arg1, %ge3A : i32
    %convert_element_type3A_17 = arith.extui %ge3A_16 : i1 to i32
    %cond3A_18 = arith.constant 0 : i32
    %cond3A_19 = arith.cmpi ne, %convert_element_type3A_17, %cond3A_18 : i32
    scf.if %cond3A_19 {
      "tpu.region"() ({
        %run_scoped3A_1277 = tpu.sem_alloc : memref<!tpu.dma_semaphore, #tpu.memory_space<semaphore_mem>>
        %dma_start3A = arith.constant 0 : i32
        %dma_start3A_1278 = tpu.memref_slice %arg3[%mul3A_12, %dma_start3A] : memref<51200x16xf32, #tpu.memory_space<hbm>> -> memref<6400x16xf32, #tpu.memory_space<hbm>>
        %dma_start3A_1279 = arith.constant 0 : i32
        %dma_start3A_1280 = tpu.memref_slice %arg3[%mul3A_12, %dma_start3A_1279] : memref<51200x16xf32, #tpu.memory_space<hbm>> -> memref<6400x16xf32, #tpu.memory_space<hbm>>
        tpu.enqueue_dma source(%dma_start3A_1280 : memref<6400x16xf32, #tpu.memory_space<hbm>>) target(%arg7 : memref<6400x16xf32, #tpu.memory_space<vmem>>) target_semaphore(%run_scoped3A_1277 : memref<!tpu.dma_semaphore, #tpu.memory_space<semaphore_mem>>)
        %dma_wait3A_1281 = arith.constant 0 : i32
        %dma_wait3A_1282 = tpu.memref_slice %arg3[%mul3A_12, %dma_wait3A_1281] : memref<51200x16xf32, #tpu.memory_space<hbm>> -> memref<6400x16xf32, #tpu.memory_space<hbm>>
        %dma_wait3A_1283 = arith.constant 0 : i32
        %dma_wait3A_1284 = tpu.memref_slice %arg3[%mul3A_12, %dma_wait3A_1283] : memref<51200x16xf32, #tpu.memory_space<hbm>> -> memref<6400x16xf32, #tpu.memory_space<hbm>>
        tpu.wait_dma2 semaphore(%run_scoped3A_1277 : memref<!tpu.dma_semaphore, #tpu.memory_space<semaphore_mem>>) src(%dma_wait3A_1284 : memref<6400x16xf32, #tpu.memory_space<hbm>>) dst(%arg7 : memref<6400x16xf32, #tpu.memory_space<vmem>>)
        tpu.yield
      }) : () -> ()
    } else {
    }
    "tpu.region"() ({
      %run_scoped3A_1277 = tpu.sem_alloc : memref<!tpu.dma_semaphore, #tpu.memory_space<semaphore_mem>>
      %dma_start3A = arith.constant 0 : i32
      %dma_start3A_1278 = arith.constant 0 : i32
      %dma_start3A_1279 = tpu.memref_slice %arg4[%arg1, %dma_start3A, %dma_start3A_1278] : memref<16x50x128xi32, #tpu.memory_space<hbm>> -> memref<1x50x128xi32, #tpu.memory_space<hbm>>
      %dma_start3A_1280 = tpu.memref_squeeze %dma_start3A_1279 : memref<1x50x128xi32, #tpu.memory_space<hbm>> -> memref<50x128xi32, #tpu.memory_space<hbm>>
      %dma_start3A_1281 = arith.constant 0 : i32
      %dma_start3A_1282 = arith.constant 0 : i32
      %dma_start3A_1283 = tpu.memref_slice %arg4[%arg1, %dma_start3A_1281, %dma_start3A_1282] : memref<16x50x128xi32, #tpu.memory_space<hbm>> -> memref<1x50x128xi32, #tpu.memory_space<hbm>>
      %dma_start3A_1284 = tpu.memref_squeeze %dma_start3A_1283 : memref<1x50x128xi32, #tpu.memory_space<hbm>> -> memref<50x128xi32, #tpu.memory_space<hbm>>
      tpu.enqueue_dma source(%dma_start3A_1284 : memref<50x128xi32, #tpu.memory_space<hbm>>) target(%arg8 : memref<50x128xi32, #tpu.memory_space<vmem>>) target_semaphore(%run_scoped3A_1277 : memref<!tpu.dma_semaphore, #tpu.memory_space<semaphore_mem>>)
      %dma_wait3A_1285 = arith.constant 0 : i32
      %dma_wait3A_1286 = arith.constant 0 : i32
      %dma_wait3A_1287 = tpu.memref_slice %arg4[%arg1, %dma_wait3A_1285, %dma_wait3A_1286] : memref<16x50x128xi32, #tpu.memory_space<hbm>> -> memref<1x50x128xi32, #tpu.memory_space<hbm>>
      %dma_wait3A_1288 = tpu.memref_squeeze %dma_wait3A_1287 : memref<1x50x128xi32, #tpu.memory_space<hbm>> -> memref<50x128xi32, #tpu.memory_space<hbm>>
      %dma_wait3A_1289 = arith.constant 0 : i32
      %dma_wait3A_1290 = arith.constant 0 : i32
      %dma_wait3A_1291 = tpu.memref_slice %arg4[%arg1, %dma_wait3A_1289, %dma_wait3A_1290] : memref<16x50x128xi32, #tpu.memory_space<hbm>> -> memref<1x50x128xi32, #tpu.memory_space<hbm>>
      %dma_wait3A_1292 = tpu.memref_squeeze %dma_wait3A_1291 : memref<1x50x128xi32, #tpu.memory_space<hbm>> -> memref<50x128xi32, #tpu.memory_space<hbm>>
      tpu.wait_dma2 semaphore(%run_scoped3A_1277 : memref<!tpu.dma_semaphore, #tpu.memory_space<semaphore_mem>>) src(%dma_wait3A_1292 : memref<50x128xi32, #tpu.memory_space<hbm>>) dst(%arg8 : memref<50x128xi32, #tpu.memory_space<vmem>>)
      tpu.yield
    }) : () -> ()
    "tpu.region"() ({
      %run_scoped3A_1277 = tpu.sem_alloc : memref<!tpu.dma_semaphore, #tpu.memory_space<semaphore_mem>>
      tpu.enqueue_dma source(%arg5 : memref<16xf32, #tpu.memory_space<hbm>>) target(%arg11 : memref<16xf32, #tpu.memory_space<vmem>>) target_semaphore(%run_scoped3A_1277 : memref<!tpu.dma_semaphore, #tpu.memory_space<semaphore_mem>>)
      tpu.wait_dma2 semaphore(%run_scoped3A_1277 : memref<!tpu.dma_semaphore, #tpu.memory_space<semaphore_mem>>) src(%arg5 : memref<16xf32, #tpu.memory_space<hbm>>) dst(%arg11 : memref<16xf32, #tpu.memory_space<vmem>>)
      tpu.yield
    }) : () -> ()
    %iota3A = tpu.iota {dimensions = array<i32: 0>} : vector<16xi32>
    %eq3A_20 = arith.cmpi eq, %iota3A, %iota3A : vector<16xi32>
    %jit3A_21 = arith.constant 0.000000e+00 : f32
    %jit3A_22 = arith.constant 0.000000e+00 : f32
    %broadcast_in_dim3A = vector.broadcast %jit3A_21 : f32 to vector<16xf32>
    %broadcast_in_dim3A_23 = vector.broadcast %jit3A_22 : f32 to vector<16xf32>
    %select_n3A_24 = arith.select %eq3A_20, %broadcast_in_dim3A, %broadcast_in_dim3A_23 : vector<16xi1>, vector<16xf32>
    %swap3A = arith.constant 0 : i32
    %swap3A_25 = arith.index_cast %swap3A : i32 to index
    %swap3A_26 = arith.constant 0 : index
    %swap3A_27 = tpu.vector_load %arg9[%swap3A_25, %swap3A_26] {strides = array<i32>} : memref<8x16xf32, #tpu.memory_space<vmem>>, vector<1x16xf32>,
    %swap3A_28 = vector.shape_cast %swap3A_27 : vector<1x16xf32> to vector<16xf32>
    %swap3A_29 = vector.shape_cast %select_n3A_24 : vector<16xf32> to vector<1x16xf32>
    tpu.vector_store %arg9[%swap3A_25, %swap3A_26], %swap3A_29 {strides = array<i32>} : memref<8x16xf32, #tpu.memory_space<vmem>>, vector<1x16xf32>,
    %swap3A_30 = arith.constant 1 : i32
    %swap3A_31 = arith.index_cast %swap3A_30 : i32 to index
    %swap3A_32 = arith.constant 0 : index
    %swap3A_33 = tpu.vector_load %arg9[%swap3A_31, %swap3A_32] {strides = array<i32>} : memref<8x16xf32, #tpu.memory_space<vmem>>, vector<1x16xf32>,
    %swap3A_34 = vector.shape_cast %swap3A_33 : vector<1x16xf32> to vector<16xf32>
    %swap3A_35 = vector.shape_cast %select_n3A_24 : vector<16xf32> to vector<1x16xf32>
    tpu.vector_store %arg9[%swap3A_31, %swap3A_32], %swap3A_35 {strides = array<i32>} : memref<8x16xf32, #tpu.memory_space<vmem>>, vector<1x16xf32>,
    %swap3A_36 = arith.constant 2 : i32
    %swap3A_37 = arith.index_cast %swap3A_36 : i32 to index
    %swap3A_38 = arith.constant 0 : index
    %swap3A_39 = tpu.vector_load %arg9[%swap3A_37, %swap3A_38] {strides = array<i32>} : memref<8x16xf32, #tpu.memory_space<vmem>>, vector<1x16xf32>,
    %swap3A_40 = vector.shape_cast %swap3A_39 : vector<1x16xf32> to vector<16xf32>
    %swap3A_41 = vector.shape_cast %select_n3A_24 : vector<16xf32> to vector<1x16xf32>
    tpu.vector_store %arg9[%swap3A_37, %swap3A_38], %swap3A_41 {strides = array<i32>} : memref<8x16xf32, #tpu.memory_space<vmem>>, vector<1x16xf32>,
    %swap3A_42 = arith.constant 3 : i32
    %swap3A_43 = arith.index_cast %swap3A_42 : i32 to index
    %swap3A_44 = arith.constant 0 : index
    %swap3A_45 = tpu.vector_load %arg9[%swap3A_43, %swap3A_44] {strides = array<i32>} : memref<8x16xf32, #tpu.memory_space<vmem>>, vector<1x16xf32>,
    %swap3A_46 = vector.shape_cast %swap3A_45 : vector<1x16xf32> to vector<16xf32>
    %swap3A_47 = vector.shape_cast %select_n3A_24 : vector<16xf32> to vector<1x16xf32>
    tpu.vector_store %arg9[%swap3A_43, %swap3A_44], %swap3A_47 {strides = array<i32>} : memref<8x16xf32, #tpu.memory_space<vmem>>, vector<1x16xf32>,
    %swap3A_48 = arith.constant 4 : i32
    %swap3A_49 = arith.index_cast %swap3A_48 : i32 to index
    %swap3A_50 = arith.constant 0 : index
    %swap3A_51 = tpu.vector_load %arg9[%swap3A_49, %swap3A_50] {strides = array<i32>} : memref<8x16xf32, #tpu.memory_space<vmem>>, vector<1x16xf32>,
    %swap3A_52 = vector.shape_cast %swap3A_51 : vector<1x16xf32> to vector<16xf32>
    %swap3A_53 = vector.shape_cast %select_n3A_24 : vector<16xf32> to vector<1x16xf32>
    tpu.vector_store %arg9[%swap3A_49, %swap3A_50], %swap3A_53 {strides = array<i32>} : memref<8x16xf32, #tpu.memory_space<vmem>>, vector<1x16xf32>,
    %swap3A_54 = arith.constant 5 : i32
    %swap3A_55 = arith.index_cast %swap3A_54 : i32 to index
    %swap3A_56 = arith.constant 0 : index
    %swap3A_57 = tpu.vector_load %arg9[%swap3A_55, %swap3A_56] {strides = array<i32>} : memref<8x16xf32, #tpu.memory_space<vmem>>, vector<1x16xf32>,
    %swap3A_58 = vector.shape_cast %swap3A_57 : vector<1x16xf32> to vector<16xf32>
    %swap3A_59 = vector.shape_cast %select_n3A_24 : vector<16xf32> to vector<1x16xf32>
    tpu.vector_store %arg9[%swap3A_55, %swap3A_56], %swap3A_59 {strides = array<i32>} : memref<8x16xf32, #tpu.memory_space<vmem>>, vector<1x16xf32>,
    %swap3A_60 = arith.constant 6 : i32
    %swap3A_61 = arith.index_cast %swap3A_60 : i32 to index
    %swap3A_62 = arith.constant 0 : index
    %swap3A_63 = tpu.vector_load %arg9[%swap3A_61, %swap3A_62] {strides = array<i32>} : memref<8x16xf32, #tpu.memory_space<vmem>>, vector<1x16xf32>,
    %swap3A_64 = vector.shape_cast %swap3A_63 : vector<1x16xf32> to vector<16xf32>
    %swap3A_65 = vector.shape_cast %select_n3A_24 : vector<16xf32> to vector<1x16xf32>
    tpu.vector_store %arg9[%swap3A_61, %swap3A_62], %swap3A_65 {strides = array<i32>} : memref<8x16xf32, #tpu.memory_space<vmem>>, vector<1x16xf32>,
    %swap3A_66 = arith.constant 7 : i32
    %swap3A_67 = arith.index_cast %swap3A_66 : i32 to index
    %swap3A_68 = arith.constant 0 : index
    %swap3A_69 = tpu.vector_load %arg9[%swap3A_67, %swap3A_68] {strides = array<i32>} : memref<8x16xf32, #tpu.memory_space<vmem>>, vector<1x16xf32>,
    %swap3A_70 = vector.shape_cast %swap3A_69 : vector<1x16xf32> to vector<16xf32>
    %swap3A_71 = vector.shape_cast %select_n3A_24 : vector<16xf32> to vector<1x16xf32>
    tpu.vector_store %arg9[%swap3A_67, %swap3A_68], %swap3A_71 {strides = array<i32>} : memref<8x16xf32, #tpu.memory_space<vmem>>, vector<1x16xf32>,
    %add3A_72 = arith.constant 0 : i32
    %add3A_73 = arith.addi %mul3A_2, %add3A_72 : i32
    "tpu.region"() ({
      %run_scoped3A_1277 = tpu.sem_alloc : memref<!tpu.dma_semaphore, #tpu.memory_space<semaphore_mem>>
      %dma_start3A = arith.constant 0 : i32
      %dma_start3A_1278 = tpu.memref_slice %arg12[%add3A_73, %dma_start3A] : memref<2304x16xf32, #tpu.memory_space<vmem_shared>> -> memref<8x16xf32, #tpu.memory_space<vmem_shared>>
      %dma_start3A_1279 = arith.constant 0 : i32
      %dma_start3A_1280 = tpu.memref_slice %arg12[%add3A_73, %dma_start3A_1279] : memref<2304x16xf32, #tpu.memory_space<vmem_shared>> -> memref<8x16xf32, #tpu.memory_space<vmem_shared>>
      tpu.enqueue_dma source(%arg9 : memref<8x16xf32, #tpu.memory_space<vmem>>) target(%dma_start3A_1280 : memref<8x16xf32, #tpu.memory_space<vmem_shared>>) target_semaphore(%run_scoped3A_1277 : memref<!tpu.dma_semaphore, #tpu.memory_space<semaphore_mem>>)
      %dma_wait3A_1281 = arith.constant 0 : i32
      %dma_wait3A_1282 = tpu.memref_slice %arg12[%add3A_73, %dma_wait3A_1281] : memref<2304x16xf32, #tpu.memory_space<vmem_shared>> -> memref<8x16xf32, #tpu.memory_space<vmem_shared>>
      %dma_wait3A_1283 = arith.constant 0 : i32
      %dma_wait3A_1284 = tpu.memref_slice %arg12[%add3A_73, %dma_wait3A_1283] : memref<2304x16xf32, #tpu.memory_space<vmem_shared>> -> memref<8x16xf32, #tpu.memory_space<vmem_shared>>
      tpu.wait_dma2 semaphore(%run_scoped3A_1277 : memref<!tpu.dma_semaphore, #tpu.memory_space<semaphore_mem>>) src(%arg9 : memref<8x16xf32, #tpu.memory_space<vmem>>) dst(%dma_wait3A_1284 : memref<8x16xf32, #tpu.memory_space<vmem_shared>>)
      tpu.yield
    }) : () -> ()
    %add3A_74 = arith.constant 8 : i32
    %add3A_75 = arith.addi %mul3A_2, %add3A_74 : i32
    "tpu.region"() ({
      %run_scoped3A_1277 = tpu.sem_alloc : memref<!tpu.dma_semaphore, #tpu.memory_space<semaphore_mem>>
      %dma_start3A = arith.constant 0 : i32
      %dma_start3A_1278 = tpu.memref_slice %arg12[%add3A_75, %dma_start3A] : memref<2304x16xf32, #tpu.memory_space<vmem_shared>> -> memref<8x16xf32, #tpu.memory_space<vmem_shared>>
      %dma_start3A_1279 = arith.constant 0 : i32
      %dma_start3A_1280 = tpu.memref_slice %arg12[%add3A_75, %dma_start3A_1279] : memref<2304x16xf32, #tpu.memory_space<vmem_shared>> -> memref<8x16xf32, #tpu.memory_space<vmem_shared>>
      tpu.enqueue_dma source(%arg9 : memref<8x16xf32, #tpu.memory_space<vmem>>) target(%dma_start3A_1280 : memref<8x16xf32, #tpu.memory_space<vmem_shared>>) target_semaphore(%run_scoped3A_1277 : memref<!tpu.dma_semaphore, #tpu.memory_space<semaphore_mem>>)
      %dma_wait3A_1281 = arith.constant 0 : i32
      %dma_wait3A_1282 = tpu.memref_slice %arg12[%add3A_75, %dma_wait3A_1281] : memref<2304x16xf32, #tpu.memory_space<vmem_shared>> -> memref<8x16xf32, #tpu.memory_space<vmem_shared>>
      %dma_wait3A_1283 = arith.constant 0 : i32
      %dma_wait3A_1284 = tpu.memref_slice %arg12[%add3A_75, %dma_wait3A_1283] : memref<2304x16xf32, #tpu.memory_space<vmem_shared>> -> memref<8x16xf32, #tpu.memory_space<vmem_shared>>
      tpu.wait_dma2 semaphore(%run_scoped3A_1277 : memref<!tpu.dma_semaphore, #tpu.memory_space<semaphore_mem>>) src(%arg9 : memref<8x16xf32, #tpu.memory_space<vmem>>) dst(%dma_wait3A_1284 : memref<8x16xf32, #tpu.memory_space<vmem_shared>>)
      tpu.yield
    }) : () -> ()
    %add3A_76 = arith.constant 16 : i32
    %add3A_77 = arith.addi %mul3A_2, %add3A_76 : i32
    "tpu.region"() ({
      %run_scoped3A_1277 = tpu.sem_alloc : memref<!tpu.dma_semaphore, #tpu.memory_space<semaphore_mem>>
      %dma_start3A = arith.constant 0 : i32
      %dma_start3A_1278 = tpu.memref_slice %arg12[%add3A_77, %dma_start3A] : memref<2304x16xf32, #tpu.memory_space<vmem_shared>> -> memref<8x16xf32, #tpu.memory_space<vmem_shared>>
      %dma_start3A_1279 = arith.constant 0 : i32
      %dma_start3A_1280 = tpu.memref_slice %arg12[%add3A_77, %dma_start3A_1279] : memref<2304x16xf32, #tpu.memory_space<vmem_shared>> -> memref<8x16xf32, #tpu.memory_space<vmem_shared>>
      tpu.enqueue_dma source(%arg9 : memref<8x16xf32, #tpu.memory_space<vmem>>) target(%dma_start3A_1280 : memref<8x16xf32, #tpu.memory_space<vmem_shared>>) target_semaphore(%run_scoped3A_1277 : memref<!tpu.dma_semaphore, #tpu.memory_space<semaphore_mem>>)
      %dma_wait3A_1281 = arith.constant 0 : i32
      %dma_wait3A_1282 = tpu.memref_slice %arg12[%add3A_77, %dma_wait3A_1281] : memref<2304x16xf32, #tpu.memory_space<vmem_shared>> -> memref<8x16xf32, #tpu.memory_space<vmem_shared>>
      %dma_wait3A_1283 = arith.constant 0 : i32
      %dma_wait3A_1284 = tpu.memref_slice %arg12[%add3A_77, %dma_wait3A_1283] : memref<2304x16xf32, #tpu.memory_space<vmem_shared>> -> memref<8x16xf32, #tpu.memory_space<vmem_shared>>
      tpu.wait_dma2 semaphore(%run_scoped3A_1277 : memref<!tpu.dma_semaphore, #tpu.memory_space<semaphore_mem>>) src(%arg9 : memref<8x16xf32, #tpu.memory_space<vmem>>) dst(%dma_wait3A_1284 : memref<8x16xf32, #tpu.memory_space<vmem_shared>>)
      tpu.yield
    }) : () -> ()
    %add3A_78 = arith.constant 24 : i32
    %add3A_79 = arith.addi %mul3A_2, %add3A_78 : i32
    "tpu.region"() ({
      %run_scoped3A_1277 = tpu.sem_alloc : memref<!tpu.dma_semaphore, #tpu.memory_space<semaphore_mem>>
      %dma_start3A = arith.constant 0 : i32
      %dma_start3A_1278 = tpu.memref_slice %arg12[%add3A_79, %dma_start3A] : memref<2304x16xf32, #tpu.memory_space<vmem_shared>> -> memref<8x16xf32, #tpu.memory_space<vmem_shared>>
      %dma_start3A_1279 = arith.constant 0 : i32
      %dma_start3A_1280 = tpu.memref_slice %arg12[%add3A_79, %dma_start3A_1279] : memref<2304x16xf32, #tpu.memory_space<vmem_shared>> -> memref<8x16xf32, #tpu.memory_space<vmem_shared>>
      tpu.enqueue_dma source(%arg9 : memref<8x16xf32, #tpu.memory_space<vmem>>) target(%dma_start3A_1280 : memref<8x16xf32, #tpu.memory_space<vmem_shared>>) target_semaphore(%run_scoped3A_1277 : memref<!tpu.dma_semaphore, #tpu.memory_space<semaphore_mem>>)
      %dma_wait3A_1281 = arith.constant 0 : i32
      %dma_wait3A_1282 = tpu.memref_slice %arg12[%add3A_79, %dma_wait3A_1281] : memref<2304x16xf32, #tpu.memory_space<vmem_shared>> -> memref<8x16xf32, #tpu.memory_space<vmem_shared>>
      %dma_wait3A_1283 = arith.constant 0 : i32
      %dma_wait3A_1284 = tpu.memref_slice %arg12[%add3A_79, %dma_wait3A_1283] : memref<2304x16xf32, #tpu.memory_space<vmem_shared>> -> memref<8x16xf32, #tpu.memory_space<vmem_shared>>
      tpu.wait_dma2 semaphore(%run_scoped3A_1277 : memref<!tpu.dma_semaphore, #tpu.memory_space<semaphore_mem>>) src(%arg9 : memref<8x16xf32, #tpu.memory_space<vmem>>) dst(%dma_wait3A_1284 : memref<8x16xf32, #tpu.memory_space<vmem_shared>>)
      tpu.yield
    }) : () -> ()
    %add3A_80 = arith.constant 32 : i32
    %add3A_81 = arith.addi %mul3A_2, %add3A_80 : i32
    "tpu.region"() ({
      %run_scoped3A_1277 = tpu.sem_alloc : memref<!tpu.dma_semaphore, #tpu.memory_space<semaphore_mem>>
      %dma_start3A = arith.constant 0 : i32
      %dma_start3A_1278 = tpu.memref_slice %arg12[%add3A_81, %dma_start3A] : memref<2304x16xf32, #tpu.memory_space<vmem_shared>> -> memref<8x16xf32, #tpu.memory_space<vmem_shared>>
      %dma_start3A_1279 = arith.constant 0 : i32
      %dma_start3A_1280 = tpu.memref_slice %arg12[%add3A_81, %dma_start3A_1279] : memref<2304x16xf32, #tpu.memory_space<vmem_shared>> -> memref<8x16xf32, #tpu.memory_space<vmem_shared>>
      tpu.enqueue_dma source(%arg9 : memref<8x16xf32, #tpu.memory_space<vmem>>) target(%dma_start3A_1280 : memref<8x16xf32, #tpu.memory_space<vmem_shared>>) target_semaphore(%run_scoped3A_1277 : memref<!tpu.dma_semaphore, #tpu.memory_space<semaphore_mem>>)
      %dma_wait3A_1281 = arith.constant 0 : i32
      %dma_wait3A_1282 = tpu.memref_slice %arg12[%add3A_81, %dma_wait3A_1281] : memref<2304x16xf32, #tpu.memory_space<vmem_shared>> -> memref<8x16xf32, #tpu.memory_space<vmem_shared>>
      %dma_wait3A_1283 = arith.constant 0 : i32
      %dma_wait3A_1284 = tpu.memref_slice %arg12[%add3A_81, %dma_wait3A_1283] : memref<2304x16xf32, #tpu.memory_space<vmem_shared>> -> memref<8x16xf32, #tpu.memory_space<vmem_shared>>
      tpu.wait_dma2 semaphore(%run_scoped3A_1277 : memref<!tpu.dma_semaphore, #tpu.memory_space<semaphore_mem>>) src(%arg9 : memref<8x16xf32, #tpu.memory_space<vmem>>) dst(%dma_wait3A_1284 : memref<8x16xf32, #tpu.memory_space<vmem_shared>>)
      tpu.yield
    }) : () -> ()
    %add3A_82 = arith.constant 40 : i32
    %add3A_83 = arith.addi %mul3A_2, %add3A_82 : i32
    "tpu.region"() ({
      %run_scoped3A_1277 = tpu.sem_alloc : memref<!tpu.dma_semaphore, #tpu.memory_space<semaphore_mem>>
      %dma_start3A = arith.constant 0 : i32
      %dma_start3A_1278 = tpu.memref_slice %arg12[%add3A_83, %dma_start3A] : memref<2304x16xf32, #tpu.memory_space<vmem_shared>> -> memref<8x16xf32, #tpu.memory_space<vmem_shared>>
      %dma_start3A_1279 = arith.constant 0 : i32
      %dma_start3A_1280 = tpu.memref_slice %arg12[%add3A_83, %dma_start3A_1279] : memref<2304x16xf32, #tpu.memory_space<vmem_shared>> -> memref<8x16xf32, #tpu.memory_space<vmem_shared>>
      tpu.enqueue_dma source(%arg9 : memref<8x16xf32, #tpu.memory_space<vmem>>) target(%dma_start3A_1280 : memref<8x16xf32, #tpu.memory_space<vmem_shared>>) target_semaphore(%run_scoped3A_1277 : memref<!tpu.dma_semaphore, #tpu.memory_space<semaphore_mem>>)
      %dma_wait3A_1281 = arith.constant 0 : i32
      %dma_wait3A_1282 = tpu.memref_slice %arg12[%add3A_83, %dma_wait3A_1281] : memref<2304x16xf32, #tpu.memory_space<vmem_shared>> -> memref<8x16xf32, #tpu.memory_space<vmem_shared>>
      %dma_wait3A_1283 = arith.constant 0 : i32
      %dma_wait3A_1284 = tpu.memref_slice %arg12[%add3A_83, %dma_wait3A_1283] : memref<2304x16xf32, #tpu.memory_space<vmem_shared>> -> memref<8x16xf32, #tpu.memory_space<vmem_shared>>
      tpu.wait_dma2 semaphore(%run_scoped3A_1277 : memref<!tpu.dma_semaphore, #tpu.memory_space<semaphore_mem>>) src(%arg9 : memref<8x16xf32, #tpu.memory_space<vmem>>) dst(%dma_wait3A_1284 : memref<8x16xf32, #tpu.memory_space<vmem_shared>>)
      tpu.yield
    }) : () -> ()
    %add3A_84 = arith.constant 48 : i32
    %add3A_85 = arith.addi %mul3A_2, %add3A_84 : i32
    "tpu.region"() ({
      %run_scoped3A_1277 = tpu.sem_alloc : memref<!tpu.dma_semaphore, #tpu.memory_space<semaphore_mem>>
      %dma_start3A = arith.constant 0 : i32
      %dma_start3A_1278 = tpu.memref_slice %arg12[%add3A_85, %dma_start3A] : memref<2304x16xf32, #tpu.memory_space<vmem_shared>> -> memref<8x16xf32, #tpu.memory_space<vmem_shared>>
      %dma_start3A_1279 = arith.constant 0 : i32
      %dma_start3A_1280 = tpu.memref_slice %arg12[%add3A_85, %dma_start3A_1279] : memref<2304x16xf32, #tpu.memory_space<vmem_shared>> -> memref<8x16xf32, #tpu.memory_space<vmem_shared>>
      tpu.enqueue_dma source(%arg9 : memref<8x16xf32, #tpu.memory_space<vmem>>) target(%dma_start3A_1280 : memref<8x16xf32, #tpu.memory_space<vmem_shared>>) target_semaphore(%run_scoped3A_1277 : memref<!tpu.dma_semaphore, #tpu.memory_space<semaphore_mem>>)
      %dma_wait3A_1281 = arith.constant 0 : i32
      %dma_wait3A_1282 = tpu.memref_slice %arg12[%add3A_85, %dma_wait3A_1281] : memref<2304x16xf32, #tpu.memory_space<vmem_shared>> -> memref<8x16xf32, #tpu.memory_space<vmem_shared>>
      %dma_wait3A_1283 = arith.constant 0 : i32
      %dma_wait3A_1284 = tpu.memref_slice %arg12[%add3A_85, %dma_wait3A_1283] : memref<2304x16xf32, #tpu.memory_space<vmem_shared>> -> memref<8x16xf32, #tpu.memory_space<vmem_shared>>
      tpu.wait_dma2 semaphore(%run_scoped3A_1277 : memref<!tpu.dma_semaphore, #tpu.memory_space<semaphore_mem>>) src(%arg9 : memref<8x16xf32, #tpu.memory_space<vmem>>) dst(%dma_wait3A_1284 : memref<8x16xf32, #tpu.memory_space<vmem_shared>>)
      tpu.yield
    }) : () -> ()
    %add3A_86 = arith.constant 56 : i32
    %add3A_87 = arith.addi %mul3A_2, %add3A_86 : i32
    "tpu.region"() ({
      %run_scoped3A_1277 = tpu.sem_alloc : memref<!tpu.dma_semaphore, #tpu.memory_space<semaphore_mem>>
      %dma_start3A = arith.constant 0 : i32
      %dma_start3A_1278 = tpu.memref_slice %arg12[%add3A_87, %dma_start3A] : memref<2304x16xf32, #tpu.memory_space<vmem_shared>> -> memref<8x16xf32, #tpu.memory_space<vmem_shared>>
      %dma_start3A_1279 = arith.constant 0 : i32
      %dma_start3A_1280 = tpu.memref_slice %arg12[%add3A_87, %dma_start3A_1279] : memref<2304x16xf32, #tpu.memory_space<vmem_shared>> -> memref<8x16xf32, #tpu.memory_space<vmem_shared>>
      tpu.enqueue_dma source(%arg9 : memref<8x16xf32, #tpu.memory_space<vmem>>) target(%dma_start3A_1280 : memref<8x16xf32, #tpu.memory_space<vmem_shared>>) target_semaphore(%run_scoped3A_1277 : memref<!tpu.dma_semaphore, #tpu.memory_space<semaphore_mem>>)
      %dma_wait3A_1281 = arith.constant 0 : i32
      %dma_wait3A_1282 = tpu.memref_slice %arg12[%add3A_87, %dma_wait3A_1281] : memref<2304x16xf32, #tpu.memory_space<vmem_shared>> -> memref<8x16xf32, #tpu.memory_space<vmem_shared>>
      %dma_wait3A_1283 = arith.constant 0 : i32
      %dma_wait3A_1284 = tpu.memref_slice %arg12[%add3A_87, %dma_wait3A_1283] : memref<2304x16xf32, #tpu.memory_space<vmem_shared>> -> memref<8x16xf32, #tpu.memory_space<vmem_shared>>
      tpu.wait_dma2 semaphore(%run_scoped3A_1277 : memref<!tpu.dma_semaphore, #tpu.memory_space<semaphore_mem>>) src(%arg9 : memref<8x16xf32, #tpu.memory_space<vmem>>) dst(%dma_wait3A_1284 : memref<8x16xf32, #tpu.memory_space<vmem_shared>>)
      tpu.yield
    }) : () -> ()
    %add3A_88 = arith.constant 64 : i32
    %add3A_89 = arith.addi %mul3A_2, %add3A_88 : i32
    "tpu.region"() ({
      %run_scoped3A_1277 = tpu.sem_alloc : memref<!tpu.dma_semaphore, #tpu.memory_space<semaphore_mem>>
      %dma_start3A = arith.constant 0 : i32
      %dma_start3A_1278 = tpu.memref_slice %arg12[%add3A_89, %dma_start3A] : memref<2304x16xf32, #tpu.memory_space<vmem_shared>> -> memref<8x16xf32, #tpu.memory_space<vmem_shared>>
      %dma_start3A_1279 = arith.constant 0 : i32
      %dma_start3A_1280 = tpu.memref_slice %arg12[%add3A_89, %dma_start3A_1279] : memref<2304x16xf32, #tpu.memory_space<vmem_shared>> -> memref<8x16xf32, #tpu.memory_space<vmem_shared>>
      tpu.enqueue_dma source(%arg9 : memref<8x16xf32, #tpu.memory_space<vmem>>) target(%dma_start3A_1280 : memref<8x16xf32, #tpu.memory_space<vmem_shared>>) target_semaphore(%run_scoped3A_1277 : memref<!tpu.dma_semaphore, #tpu.memory_space<semaphore_mem>>)
      %dma_wait3A_1281 = arith.constant 0 : i32
      %dma_wait3A_1282 = tpu.memref_slice %arg12[%add3A_89, %dma_wait3A_1281] : memref<2304x16xf32, #tpu.memory_space<vmem_shared>> -> memref<8x16xf32, #tpu.memory_space<vmem_shared>>
      %dma_wait3A_1283 = arith.constant 0 : i32
      %dma_wait3A_1284 = tpu.memref_slice %arg12[%add3A_89, %dma_wait3A_1283] : memref<2304x16xf32, #tpu.memory_space<vmem_shared>> -> memref<8x16xf32, #tpu.memory_space<vmem_shared>>
      tpu.wait_dma2 semaphore(%run_scoped3A_1277 : memref<!tpu.dma_semaphore, #tpu.memory_space<semaphore_mem>>) src(%arg9 : memref<8x16xf32, #tpu.memory_space<vmem>>) dst(%dma_wait3A_1284 : memref<8x16xf32, #tpu.memory_space<vmem_shared>>)
      tpu.yield
    }) : () -> ()
    %add3A_90 = arith.constant 72 : i32
    %add3A_91 = arith.addi %mul3A_2, %add3A_90 : i32
    "tpu.region"() ({
      %run_scoped3A_1277 = tpu.sem_alloc : memref<!tpu.dma_semaphore, #tpu.memory_space<semaphore_mem>>
      %dma_start3A = arith.constant 0 : i32
      %dma_start3A_1278 = tpu.memref_slice %arg12[%add3A_91, %dma_start3A] : memref<2304x16xf32, #tpu.memory_space<vmem_shared>> -> memref<8x16xf32, #tpu.memory_space<vmem_shared>>
      %dma_start3A_1279 = arith.constant 0 : i32
      %dma_start3A_1280 = tpu.memref_slice %arg12[%add3A_91, %dma_start3A_1279] : memref<2304x16xf32, #tpu.memory_space<vmem_shared>> -> memref<8x16xf32, #tpu.memory_space<vmem_shared>>
      tpu.enqueue_dma source(%arg9 : memref<8x16xf32, #tpu.memory_space<vmem>>) target(%dma_start3A_1280 : memref<8x16xf32, #tpu.memory_space<vmem_shared>>) target_semaphore(%run_scoped3A_1277 : memref<!tpu.dma_semaphore, #tpu.memory_space<semaphore_mem>>)
      %dma_wait3A_1281 = arith.constant 0 : i32
      %dma_wait3A_1282 = tpu.memref_slice %arg12[%add3A_91, %dma_wait3A_1281] : memref<2304x16xf32, #tpu.memory_space<vmem_shared>> -> memref<8x16xf32, #tpu.memory_space<vmem_shared>>
      %dma_wait3A_1283 = arith.constant 0 : i32
      %dma_wait3A_1284 = tpu.memref_slice %arg12[%add3A_91, %dma_wait3A_1283] : memref<2304x16xf32, #tpu.memory_space<vmem_shared>> -> memref<8x16xf32, #tpu.memory_space<vmem_shared>>
      tpu.wait_dma2 semaphore(%run_scoped3A_1277 : memref<!tpu.dma_semaphore, #tpu.memory_space<semaphore_mem>>) src(%arg9 : memref<8x16xf32, #tpu.memory_space<vmem>>) dst(%dma_wait3A_1284 : memref<8x16xf32, #tpu.memory_space<vmem_shared>>)
      tpu.yield
    }) : () -> ()
    %add3A_92 = arith.constant 80 : i32
    %add3A_93 = arith.addi %mul3A_2, %add3A_92 : i32
    "tpu.region"() ({
      %run_scoped3A_1277 = tpu.sem_alloc : memref<!tpu.dma_semaphore, #tpu.memory_space<semaphore_mem>>
      %dma_start3A = arith.constant 0 : i32
      %dma_start3A_1278 = tpu.memref_slice %arg12[%add3A_93, %dma_start3A] : memref<2304x16xf32, #tpu.memory_space<vmem_shared>> -> memref<8x16xf32, #tpu.memory_space<vmem_shared>>
      %dma_start3A_1279 = arith.constant 0 : i32
      %dma_start3A_1280 = tpu.memref_slice %arg12[%add3A_93, %dma_start3A_1279] : memref<2304x16xf32, #tpu.memory_space<vmem_shared>> -> memref<8x16xf32, #tpu.memory_space<vmem_shared>>
      tpu.enqueue_dma source(%arg9 : memref<8x16xf32, #tpu.memory_space<vmem>>) target(%dma_start3A_1280 : memref<8x16xf32, #tpu.memory_space<vmem_shared>>) target_semaphore(%run_scoped3A_1277 : memref<!tpu.dma_semaphore, #tpu.memory_space<semaphore_mem>>)
      %dma_wait3A_1281 = arith.constant 0 : i32
      %dma_wait3A_1282 = tpu.memref_slice %arg12[%add3A_93, %dma_wait3A_1281] : memref<2304x16xf32, #tpu.memory_space<vmem_shared>> -> memref<8x16xf32, #tpu.memory_space<vmem_shared>>
      %dma_wait3A_1283 = arith.constant 0 : i32
      %dma_wait3A_1284 = tpu.memref_slice %arg12[%add3A_93, %dma_wait3A_1283] : memref<2304x16xf32, #tpu.memory_space<vmem_shared>> -> memref<8x16xf32, #tpu.memory_space<vmem_shared>>
      tpu.wait_dma2 semaphore(%run_scoped3A_1277 : memref<!tpu.dma_semaphore, #tpu.memory_space<semaphore_mem>>) src(%arg9 : memref<8x16xf32, #tpu.memory_space<vmem>>) dst(%dma_wait3A_1284 : memref<8x16xf32, #tpu.memory_space<vmem_shared>>)
      tpu.yield
    }) : () -> ()
    %add3A_94 = arith.constant 88 : i32
    %add3A_95 = arith.addi %mul3A_2, %add3A_94 : i32
    "tpu.region"() ({
      %run_scoped3A_1277 = tpu.sem_alloc : memref<!tpu.dma_semaphore, #tpu.memory_space<semaphore_mem>>
      %dma_start3A = arith.constant 0 : i32
      %dma_start3A_1278 = tpu.memref_slice %arg12[%add3A_95, %dma_start3A] : memref<2304x16xf32, #tpu.memory_space<vmem_shared>> -> memref<8x16xf32, #tpu.memory_space<vmem_shared>>
      %dma_start3A_1279 = arith.constant 0 : i32
      %dma_start3A_1280 = tpu.memref_slice %arg12[%add3A_95, %dma_start3A_1279] : memref<2304x16xf32, #tpu.memory_space<vmem_shared>> -> memref<8x16xf32, #tpu.memory_space<vmem_shared>>
      tpu.enqueue_dma source(%arg9 : memref<8x16xf32, #tpu.memory_space<vmem>>) target(%dma_start3A_1280 : memref<8x16xf32, #tpu.memory_space<vmem_shared>>) target_semaphore(%run_scoped3A_1277 : memref<!tpu.dma_semaphore, #tpu.memory_space<semaphore_mem>>)
      %dma_wait3A_1281 = arith.constant 0 : i32
      %dma_wait3A_1282 = tpu.memref_slice %arg12[%add3A_95, %dma_wait3A_1281] : memref<2304x16xf32, #tpu.memory_space<vmem_shared>> -> memref<8x16xf32, #tpu.memory_space<vmem_shared>>
      %dma_wait3A_1283 = arith.constant 0 : i32
      %dma_wait3A_1284 = tpu.memref_slice %arg12[%add3A_95, %dma_wait3A_1283] : memref<2304x16xf32, #tpu.memory_space<vmem_shared>> -> memref<8x16xf32, #tpu.memory_space<vmem_shared>>
      tpu.wait_dma2 semaphore(%run_scoped3A_1277 : memref<!tpu.dma_semaphore, #tpu.memory_space<semaphore_mem>>) src(%arg9 : memref<8x16xf32, #tpu.memory_space<vmem>>) dst(%dma_wait3A_1284 : memref<8x16xf32, #tpu.memory_space<vmem_shared>>)
      tpu.yield
    }) : () -> ()
    %add3A_96 = arith.constant 96 : i32
    %add3A_97 = arith.addi %mul3A_2, %add3A_96 : i32
    "tpu.region"() ({
      %run_scoped3A_1277 = tpu.sem_alloc : memref<!tpu.dma_semaphore, #tpu.memory_space<semaphore_mem>>
      %dma_start3A = arith.constant 0 : i32
      %dma_start3A_1278 = tpu.memref_slice %arg12[%add3A_97, %dma_start3A] : memref<2304x16xf32, #tpu.memory_space<vmem_shared>> -> memref<8x16xf32, #tpu.memory_space<vmem_shared>>
      %dma_start3A_1279 = arith.constant 0 : i32
      %dma_start3A_1280 = tpu.memref_slice %arg12[%add3A_97, %dma_start3A_1279] : memref<2304x16xf32, #tpu.memory_space<vmem_shared>> -> memref<8x16xf32, #tpu.memory_space<vmem_shared>>
      tpu.enqueue_dma source(%arg9 : memref<8x16xf32, #tpu.memory_space<vmem>>) target(%dma_start3A_1280 : memref<8x16xf32, #tpu.memory_space<vmem_shared>>) target_semaphore(%run_scoped3A_1277 : memref<!tpu.dma_semaphore, #tpu.memory_space<semaphore_mem>>)
      %dma_wait3A_1281 = arith.constant 0 : i32
      %dma_wait3A_1282 = tpu.memref_slice %arg12[%add3A_97, %dma_wait3A_1281] : memref<2304x16xf32, #tpu.memory_space<vmem_shared>> -> memref<8x16xf32, #tpu.memory_space<vmem_shared>>
      %dma_wait3A_1283 = arith.constant 0 : i32
      %dma_wait3A_1284 = tpu.memref_slice %arg12[%add3A_97, %dma_wait3A_1283] : memref<2304x16xf32, #tpu.memory_space<vmem_shared>> -> memref<8x16xf32, #tpu.memory_space<vmem_shared>>
      tpu.wait_dma2 semaphore(%run_scoped3A_1277 : memref<!tpu.dma_semaphore, #tpu.memory_space<semaphore_mem>>) src(%arg9 : memref<8x16xf32, #tpu.memory_space<vmem>>) dst(%dma_wait3A_1284 : memref<8x16xf32, #tpu.memory_space<vmem_shared>>)
      tpu.yield
    }) : () -> ()
    %add3A_98 = arith.constant 104 : i32
    %add3A_99 = arith.addi %mul3A_2, %add3A_98 : i32
    "tpu.region"() ({
      %run_scoped3A_1277 = tpu.sem_alloc : memref<!tpu.dma_semaphore, #tpu.memory_space<semaphore_mem>>
      %dma_start3A = arith.constant 0 : i32
      %dma_start3A_1278 = tpu.memref_slice %arg12[%add3A_99, %dma_start3A] : memref<2304x16xf32, #tpu.memory_space<vmem_shared>> -> memref<8x16xf32, #tpu.memory_space<vmem_shared>>
      %dma_start3A_1279 = arith.constant 0 : i32
      %dma_start3A_1280 = tpu.memref_slice %arg12[%add3A_99, %dma_start3A_1279] : memref<2304x16xf32, #tpu.memory_space<vmem_shared>> -> memref<8x16xf32, #tpu.memory_space<vmem_shared>>
      tpu.enqueue_dma source(%arg9 : memref<8x16xf32, #tpu.memory_space<vmem>>) target(%dma_start3A_1280 : memref<8x16xf32, #tpu.memory_space<vmem_shared>>) target_semaphore(%run_scoped3A_1277 : memref<!tpu.dma_semaphore, #tpu.memory_space<semaphore_mem>>)
      %dma_wait3A_1281 = arith.constant 0 : i32
      %dma_wait3A_1282 = tpu.memref_slice %arg12[%add3A_99, %dma_wait3A_1281] : memref<2304x16xf32, #tpu.memory_space<vmem_shared>> -> memref<8x16xf32, #tpu.memory_space<vmem_shared>>
      %dma_wait3A_1283 = arith.constant 0 : i32
      %dma_wait3A_1284 = tpu.memref_slice %arg12[%add3A_99, %dma_wait3A_1283] : memref<2304x16xf32, #tpu.memory_space<vmem_shared>> -> memref<8x16xf32, #tpu.memory_space<vmem_shared>>
      tpu.wait_dma2 semaphore(%run_scoped3A_1277 : memref<!tpu.dma_semaphore, #tpu.memory_space<semaphore_mem>>) src(%arg9 : memref<8x16xf32, #tpu.memory_space<vmem>>) dst(%dma_wait3A_1284 : memref<8x16xf32, #tpu.memory_space<vmem_shared>>)
      tpu.yield
    }) : () -> ()
    %add3A_100 = arith.constant 112 : i32
    %add3A_101 = arith.addi %mul3A_2, %add3A_100 : i32
    "tpu.region"() ({
      %run_scoped3A_1277 = tpu.sem_alloc : memref<!tpu.dma_semaphore, #tpu.memory_space<semaphore_mem>>
      %dma_start3A = arith.constant 0 : i32
      %dma_start3A_1278 = tpu.memref_slice %arg12[%add3A_101, %dma_start3A] : memref<2304x16xf32, #tpu.memory_space<vmem_shared>> -> memref<8x16xf32, #tpu.memory_space<vmem_shared>>
      %dma_start3A_1279 = arith.constant 0 : i32
      %dma_start3A_1280 = tpu.memref_slice %arg12[%add3A_101, %dma_start3A_1279] : memref<2304x16xf32, #tpu.memory_space<vmem_shared>> -> memref<8x16xf32, #tpu.memory_space<vmem_shared>>
      tpu.enqueue_dma source(%arg9 : memref<8x16xf32, #tpu.memory_space<vmem>>) target(%dma_start3A_1280 : memref<8x16xf32, #tpu.memory_space<vmem_shared>>) target_semaphore(%run_scoped3A_1277 : memref<!tpu.dma_semaphore, #tpu.memory_space<semaphore_mem>>)
      %dma_wait3A_1281 = arith.constant 0 : i32
      %dma_wait3A_1282 = tpu.memref_slice %arg12[%add3A_101, %dma_wait3A_1281] : memref<2304x16xf32, #tpu.memory_space<vmem_shared>> -> memref<8x16xf32, #tpu.memory_space<vmem_shared>>
      %dma_wait3A_1283 = arith.constant 0 : i32
      %dma_wait3A_1284 = tpu.memref_slice %arg12[%add3A_101, %dma_wait3A_1283] : memref<2304x16xf32, #tpu.memory_space<vmem_shared>> -> memref<8x16xf32, #tpu.memory_space<vmem_shared>>
      tpu.wait_dma2 semaphore(%run_scoped3A_1277 : memref<!tpu.dma_semaphore, #tpu.memory_space<semaphore_mem>>) src(%arg9 : memref<8x16xf32, #tpu.memory_space<vmem>>) dst(%dma_wait3A_1284 : memref<8x16xf32, #tpu.memory_space<vmem_shared>>)
      tpu.yield
    }) : () -> ()
    %add3A_102 = arith.constant 120 : i32
    %add3A_103 = arith.addi %mul3A_2, %add3A_102 : i32
    "tpu.region"() ({
      %run_scoped3A_1277 = tpu.sem_alloc : memref<!tpu.dma_semaphore, #tpu.memory_space<semaphore_mem>>
      %dma_start3A = arith.constant 0 : i32
      %dma_start3A_1278 = tpu.memref_slice %arg12[%add3A_103, %dma_start3A] : memref<2304x16xf32, #tpu.memory_space<vmem_shared>> -> memref<8x16xf32, #tpu.memory_space<vmem_shared>>
      %dma_start3A_1279 = arith.constant 0 : i32
      %dma_start3A_1280 = tpu.memref_slice %arg12[%add3A_103, %dma_start3A_1279] : memref<2304x16xf32, #tpu.memory_space<vmem_shared>> -> memref<8x16xf32, #tpu.memory_space<vmem_shared>>
      tpu.enqueue_dma source(%arg9 : memref<8x16xf32, #tpu.memory_space<vmem>>) target(%dma_start3A_1280 : memref<8x16xf32, #tpu.memory_space<vmem_shared>>) target_semaphore(%run_scoped3A_1277 : memref<!tpu.dma_semaphore, #tpu.memory_space<semaphore_mem>>)
      %dma_wait3A_1281 = arith.constant 0 : i32
      %dma_wait3A_1282 = tpu.memref_slice %arg12[%add3A_103, %dma_wait3A_1281] : memref<2304x16xf32, #tpu.memory_space<vmem_shared>> -> memref<8x16xf32, #tpu.memory_space<vmem_shared>>
      %dma_wait3A_1283 = arith.constant 0 : i32
      %dma_wait3A_1284 = tpu.memref_slice %arg12[%add3A_103, %dma_wait3A_1283] : memref<2304x16xf32, #tpu.memory_space<vmem_shared>> -> memref<8x16xf32, #tpu.memory_space<vmem_shared>>
      tpu.wait_dma2 semaphore(%run_scoped3A_1277 : memref<!tpu.dma_semaphore, #tpu.memory_space<semaphore_mem>>) src(%arg9 : memref<8x16xf32, #tpu.memory_space<vmem>>) dst(%dma_wait3A_1284 : memref<8x16xf32, #tpu.memory_space<vmem_shared>>)
      tpu.yield
    }) : () -> ()
    %scan3A = arith.constant 0 : i32
    %scan3A_104 = arith.constant 0 : i32
    %scan3A_105 = arith.constant 50 : i32
    %scan3A_106 = arith.addi %scan3A_104, %scan3A_105 : i32
    %scan3A_107 = arith.constant 1 : i32
    scf.for %scan3A_1277 = %scan3A_104 to %scan3A_106 step %scan3A_107  : i32 {
      %mul3A_1278 = arith.constant 128 : i32
      %mul3A_1279 = arith.muli %scan3A_1277, %mul3A_1278 : i32
      %dma_start3A = arith.constant 0 : i32
      %dma_start3A_1280 = tpu.memref_slice %arg7[%mul3A_1279, %dma_start3A] : memref<6400x16xf32, #tpu.memory_space<vmem>> -> memref<128x16xf32, #tpu.memory_space<vmem>>
      %dma_start3A_1281 = arith.constant 0 : i32
      %dma_start3A_1282 = tpu.memref_slice %arg8[%scan3A_1277, %dma_start3A_1281] : memref<50x128xi32, #tpu.memory_space<vmem>> -> memref<1x128xi32, #tpu.memory_space<vmem>>
      %dma_start3A_1283 = tpu.memref_squeeze %dma_start3A_1282 : memref<1x128xi32, #tpu.memory_space<vmem>> -> memref<128xi32, #tpu.memory_space<vmem>>
      %dma_start3A_1284 = arith.constant 0 : i32
      %dma_start3A_1285 = arith.constant 0 : i32
      %dma_start3A_1286 = tpu.memref_slice %arg12[%dma_start3A_1284, %dma_start3A_1285] : memref<2304x16xf32, #tpu.memory_space<vmem_shared>> -> memref<2304x16xf32, #tpu.memory_space<vmem_shared>>
      tpu.enqueue_indirect_dma source(%dma_start3A_1280 : memref<128x16xf32, #tpu.memory_space<vmem>>) target(%dma_start3A_1286 : memref<2304x16xf32, #tpu.memory_space<vmem_shared>>) offsets(%dma_start3A_1283 : memref<128xi32, #tpu.memory_space<vmem>>) semaphore(%arg13 : memref<!tpu.dma_semaphore, #tpu.memory_space<semaphore_mem>>) {add = true}
    }
    %scan3A_108 = arith.constant 50 : i32
    %dma_wait3A = arith.constant 0 : i32
    %dma_wait3A_109 = tpu.memref_slice %arg2[%mul3A_12, %dma_wait3A] : memref<51200x16xf32, #tpu.memory_space<hbm>> -> memref<6400x16xf32, #tpu.memory_space<hbm>>
    %dma_wait3A_110 = arith.constant 0 : i32
    %dma_wait3A_111 = tpu.memref_slice %arg2[%mul3A_12, %dma_wait3A_110] : memref<51200x16xf32, #tpu.memory_space<hbm>> -> memref<6400x16xf32, #tpu.memory_space<hbm>>
    tpu.wait_dma2 semaphore(%arg13 : memref<!tpu.dma_semaphore, #tpu.memory_space<semaphore_mem>>) src(%dma_wait3A_111 : memref<6400x16xf32, #tpu.memory_space<hbm>>) dst(%arg7 : memref<6400x16xf32, #tpu.memory_space<vmem>>)
    %barrier3A = arith.constant 0 : index
    tpu.barrier barrier_id(%barrier3A)
    %add3A_112 = arith.constant 0 : i32
    %add3A_113 = arith.addi %add3A_112, %mul3A_0 : i32
    %run_scoped3A = arith.constant 0 : i32
    "tpu.region"() ({
      %run_scoped3A_1277 = tpu.sem_alloc : memref<!tpu.dma_semaphore, #tpu.memory_space<semaphore_mem>>
      %dma_start3A = arith.constant 0 : i32
      %dma_start3A_1278 = arith.constant 0 : i32
      %dma_start3A_1279 = tpu.memref_slice %arg10[%run_scoped3A, %dma_start3A, %dma_start3A_1278] : memref<16x8x16xf32, #tpu.memory_space<vmem>> -> memref<1x8x16xf32, #tpu.memory_space<vmem>>
      %dma_start3A_1280 = tpu.memref_squeeze %dma_start3A_1279 : memref<1x8x16xf32, #tpu.memory_space<vmem>> -> memref<8x16xf32, #tpu.memory_space<vmem>>
      %dma_start3A_1281 = arith.constant 0 : i32
      %dma_start3A_1282 = tpu.memref_slice %arg12[%add3A_113, %dma_start3A_1281] : memref<2304x16xf32, #tpu.memory_space<vmem_shared>> -> memref<8x16xf32, #tpu.memory_space<vmem_shared>>
      %dma_start3A_1283 = arith.constant 0 : i32
      %dma_start3A_1284 = arith.constant 0 : i32
      %dma_start3A_1285 = tpu.memref_slice %arg10[%run_scoped3A, %dma_start3A_1283, %dma_start3A_1284] : memref<16x8x16xf32, #tpu.memory_space<vmem>> -> memref<1x8x16xf32, #tpu.memory_space<vmem>>
      %dma_start3A_1286 = tpu.memref_squeeze %dma_start3A_1285 : memref<1x8x16xf32, #tpu.memory_space<vmem>> -> memref<8x16xf32, #tpu.memory_space<vmem>>
      %dma_start3A_1287 = arith.constant 0 : i32
      %dma_start3A_1288 = tpu.memref_slice %arg12[%add3A_113, %dma_start3A_1287] : memref<2304x16xf32, #tpu.memory_space<vmem_shared>> -> memref<8x16xf32, #tpu.memory_space<vmem_shared>>
      tpu.enqueue_dma source(%dma_start3A_1288 : memref<8x16xf32, #tpu.memory_space<vmem_shared>>) target(%dma_start3A_1286 : memref<8x16xf32, #tpu.memory_space<vmem>>) target_semaphore(%run_scoped3A_1277 : memref<!tpu.dma_semaphore, #tpu.memory_space<semaphore_mem>>)
      %dma_wait3A_1289 = arith.constant 0 : i32
      %dma_wait3A_1290 = arith.constant 0 : i32
      %dma_wait3A_1291 = tpu.memref_slice %arg10[%run_scoped3A, %dma_wait3A_1289, %dma_wait3A_1290] : memref<16x8x16xf32, #tpu.memory_space<vmem>> -> memref<1x8x16xf32, #tpu.memory_space<vmem>>
      %dma_wait3A_1292 = tpu.memref_squeeze %dma_wait3A_1291 : memref<1x8x16xf32, #tpu.memory_space<vmem>> -> memref<8x16xf32, #tpu.memory_space<vmem>>
      %dma_wait3A_1293 = arith.constant 0 : i32
      %dma_wait3A_1294 = tpu.memref_slice %arg12[%add3A_113, %dma_wait3A_1293] : memref<2304x16xf32, #tpu.memory_space<vmem_shared>> -> memref<8x16xf32, #tpu.memory_space<vmem_shared>>
      %dma_wait3A_1295 = arith.constant 0 : i32
      %dma_wait3A_1296 = arith.constant 0 : i32
      %dma_wait3A_1297 = tpu.memref_slice %arg10[%run_scoped3A, %dma_wait3A_1295, %dma_wait3A_1296] : memref<16x8x16xf32, #tpu.memory_space<vmem>> -> memref<1x8x16xf32, #tpu.memory_space<vmem>>
      %dma_wait3A_1298 = tpu.memref_squeeze %dma_wait3A_1297 : memref<1x8x16xf32, #tpu.memory_space<vmem>> -> memref<8x16xf32, #tpu.memory_space<vmem>>
      %dma_wait3A_1299 = arith.constant 0 : i32
      %dma_wait3A_1300 = tpu.memref_slice %arg12[%add3A_113, %dma_wait3A_1299] : memref<2304x16xf32, #tpu.memory_space<vmem_shared>> -> memref<8x16xf32, #tpu.memory_space<vmem_shared>>
      tpu.wait_dma2 semaphore(%run_scoped3A_1277 : memref<!tpu.dma_semaphore, #tpu.memory_space<semaphore_mem>>) src(%dma_wait3A_1300 : memref<8x16xf32, #tpu.memory_space<vmem_shared>>) dst(%dma_wait3A_1298 : memref<8x16xf32, #tpu.memory_space<vmem>>)
      tpu.yield
    }) : () -> ()
    %add3A_114 = arith.constant 144 : i32
    %add3A_115 = arith.addi %add3A_114, %mul3A_0 : i32
    %run_scoped3A_116 = arith.constant 1 : i32
    "tpu.region"() ({
      %run_scoped3A_1277 = tpu.sem_alloc : memref<!tpu.dma_semaphore, #tpu.memory_space<semaphore_mem>>
      %dma_start3A = arith.constant 0 : i32
      %dma_start3A_1278 = arith.constant 0 : i32
      %dma_start3A_1279 = tpu.memref_slice %arg10[%run_scoped3A_116, %dma_start3A, %dma_start3A_1278] : memref<16x8x16xf32, #tpu.memory_space<vmem>> -> memref<1x8x16xf32, #tpu.memory_space<vmem>>
      %dma_start3A_1280 = tpu.memref_squeeze %dma_start3A_1279 : memref<1x8x16xf32, #tpu.memory_space<vmem>> -> memref<8x16xf32, #tpu.memory_space<vmem>>
      %dma_start3A_1281 = arith.constant 0 : i32
      %dma_start3A_1282 = tpu.memref_slice %arg12[%add3A_115, %dma_start3A_1281] : memref<2304x16xf32, #tpu.memory_space<vmem_shared>> -> memref<8x16xf32, #tpu.memory_space<vmem_shared>>
      %dma_start3A_1283 = arith.constant 0 : i32
      %dma_start3A_1284 = arith.constant 0 : i32
      %dma_start3A_1285 = tpu.memref_slice %arg10[%run_scoped3A_116, %dma_start3A_1283, %dma_start3A_1284] : memref<16x8x16xf32, #tpu.memory_space<vmem>> -> memref<1x8x16xf32, #tpu.memory_space<vmem>>
      %dma_start3A_1286 = tpu.memref_squeeze %dma_start3A_1285 : memref<1x8x16xf32, #tpu.memory_space<vmem>> -> memref<8x16xf32, #tpu.memory_space<vmem>>
      %dma_start3A_1287 = arith.constant 0 : i32
      %dma_start3A_1288 = tpu.memref_slice %arg12[%add3A_115, %dma_start3A_1287] : memref<2304x16xf32, #tpu.memory_space<vmem_shared>> -> memref<8x16xf32, #tpu.memory_space<vmem_shared>>
      tpu.enqueue_dma source(%dma_start3A_1288 : memref<8x16xf32, #tpu.memory_space<vmem_shared>>) target(%dma_start3A_1286 : memref<8x16xf32, #tpu.memory_space<vmem>>) target_semaphore(%run_scoped3A_1277 : memref<!tpu.dma_semaphore, #tpu.memory_space<semaphore_mem>>)
      %dma_wait3A_1289 = arith.constant 0 : i32
      %dma_wait3A_1290 = arith.constant 0 : i32
      %dma_wait3A_1291 = tpu.memref_slice %arg10[%run_scoped3A_116, %dma_wait3A_1289, %dma_wait3A_1290] : memref<16x8x16xf32, #tpu.memory_space<vmem>> -> memref<1x8x16xf32, #tpu.memory_space<vmem>>
      %dma_wait3A_1292 = tpu.memref_squeeze %dma_wait3A_1291 : memref<1x8x16xf32, #tpu.memory_space<vmem>> -> memref<8x16xf32, #tpu.memory_space<vmem>>
      %dma_wait3A_1293 = arith.constant 0 : i32
      %dma_wait3A_1294 = tpu.memref_slice %arg12[%add3A_115, %dma_wait3A_1293] : memref<2304x16xf32, #tpu.memory_space<vmem_shared>> -> memref<8x16xf32, #tpu.memory_space<vmem_shared>>
      %dma_wait3A_1295 = arith.constant 0 : i32
      %dma_wait3A_1296 = arith.constant 0 : i32
      %dma_wait3A_1297 = tpu.memref_slice %arg10[%run_scoped3A_116, %dma_wait3A_1295, %dma_wait3A_1296] : memref<16x8x16xf32, #tpu.memory_space<vmem>> -> memref<1x8x16xf32, #tpu.memory_space<vmem>>
      %dma_wait3A_1298 = tpu.memref_squeeze %dma_wait3A_1297 : memref<1x8x16xf32, #tpu.memory_space<vmem>> -> memref<8x16xf32, #tpu.memory_space<vmem>>
      %dma_wait3A_1299 = arith.constant 0 : i32
      %dma_wait3A_1300 = tpu.memref_slice %arg12[%add3A_115, %dma_wait3A_1299] : memref<2304x16xf32, #tpu.memory_space<vmem_shared>> -> memref<8x16xf32, #tpu.memory_space<vmem_shared>>
      tpu.wait_dma2 semaphore(%run_scoped3A_1277 : memref<!tpu.dma_semaphore, #tpu.memory_space<semaphore_mem>>) src(%dma_wait3A_1300 : memref<8x16xf32, #tpu.memory_space<vmem_shared>>) dst(%dma_wait3A_1298 : memref<8x16xf32, #tpu.memory_space<vmem>>)
      tpu.yield
    }) : () -> ()
    %add3A_117 = arith.constant 288 : i32
    %add3A_118 = arith.addi %add3A_117, %mul3A_0 : i32
    %run_scoped3A_119 = arith.constant 2 : i32
    "tpu.region"() ({
      %run_scoped3A_1277 = tpu.sem_alloc : memref<!tpu.dma_semaphore, #tpu.memory_space<semaphore_mem>>
      %dma_start3A = arith.constant 0 : i32
      %dma_start3A_1278 = arith.constant 0 : i32
      %dma_start3A_1279 = tpu.memref_slice %arg10[%run_scoped3A_119, %dma_start3A, %dma_start3A_1278] : memref<16x8x16xf32, #tpu.memory_space<vmem>> -> memref<1x8x16xf32, #tpu.memory_space<vmem>>
      %dma_start3A_1280 = tpu.memref_squeeze %dma_start3A_1279 : memref<1x8x16xf32, #tpu.memory_space<vmem>> -> memref<8x16xf32, #tpu.memory_space<vmem>>
      %dma_start3A_1281 = arith.constant 0 : i32
      %dma_start3A_1282 = tpu.memref_slice %arg12[%add3A_118, %dma_start3A_1281] : memref<2304x16xf32, #tpu.memory_space<vmem_shared>> -> memref<8x16xf32, #tpu.memory_space<vmem_shared>>
      %dma_start3A_1283 = arith.constant 0 : i32
      %dma_start3A_1284 = arith.constant 0 : i32
      %dma_start3A_1285 = tpu.memref_slice %arg10[%run_scoped3A_119, %dma_start3A_1283, %dma_start3A_1284] : memref<16x8x16xf32, #tpu.memory_space<vmem>> -> memref<1x8x16xf32, #tpu.memory_space<vmem>>
      %dma_start3A_1286 = tpu.memref_squeeze %dma_start3A_1285 : memref<1x8x16xf32, #tpu.memory_space<vmem>> -> memref<8x16xf32, #tpu.memory_space<vmem>>
      %dma_start3A_1287 = arith.constant 0 : i32
      %dma_start3A_1288 = tpu.memref_slice %arg12[%add3A_118, %dma_start3A_1287] : memref<2304x16xf32, #tpu.memory_space<vmem_shared>> -> memref<8x16xf32, #tpu.memory_space<vmem_shared>>
      tpu.enqueue_dma source(%dma_start3A_1288 : memref<8x16xf32, #tpu.memory_space<vmem_shared>>) target(%dma_start3A_1286 : memref<8x16xf32, #tpu.memory_space<vmem>>) target_semaphore(%run_scoped3A_1277 : memref<!tpu.dma_semaphore, #tpu.memory_space<semaphore_mem>>)
      %dma_wait3A_1289 = arith.constant 0 : i32
      %dma_wait3A_1290 = arith.constant 0 : i32
      %dma_wait3A_1291 = tpu.memref_slice %arg10[%run_scoped3A_119, %dma_wait3A_1289, %dma_wait3A_1290] : memref<16x8x16xf32, #tpu.memory_space<vmem>> -> memref<1x8x16xf32, #tpu.memory_space<vmem>>
      %dma_wait3A_1292 = tpu.memref_squeeze %dma_wait3A_1291 : memref<1x8x16xf32, #tpu.memory_space<vmem>> -> memref<8x16xf32, #tpu.memory_space<vmem>>
      %dma_wait3A_1293 = arith.constant 0 : i32
      %dma_wait3A_1294 = tpu.memref_slice %arg12[%add3A_118, %dma_wait3A_1293] : memref<2304x16xf32, #tpu.memory_space<vmem_shared>> -> memref<8x16xf32, #tpu.memory_space<vmem_shared>>
      %dma_wait3A_1295 = arith.constant 0 : i32
      %dma_wait3A_1296 = arith.constant 0 : i32
      %dma_wait3A_1297 = tpu.memref_slice %arg10[%run_scoped3A_119, %dma_wait3A_1295, %dma_wait3A_1296] : memref<16x8x16xf32, #tpu.memory_space<vmem>> -> memref<1x8x16xf32, #tpu.memory_space<vmem>>
      %dma_wait3A_1298 = tpu.memref_squeeze %dma_wait3A_1297 : memref<1x8x16xf32, #tpu.memory_space<vmem>> -> memref<8x16xf32, #tpu.memory_space<vmem>>
      %dma_wait3A_1299 = arith.constant 0 : i32
      %dma_wait3A_1300 = tpu.memref_slice %arg12[%add3A_118, %dma_wait3A_1299] : memref<2304x16xf32, #tpu.memory_space<vmem_shared>> -> memref<8x16xf32, #tpu.memory_space<vmem_shared>>
      tpu.wait_dma2 semaphore(%run_scoped3A_1277 : memref<!tpu.dma_semaphore, #tpu.memory_space<semaphore_mem>>) src(%dma_wait3A_1300 : memref<8x16xf32, #tpu.memory_space<vmem_shared>>) dst(%dma_wait3A_1298 : memref<8x16xf32, #tpu.memory_space<vmem>>)
      tpu.yield
    }) : () -> ()
    %add3A_120 = arith.constant 432 : i32
    %add3A_121 = arith.addi %add3A_120, %mul3A_0 : i32
    %run_scoped3A_122 = arith.constant 3 : i32
    "tpu.region"() ({
      %run_scoped3A_1277 = tpu.sem_alloc : memref<!tpu.dma_semaphore, #tpu.memory_space<semaphore_mem>>
      %dma_start3A = arith.constant 0 : i32
      %dma_start3A_1278 = arith.constant 0 : i32
      %dma_start3A_1279 = tpu.memref_slice %arg10[%run_scoped3A_122, %dma_start3A, %dma_start3A_1278] : memref<16x8x16xf32, #tpu.memory_space<vmem>> -> memref<1x8x16xf32, #tpu.memory_space<vmem>>
      %dma_start3A_1280 = tpu.memref_squeeze %dma_start3A_1279 : memref<1x8x16xf32, #tpu.memory_space<vmem>> -> memref<8x16xf32, #tpu.memory_space<vmem>>
      %dma_start3A_1281 = arith.constant 0 : i32
      %dma_start3A_1282 = tpu.memref_slice %arg12[%add3A_121, %dma_start3A_1281] : memref<2304x16xf32, #tpu.memory_space<vmem_shared>> -> memref<8x16xf32, #tpu.memory_space<vmem_shared>>
      %dma_start3A_1283 = arith.constant 0 : i32
      %dma_start3A_1284 = arith.constant 0 : i32
      %dma_start3A_1285 = tpu.memref_slice %arg10[%run_scoped3A_122, %dma_start3A_1283, %dma_start3A_1284] : memref<16x8x16xf32, #tpu.memory_space<vmem>> -> memref<1x8x16xf32, #tpu.memory_space<vmem>>
      %dma_start3A_1286 = tpu.memref_squeeze %dma_start3A_1285 : memref<1x8x16xf32, #tpu.memory_space<vmem>> -> memref<8x16xf32, #tpu.memory_space<vmem>>
      %dma_start3A_1287 = arith.constant 0 : i32
      %dma_start3A_1288 = tpu.memref_slice %arg12[%add3A_121, %dma_start3A_1287] : memref<2304x16xf32, #tpu.memory_space<vmem_shared>> -> memref<8x16xf32, #tpu.memory_space<vmem_shared>>
      tpu.enqueue_dma source(%dma_start3A_1288 : memref<8x16xf32, #tpu.memory_space<vmem_shared>>) target(%dma_start3A_1286 : memref<8x16xf32, #tpu.memory_space<vmem>>) target_semaphore(%run_scoped3A_1277 : memref<!tpu.dma_semaphore, #tpu.memory_space<semaphore_mem>>)
      %dma_wait3A_1289 = arith.constant 0 : i32
      %dma_wait3A_1290 = arith.constant 0 : i32
      %dma_wait3A_1291 = tpu.memref_slice %arg10[%run_scoped3A_122, %dma_wait3A_1289, %dma_wait3A_1290] : memref<16x8x16xf32, #tpu.memory_space<vmem>> -> memref<1x8x16xf32, #tpu.memory_space<vmem>>
      %dma_wait3A_1292 = tpu.memref_squeeze %dma_wait3A_1291 : memref<1x8x16xf32, #tpu.memory_space<vmem>> -> memref<8x16xf32, #tpu.memory_space<vmem>>
      %dma_wait3A_1293 = arith.constant 0 : i32
      %dma_wait3A_1294 = tpu.memref_slice %arg12[%add3A_121, %dma_wait3A_1293] : memref<2304x16xf32, #tpu.memory_space<vmem_shared>> -> memref<8x16xf32, #tpu.memory_space<vmem_shared>>
      %dma_wait3A_1295 = arith.constant 0 : i32
      %dma_wait3A_1296 = arith.constant 0 : i32
      %dma_wait3A_1297 = tpu.memref_slice %arg10[%run_scoped3A_122, %dma_wait3A_1295, %dma_wait3A_1296] : memref<16x8x16xf32, #tpu.memory_space<vmem>> -> memref<1x8x16xf32, #tpu.memory_space<vmem>>
      %dma_wait3A_1298 = tpu.memref_squeeze %dma_wait3A_1297 : memref<1x8x16xf32, #tpu.memory_space<vmem>> -> memref<8x16xf32, #tpu.memory_space<vmem>>
      %dma_wait3A_1299 = arith.constant 0 : i32
      %dma_wait3A_1300 = tpu.memref_slice %arg12[%add3A_121, %dma_wait3A_1299] : memref<2304x16xf32, #tpu.memory_space<vmem_shared>> -> memref<8x16xf32, #tpu.memory_space<vmem_shared>>
      tpu.wait_dma2 semaphore(%run_scoped3A_1277 : memref<!tpu.dma_semaphore, #tpu.memory_space<semaphore_mem>>) src(%dma_wait3A_1300 : memref<8x16xf32, #tpu.memory_space<vmem_shared>>) dst(%dma_wait3A_1298 : memref<8x16xf32, #tpu.memory_space<vmem>>)
      tpu.yield
    }) : () -> ()
    %add3A_123 = arith.constant 576 : i32
    %add3A_124 = arith.addi %add3A_123, %mul3A_0 : i32
    %run_scoped3A_125 = arith.constant 4 : i32
    "tpu.region"() ({
      %run_scoped3A_1277 = tpu.sem_alloc : memref<!tpu.dma_semaphore, #tpu.memory_space<semaphore_mem>>
      %dma_start3A = arith.constant 0 : i32
      %dma_start3A_1278 = arith.constant 0 : i32
      %dma_start3A_1279 = tpu.memref_slice %arg10[%run_scoped3A_125, %dma_start3A, %dma_start3A_1278] : memref<16x8x16xf32, #tpu.memory_space<vmem>> -> memref<1x8x16xf32, #tpu.memory_space<vmem>>
      %dma_start3A_1280 = tpu.memref_squeeze %dma_start3A_1279 : memref<1x8x16xf32, #tpu.memory_space<vmem>> -> memref<8x16xf32, #tpu.memory_space<vmem>>
      %dma_start3A_1281 = arith.constant 0 : i32
      %dma_start3A_1282 = tpu.memref_slice %arg12[%add3A_124, %dma_start3A_1281] : memref<2304x16xf32, #tpu.memory_space<vmem_shared>> -> memref<8x16xf32, #tpu.memory_space<vmem_shared>>
      %dma_start3A_1283 = arith.constant 0 : i32
      %dma_start3A_1284 = arith.constant 0 : i32
      %dma_start3A_1285 = tpu.memref_slice %arg10[%run_scoped3A_125, %dma_start3A_1283, %dma_start3A_1284] : memref<16x8x16xf32, #tpu.memory_space<vmem>> -> memref<1x8x16xf32, #tpu.memory_space<vmem>>
      %dma_start3A_1286 = tpu.memref_squeeze %dma_start3A_1285 : memref<1x8x16xf32, #tpu.memory_space<vmem>> -> memref<8x16xf32, #tpu.memory_space<vmem>>
      %dma_start3A_1287 = arith.constant 0 : i32
      %dma_start3A_1288 = tpu.memref_slice %arg12[%add3A_124, %dma_start3A_1287] : memref<2304x16xf32, #tpu.memory_space<vmem_shared>> -> memref<8x16xf32, #tpu.memory_space<vmem_shared>>
      tpu.enqueue_dma source(%dma_start3A_1288 : memref<8x16xf32, #tpu.memory_space<vmem_shared>>) target(%dma_start3A_1286 : memref<8x16xf32, #tpu.memory_space<vmem>>) target_semaphore(%run_scoped3A_1277 : memref<!tpu.dma_semaphore, #tpu.memory_space<semaphore_mem>>)
      %dma_wait3A_1289 = arith.constant 0 : i32
      %dma_wait3A_1290 = arith.constant 0 : i32
      %dma_wait3A_1291 = tpu.memref_slice %arg10[%run_scoped3A_125, %dma_wait3A_1289, %dma_wait3A_1290] : memref<16x8x16xf32, #tpu.memory_space<vmem>> -> memref<1x8x16xf32, #tpu.memory_space<vmem>>
      %dma_wait3A_1292 = tpu.memref_squeeze %dma_wait3A_1291 : memref<1x8x16xf32, #tpu.memory_space<vmem>> -> memref<8x16xf32, #tpu.memory_space<vmem>>
      %dma_wait3A_1293 = arith.constant 0 : i32
      %dma_wait3A_1294 = tpu.memref_slice %arg12[%add3A_124, %dma_wait3A_1293] : memref<2304x16xf32, #tpu.memory_space<vmem_shared>> -> memref<8x16xf32, #tpu.memory_space<vmem_shared>>
      %dma_wait3A_1295 = arith.constant 0 : i32
      %dma_wait3A_1296 = arith.constant 0 : i32
      %dma_wait3A_1297 = tpu.memref_slice %arg10[%run_scoped3A_125, %dma_wait3A_1295, %dma_wait3A_1296] : memref<16x8x16xf32, #tpu.memory_space<vmem>> -> memref<1x8x16xf32, #tpu.memory_space<vmem>>
      %dma_wait3A_1298 = tpu.memref_squeeze %dma_wait3A_1297 : memref<1x8x16xf32, #tpu.memory_space<vmem>> -> memref<8x16xf32, #tpu.memory_space<vmem>>
      %dma_wait3A_1299 = arith.constant 0 : i32
      %dma_wait3A_1300 = tpu.memref_slice %arg12[%add3A_124, %dma_wait3A_1299] : memref<2304x16xf32, #tpu.memory_space<vmem_shared>> -> memref<8x16xf32, #tpu.memory_space<vmem_shared>>
      tpu.wait_dma2 semaphore(%run_scoped3A_1277 : memref<!tpu.dma_semaphore, #tpu.memory_space<semaphore_mem>>) src(%dma_wait3A_1300 : memref<8x16xf32, #tpu.memory_space<vmem_shared>>) dst(%dma_wait3A_1298 : memref<8x16xf32, #tpu.memory_space<vmem>>)
      tpu.yield
    }) : () -> ()
    %add3A_126 = arith.constant 720 : i32
    %add3A_127 = arith.addi %add3A_126, %mul3A_0 : i32
    %run_scoped3A_128 = arith.constant 5 : i32
    "tpu.region"() ({
      %run_scoped3A_1277 = tpu.sem_alloc : memref<!tpu.dma_semaphore, #tpu.memory_space<semaphore_mem>>
      %dma_start3A = arith.constant 0 : i32
      %dma_start3A_1278 = arith.constant 0 : i32
      %dma_start3A_1279 = tpu.memref_slice %arg10[%run_scoped3A_128, %dma_start3A, %dma_start3A_1278] : memref<16x8x16xf32, #tpu.memory_space<vmem>> -> memref<1x8x16xf32, #tpu.memory_space<vmem>>
      %dma_start3A_1280 = tpu.memref_squeeze %dma_start3A_1279 : memref<1x8x16xf32, #tpu.memory_space<vmem>> -> memref<8x16xf32, #tpu.memory_space<vmem>>
      %dma_start3A_1281 = arith.constant 0 : i32
      %dma_start3A_1282 = tpu.memref_slice %arg12[%add3A_127, %dma_start3A_1281] : memref<2304x16xf32, #tpu.memory_space<vmem_shared>> -> memref<8x16xf32, #tpu.memory_space<vmem_shared>>
      %dma_start3A_1283 = arith.constant 0 : i32
      %dma_start3A_1284 = arith.constant 0 : i32
      %dma_start3A_1285 = tpu.memref_slice %arg10[%run_scoped3A_128, %dma_start3A_1283, %dma_start3A_1284] : memref<16x8x16xf32, #tpu.memory_space<vmem>> -> memref<1x8x16xf32, #tpu.memory_space<vmem>>
      %dma_start3A_1286 = tpu.memref_squeeze %dma_start3A_1285 : memref<1x8x16xf32, #tpu.memory_space<vmem>> -> memref<8x16xf32, #tpu.memory_space<vmem>>
      %dma_start3A_1287 = arith.constant 0 : i32
      %dma_start3A_1288 = tpu.memref_slice %arg12[%add3A_127, %dma_start3A_1287] : memref<2304x16xf32, #tpu.memory_space<vmem_shared>> -> memref<8x16xf32, #tpu.memory_space<vmem_shared>>
      tpu.enqueue_dma source(%dma_start3A_1288 : memref<8x16xf32, #tpu.memory_space<vmem_shared>>) target(%dma_start3A_1286 : memref<8x16xf32, #tpu.memory_space<vmem>>) target_semaphore(%run_scoped3A_1277 : memref<!tpu.dma_semaphore, #tpu.memory_space<semaphore_mem>>)
      %dma_wait3A_1289 = arith.constant 0 : i32
      %dma_wait3A_1290 = arith.constant 0 : i32
      %dma_wait3A_1291 = tpu.memref_slice %arg10[%run_scoped3A_128, %dma_wait3A_1289, %dma_wait3A_1290] : memref<16x8x16xf32, #tpu.memory_space<vmem>> -> memref<1x8x16xf32, #tpu.memory_space<vmem>>
      %dma_wait3A_1292 = tpu.memref_squeeze %dma_wait3A_1291 : memref<1x8x16xf32, #tpu.memory_space<vmem>> -> memref<8x16xf32, #tpu.memory_space<vmem>>
      %dma_wait3A_1293 = arith.constant 0 : i32
      %dma_wait3A_1294 = tpu.memref_slice %arg12[%add3A_127, %dma_wait3A_1293] : memref<2304x16xf32, #tpu.memory_space<vmem_shared>> -> memref<8x16xf32, #tpu.memory_space<vmem_shared>>
      %dma_wait3A_1295 = arith.constant 0 : i32
      %dma_wait3A_1296 = arith.constant 0 : i32
      %dma_wait3A_1297 = tpu.memref_slice %arg10[%run_scoped3A_128, %dma_wait3A_1295, %dma_wait3A_1296] : memref<16x8x16xf32, #tpu.memory_space<vmem>> -> memref<1x8x16xf32, #tpu.memory_space<vmem>>
      %dma_wait3A_1298 = tpu.memref_squeeze %dma_wait3A_1297 : memref<1x8x16xf32, #tpu.memory_space<vmem>> -> memref<8x16xf32, #tpu.memory_space<vmem>>
      %dma_wait3A_1299 = arith.constant 0 : i32
      %dma_wait3A_1300 = tpu.memref_slice %arg12[%add3A_127, %dma_wait3A_1299] : memref<2304x16xf32, #tpu.memory_space<vmem_shared>> -> memref<8x16xf32, #tpu.memory_space<vmem_shared>>
      tpu.wait_dma2 semaphore(%run_scoped3A_1277 : memref<!tpu.dma_semaphore, #tpu.memory_space<semaphore_mem>>) src(%dma_wait3A_1300 : memref<8x16xf32, #tpu.memory_space<vmem_shared>>) dst(%dma_wait3A_1298 : memref<8x16xf32, #tpu.memory_space<vmem>>)
      tpu.yield
    }) : () -> ()
    %add3A_129 = arith.constant 864 : i32
    %add3A_130 = arith.addi %add3A_129, %mul3A_0 : i32
    %run_scoped3A_131 = arith.constant 6 : i32
    "tpu.region"() ({
      %run_scoped3A_1277 = tpu.sem_alloc : memref<!tpu.dma_semaphore, #tpu.memory_space<semaphore_mem>>
      %dma_start3A = arith.constant 0 : i32
      %dma_start3A_1278 = arith.constant 0 : i32
      %dma_start3A_1279 = tpu.memref_slice %arg10[%run_scoped3A_131, %dma_start3A, %dma_start3A_1278] : memref<16x8x16xf32, #tpu.memory_space<vmem>> -> memref<1x8x16xf32, #tpu.memory_space<vmem>>
      %dma_start3A_1280 = tpu.memref_squeeze %dma_start3A_1279 : memref<1x8x16xf32, #tpu.memory_space<vmem>> -> memref<8x16xf32, #tpu.memory_space<vmem>>
      %dma_start3A_1281 = arith.constant 0 : i32
      %dma_start3A_1282 = tpu.memref_slice %arg12[%add3A_130, %dma_start3A_1281] : memref<2304x16xf32, #tpu.memory_space<vmem_shared>> -> memref<8x16xf32, #tpu.memory_space<vmem_shared>>
      %dma_start3A_1283 = arith.constant 0 : i32
      %dma_start3A_1284 = arith.constant 0 : i32
      %dma_start3A_1285 = tpu.memref_slice %arg10[%run_scoped3A_131, %dma_start3A_1283, %dma_start3A_1284] : memref<16x8x16xf32, #tpu.memory_space<vmem>> -> memref<1x8x16xf32, #tpu.memory_space<vmem>>
      %dma_start3A_1286 = tpu.memref_squeeze %dma_start3A_1285 : memref<1x8x16xf32, #tpu.memory_space<vmem>> -> memref<8x16xf32, #tpu.memory_space<vmem>>
      %dma_start3A_1287 = arith.constant 0 : i32
      %dma_start3A_1288 = tpu.memref_slice %arg12[%add3A_130, %dma_start3A_1287] : memref<2304x16xf32, #tpu.memory_space<vmem_shared>> -> memref<8x16xf32, #tpu.memory_space<vmem_shared>>
      tpu.enqueue_dma source(%dma_start3A_1288 : memref<8x16xf32, #tpu.memory_space<vmem_shared>>) target(%dma_start3A_1286 : memref<8x16xf32, #tpu.memory_space<vmem>>) target_semaphore(%run_scoped3A_1277 : memref<!tpu.dma_semaphore, #tpu.memory_space<semaphore_mem>>)
      %dma_wait3A_1289 = arith.constant 0 : i32
      %dma_wait3A_1290 = arith.constant 0 : i32
      %dma_wait3A_1291 = tpu.memref_slice %arg10[%run_scoped3A_131, %dma_wait3A_1289, %dma_wait3A_1290] : memref<16x8x16xf32, #tpu.memory_space<vmem>> -> memref<1x8x16xf32, #tpu.memory_space<vmem>>
      %dma_wait3A_1292 = tpu.memref_squeeze %dma_wait3A_1291 : memref<1x8x16xf32, #tpu.memory_space<vmem>> -> memref<8x16xf32, #tpu.memory_space<vmem>>
      %dma_wait3A_1293 = arith.constant 0 : i32
      %dma_wait3A_1294 = tpu.memref_slice %arg12[%add3A_130, %dma_wait3A_1293] : memref<2304x16xf32, #tpu.memory_space<vmem_shared>> -> memref<8x16xf32, #tpu.memory_space<vmem_shared>>
      %dma_wait3A_1295 = arith.constant 0 : i32
      %dma_wait3A_1296 = arith.constant 0 : i32
      %dma_wait3A_1297 = tpu.memref_slice %arg10[%run_scoped3A_131, %dma_wait3A_1295, %dma_wait3A_1296] : memref<16x8x16xf32, #tpu.memory_space<vmem>> -> memref<1x8x16xf32, #tpu.memory_space<vmem>>
      %dma_wait3A_1298 = tpu.memref_squeeze %dma_wait3A_1297 : memref<1x8x16xf32, #tpu.memory_space<vmem>> -> memref<8x16xf32, #tpu.memory_space<vmem>>
      %dma_wait3A_1299 = arith.constant 0 : i32
      %dma_wait3A_1300 = tpu.memref_slice %arg12[%add3A_130, %dma_wait3A_1299] : memref<2304x16xf32, #tpu.memory_space<vmem_shared>> -> memref<8x16xf32, #tpu.memory_space<vmem_shared>>
      tpu.wait_dma2 semaphore(%run_scoped3A_1277 : memref<!tpu.dma_semaphore, #tpu.memory_space<semaphore_mem>>) src(%dma_wait3A_1300 : memref<8x16xf32, #tpu.memory_space<vmem_shared>>) dst(%dma_wait3A_1298 : memref<8x16xf32, #tpu.memory_space<vmem>>)
      tpu.yield
    }) : () -> ()
    %add3A_132 = arith.constant 1008 : i32
    %add3A_133 = arith.addi %add3A_132, %mul3A_0 : i32
    %run_scoped3A_134 = arith.constant 7 : i32
    "tpu.region"() ({
      %run_scoped3A_1277 = tpu.sem_alloc : memref<!tpu.dma_semaphore, #tpu.memory_space<semaphore_mem>>
      %dma_start3A = arith.constant 0 : i32
      %dma_start3A_1278 = arith.constant 0 : i32
      %dma_start3A_1279 = tpu.memref_slice %arg10[%run_scoped3A_134, %dma_start3A, %dma_start3A_1278] : memref<16x8x16xf32, #tpu.memory_space<vmem>> -> memref<1x8x16xf32, #tpu.memory_space<vmem>>
      %dma_start3A_1280 = tpu.memref_squeeze %dma_start3A_1279 : memref<1x8x16xf32, #tpu.memory_space<vmem>> -> memref<8x16xf32, #tpu.memory_space<vmem>>
      %dma_start3A_1281 = arith.constant 0 : i32
      %dma_start3A_1282 = tpu.memref_slice %arg12[%add3A_133, %dma_start3A_1281] : memref<2304x16xf32, #tpu.memory_space<vmem_shared>> -> memref<8x16xf32, #tpu.memory_space<vmem_shared>>
      %dma_start3A_1283 = arith.constant 0 : i32
      %dma_start3A_1284 = arith.constant 0 : i32
      %dma_start3A_1285 = tpu.memref_slice %arg10[%run_scoped3A_134, %dma_start3A_1283, %dma_start3A_1284] : memref<16x8x16xf32, #tpu.memory_space<vmem>> -> memref<1x8x16xf32, #tpu.memory_space<vmem>>
      %dma_start3A_1286 = tpu.memref_squeeze %dma_start3A_1285 : memref<1x8x16xf32, #tpu.memory_space<vmem>> -> memref<8x16xf32, #tpu.memory_space<vmem>>
      %dma_start3A_1287 = arith.constant 0 : i32
      %dma_start3A_1288 = tpu.memref_slice %arg12[%add3A_133, %dma_start3A_1287] : memref<2304x16xf32, #tpu.memory_space<vmem_shared>> -> memref<8x16xf32, #tpu.memory_space<vmem_shared>>
      tpu.enqueue_dma source(%dma_start3A_1288 : memref<8x16xf32, #tpu.memory_space<vmem_shared>>) target(%dma_start3A_1286 : memref<8x16xf32, #tpu.memory_space<vmem>>) target_semaphore(%run_scoped3A_1277 : memref<!tpu.dma_semaphore, #tpu.memory_space<semaphore_mem>>)
      %dma_wait3A_1289 = arith.constant 0 : i32
      %dma_wait3A_1290 = arith.constant 0 : i32
      %dma_wait3A_1291 = tpu.memref_slice %arg10[%run_scoped3A_134, %dma_wait3A_1289, %dma_wait3A_1290] : memref<16x8x16xf32, #tpu.memory_space<vmem>> -> memref<1x8x16xf32, #tpu.memory_space<vmem>>
      %dma_wait3A_1292 = tpu.memref_squeeze %dma_wait3A_1291 : memref<1x8x16xf32, #tpu.memory_space<vmem>> -> memref<8x16xf32, #tpu.memory_space<vmem>>
      %dma_wait3A_1293 = arith.constant 0 : i32
      %dma_wait3A_1294 = tpu.memref_slice %arg12[%add3A_133, %dma_wait3A_1293] : memref<2304x16xf32, #tpu.memory_space<vmem_shared>> -> memref<8x16xf32, #tpu.memory_space<vmem_shared>>
      %dma_wait3A_1295 = arith.constant 0 : i32
      %dma_wait3A_1296 = arith.constant 0 : i32
      %dma_wait3A_1297 = tpu.memref_slice %arg10[%run_scoped3A_134, %dma_wait3A_1295, %dma_wait3A_1296] : memref<16x8x16xf32, #tpu.memory_space<vmem>> -> memref<1x8x16xf32, #tpu.memory_space<vmem>>
      %dma_wait3A_1298 = tpu.memref_squeeze %dma_wait3A_1297 : memref<1x8x16xf32, #tpu.memory_space<vmem>> -> memref<8x16xf32, #tpu.memory_space<vmem>>
      %dma_wait3A_1299 = arith.constant 0 : i32
      %dma_wait3A_1300 = tpu.memref_slice %arg12[%add3A_133, %dma_wait3A_1299] : memref<2304x16xf32, #tpu.memory_space<vmem_shared>> -> memref<8x16xf32, #tpu.memory_space<vmem_shared>>
      tpu.wait_dma2 semaphore(%run_scoped3A_1277 : memref<!tpu.dma_semaphore, #tpu.memory_space<semaphore_mem>>) src(%dma_wait3A_1300 : memref<8x16xf32, #tpu.memory_space<vmem_shared>>) dst(%dma_wait3A_1298 : memref<8x16xf32, #tpu.memory_space<vmem>>)
      tpu.yield
    }) : () -> ()
    %add3A_135 = arith.constant 1152 : i32
    %add3A_136 = arith.addi %add3A_135, %mul3A_0 : i32
    %run_scoped3A_137 = arith.constant 8 : i32
    "tpu.region"() ({
      %run_scoped3A_1277 = tpu.sem_alloc : memref<!tpu.dma_semaphore, #tpu.memory_space<semaphore_mem>>
      %dma_start3A = arith.constant 0 : i32
      %dma_start3A_1278 = arith.constant 0 : i32
      %dma_start3A_1279 = tpu.memref_slice %arg10[%run_scoped3A_137, %dma_start3A, %dma_start3A_1278] : memref<16x8x16xf32, #tpu.memory_space<vmem>> -> memref<1x8x16xf32, #tpu.memory_space<vmem>>
      %dma_start3A_1280 = tpu.memref_squeeze %dma_start3A_1279 : memref<1x8x16xf32, #tpu.memory_space<vmem>> -> memref<8x16xf32, #tpu.memory_space<vmem>>
      %dma_start3A_1281 = arith.constant 0 : i32
      %dma_start3A_1282 = tpu.memref_slice %arg12[%add3A_136, %dma_start3A_1281] : memref<2304x16xf32, #tpu.memory_space<vmem_shared>> -> memref<8x16xf32, #tpu.memory_space<vmem_shared>>
      %dma_start3A_1283 = arith.constant 0 : i32
      %dma_start3A_1284 = arith.constant 0 : i32
      %dma_start3A_1285 = tpu.memref_slice %arg10[%run_scoped3A_137, %dma_start3A_1283, %dma_start3A_1284] : memref<16x8x16xf32, #tpu.memory_space<vmem>> -> memref<1x8x16xf32, #tpu.memory_space<vmem>>
      %dma_start3A_1286 = tpu.memref_squeeze %dma_start3A_1285 : memref<1x8x16xf32, #tpu.memory_space<vmem>> -> memref<8x16xf32, #tpu.memory_space<vmem>>
      %dma_start3A_1287 = arith.constant 0 : i32
      %dma_start3A_1288 = tpu.memref_slice %arg12[%add3A_136, %dma_start3A_1287] : memref<2304x16xf32, #tpu.memory_space<vmem_shared>> -> memref<8x16xf32, #tpu.memory_space<vmem_shared>>
      tpu.enqueue_dma source(%dma_start3A_1288 : memref<8x16xf32, #tpu.memory_space<vmem_shared>>) target(%dma_start3A_1286 : memref<8x16xf32, #tpu.memory_space<vmem>>) target_semaphore(%run_scoped3A_1277 : memref<!tpu.dma_semaphore, #tpu.memory_space<semaphore_mem>>)
      %dma_wait3A_1289 = arith.constant 0 : i32
      %dma_wait3A_1290 = arith.constant 0 : i32
      %dma_wait3A_1291 = tpu.memref_slice %arg10[%run_scoped3A_137, %dma_wait3A_1289, %dma_wait3A_1290] : memref<16x8x16xf32, #tpu.memory_space<vmem>> -> memref<1x8x16xf32, #tpu.memory_space<vmem>>
      %dma_wait3A_1292 = tpu.memref_squeeze %dma_wait3A_1291 : memref<1x8x16xf32, #tpu.memory_space<vmem>> -> memref<8x16xf32, #tpu.memory_space<vmem>>
      %dma_wait3A_1293 = arith.constant 0 : i32
      %dma_wait3A_1294 = tpu.memref_slice %arg12[%add3A_136, %dma_wait3A_1293] : memref<2304x16xf32, #tpu.memory_space<vmem_shared>> -> memref<8x16xf32, #tpu.memory_space<vmem_shared>>
      %dma_wait3A_1295 = arith.constant 0 : i32
      %dma_wait3A_1296 = arith.constant 0 : i32
      %dma_wait3A_1297 = tpu.memref_slice %arg10[%run_scoped3A_137, %dma_wait3A_1295, %dma_wait3A_1296] : memref<16x8x16xf32, #tpu.memory_space<vmem>> -> memref<1x8x16xf32, #tpu.memory_space<vmem>>
      %dma_wait3A_1298 = tpu.memref_squeeze %dma_wait3A_1297 : memref<1x8x16xf32, #tpu.memory_space<vmem>> -> memref<8x16xf32, #tpu.memory_space<vmem>>
      %dma_wait3A_1299 = arith.constant 0 : i32
      %dma_wait3A_1300 = tpu.memref_slice %arg12[%add3A_136, %dma_wait3A_1299] : memref<2304x16xf32, #tpu.memory_space<vmem_shared>> -> memref<8x16xf32, #tpu.memory_space<vmem_shared>>
      tpu.wait_dma2 semaphore(%run_scoped3A_1277 : memref<!tpu.dma_semaphore, #tpu.memory_space<semaphore_mem>>) src(%dma_wait3A_1300 : memref<8x16xf32, #tpu.memory_space<vmem_shared>>) dst(%dma_wait3A_1298 : memref<8x16xf32, #tpu.memory_space<vmem>>)
      tpu.yield
    }) : () -> ()
    %add3A_138 = arith.constant 1296 : i32
    %add3A_139 = arith.addi %add3A_138, %mul3A_0 : i32
    %run_scoped3A_140 = arith.constant 9 : i32
    "tpu.region"() ({
      %run_scoped3A_1277 = tpu.sem_alloc : memref<!tpu.dma_semaphore, #tpu.memory_space<semaphore_mem>>
      %dma_start3A = arith.constant 0 : i32
      %dma_start3A_1278 = arith.constant 0 : i32
      %dma_start3A_1279 = tpu.memref_slice %arg10[%run_scoped3A_140, %dma_start3A, %dma_start3A_1278] : memref<16x8x16xf32, #tpu.memory_space<vmem>> -> memref<1x8x16xf32, #tpu.memory_space<vmem>>
      %dma_start3A_1280 = tpu.memref_squeeze %dma_start3A_1279 : memref<1x8x16xf32, #tpu.memory_space<vmem>> -> memref<8x16xf32, #tpu.memory_space<vmem>>
      %dma_start3A_1281 = arith.constant 0 : i32
      %dma_start3A_1282 = tpu.memref_slice %arg12[%add3A_139, %dma_start3A_1281] : memref<2304x16xf32, #tpu.memory_space<vmem_shared>> -> memref<8x16xf32, #tpu.memory_space<vmem_shared>>
      %dma_start3A_1283 = arith.constant 0 : i32
      %dma_start3A_1284 = arith.constant 0 : i32
      %dma_start3A_1285 = tpu.memref_slice %arg10[%run_scoped3A_140, %dma_start3A_1283, %dma_start3A_1284] : memref<16x8x16xf32, #tpu.memory_space<vmem>> -> memref<1x8x16xf32, #tpu.memory_space<vmem>>
      %dma_start3A_1286 = tpu.memref_squeeze %dma_start3A_1285 : memref<1x8x16xf32, #tpu.memory_space<vmem>> -> memref<8x16xf32, #tpu.memory_space<vmem>>
      %dma_start3A_1287 = arith.constant 0 : i32
      %dma_start3A_1288 = tpu.memref_slice %arg12[%add3A_139, %dma_start3A_1287] : memref<2304x16xf32, #tpu.memory_space<vmem_shared>> -> memref<8x16xf32, #tpu.memory_space<vmem_shared>>
      tpu.enqueue_dma source(%dma_start3A_1288 : memref<8x16xf32, #tpu.memory_space<vmem_shared>>) target(%dma_start3A_1286 : memref<8x16xf32, #tpu.memory_space<vmem>>) target_semaphore(%run_scoped3A_1277 : memref<!tpu.dma_semaphore, #tpu.memory_space<semaphore_mem>>)
      %dma_wait3A_1289 = arith.constant 0 : i32
      %dma_wait3A_1290 = arith.constant 0 : i32
      %dma_wait3A_1291 = tpu.memref_slice %arg10[%run_scoped3A_140, %dma_wait3A_1289, %dma_wait3A_1290] : memref<16x8x16xf32, #tpu.memory_space<vmem>> -> memref<1x8x16xf32, #tpu.memory_space<vmem>>
      %dma_wait3A_1292 = tpu.memref_squeeze %dma_wait3A_1291 : memref<1x8x16xf32, #tpu.memory_space<vmem>> -> memref<8x16xf32, #tpu.memory_space<vmem>>
      %dma_wait3A_1293 = arith.constant 0 : i32
      %dma_wait3A_1294 = tpu.memref_slice %arg12[%add3A_139, %dma_wait3A_1293] : memref<2304x16xf32, #tpu.memory_space<vmem_shared>> -> memref<8x16xf32, #tpu.memory_space<vmem_shared>>
      %dma_wait3A_1295 = arith.constant 0 : i32
      %dma_wait3A_1296 = arith.constant 0 : i32
      %dma_wait3A_1297 = tpu.memref_slice %arg10[%run_scoped3A_140, %dma_wait3A_1295, %dma_wait3A_1296] : memref<16x8x16xf32, #tpu.memory_space<vmem>> -> memref<1x8x16xf32, #tpu.memory_space<vmem>>
      %dma_wait3A_1298 = tpu.memref_squeeze %dma_wait3A_1297 : memref<1x8x16xf32, #tpu.memory_space<vmem>> -> memref<8x16xf32, #tpu.memory_space<vmem>>
      %dma_wait3A_1299 = arith.constant 0 : i32
      %dma_wait3A_1300 = tpu.memref_slice %arg12[%add3A_139, %dma_wait3A_1299] : memref<2304x16xf32, #tpu.memory_space<vmem_shared>> -> memref<8x16xf32, #tpu.memory_space<vmem_shared>>
      tpu.wait_dma2 semaphore(%run_scoped3A_1277 : memref<!tpu.dma_semaphore, #tpu.memory_space<semaphore_mem>>) src(%dma_wait3A_1300 : memref<8x16xf32, #tpu.memory_space<vmem_shared>>) dst(%dma_wait3A_1298 : memref<8x16xf32, #tpu.memory_space<vmem>>)
      tpu.yield
    }) : () -> ()
    %add3A_141 = arith.constant 1440 : i32
    %add3A_142 = arith.addi %add3A_141, %mul3A_0 : i32
    %run_scoped3A_143 = arith.constant 10 : i32
    "tpu.region"() ({
      %run_scoped3A_1277 = tpu.sem_alloc : memref<!tpu.dma_semaphore, #tpu.memory_space<semaphore_mem>>
      %dma_start3A = arith.constant 0 : i32
      %dma_start3A_1278 = arith.constant 0 : i32
      %dma_start3A_1279 = tpu.memref_slice %arg10[%run_scoped3A_143, %dma_start3A, %dma_start3A_1278] : memref<16x8x16xf32, #tpu.memory_space<vmem>> -> memref<1x8x16xf32, #tpu.memory_space<vmem>>
      %dma_start3A_1280 = tpu.memref_squeeze %dma_start3A_1279 : memref<1x8x16xf32, #tpu.memory_space<vmem>> -> memref<8x16xf32, #tpu.memory_space<vmem>>
      %dma_start3A_1281 = arith.constant 0 : i32
      %dma_start3A_1282 = tpu.memref_slice %arg12[%add3A_142, %dma_start3A_1281] : memref<2304x16xf32, #tpu.memory_space<vmem_shared>> -> memref<8x16xf32, #tpu.memory_space<vmem_shared>>
      %dma_start3A_1283 = arith.constant 0 : i32
      %dma_start3A_1284 = arith.constant 0 : i32
      %dma_start3A_1285 = tpu.memref_slice %arg10[%run_scoped3A_143, %dma_start3A_1283, %dma_start3A_1284] : memref<16x8x16xf32, #tpu.memory_space<vmem>> -> memref<1x8x16xf32, #tpu.memory_space<vmem>>
      %dma_start3A_1286 = tpu.memref_squeeze %dma_start3A_1285 : memref<1x8x16xf32, #tpu.memory_space<vmem>> -> memref<8x16xf32, #tpu.memory_space<vmem>>
      %dma_start3A_1287 = arith.constant 0 : i32
      %dma_start3A_1288 = tpu.memref_slice %arg12[%add3A_142, %dma_start3A_1287] : memref<2304x16xf32, #tpu.memory_space<vmem_shared>> -> memref<8x16xf32, #tpu.memory_space<vmem_shared>>
      tpu.enqueue_dma source(%dma_start3A_1288 : memref<8x16xf32, #tpu.memory_space<vmem_shared>>) target(%dma_start3A_1286 : memref<8x16xf32, #tpu.memory_space<vmem>>) target_semaphore(%run_scoped3A_1277 : memref<!tpu.dma_semaphore, #tpu.memory_space<semaphore_mem>>)
      %dma_wait3A_1289 = arith.constant 0 : i32
      %dma_wait3A_1290 = arith.constant 0 : i32
      %dma_wait3A_1291 = tpu.memref_slice %arg10[%run_scoped3A_143, %dma_wait3A_1289, %dma_wait3A_1290] : memref<16x8x16xf32, #tpu.memory_space<vmem>> -> memref<1x8x16xf32, #tpu.memory_space<vmem>>
      %dma_wait3A_1292 = tpu.memref_squeeze %dma_wait3A_1291 : memref<1x8x16xf32, #tpu.memory_space<vmem>> -> memref<8x16xf32, #tpu.memory_space<vmem>>
      %dma_wait3A_1293 = arith.constant 0 : i32
      %dma_wait3A_1294 = tpu.memref_slice %arg12[%add3A_142, %dma_wait3A_1293] : memref<2304x16xf32, #tpu.memory_space<vmem_shared>> -> memref<8x16xf32, #tpu.memory_space<vmem_shared>>
      %dma_wait3A_1295 = arith.constant 0 : i32
      %dma_wait3A_1296 = arith.constant 0 : i32
      %dma_wait3A_1297 = tpu.memref_slice %arg10[%run_scoped3A_143, %dma_wait3A_1295, %dma_wait3A_1296] : memref<16x8x16xf32, #tpu.memory_space<vmem>> -> memref<1x8x16xf32, #tpu.memory_space<vmem>>
      %dma_wait3A_1298 = tpu.memref_squeeze %dma_wait3A_1297 : memref<1x8x16xf32, #tpu.memory_space<vmem>> -> memref<8x16xf32, #tpu.memory_space<vmem>>
      %dma_wait3A_1299 = arith.constant 0 : i32
      %dma_wait3A_1300 = tpu.memref_slice %arg12[%add3A_142, %dma_wait3A_1299] : memref<2304x16xf32, #tpu.memory_space<vmem_shared>> -> memref<8x16xf32, #tpu.memory_space<vmem_shared>>
      tpu.wait_dma2 semaphore(%run_scoped3A_1277 : memref<!tpu.dma_semaphore, #tpu.memory_space<semaphore_mem>>) src(%dma_wait3A_1300 : memref<8x16xf32, #tpu.memory_space<vmem_shared>>) dst(%dma_wait3A_1298 : memref<8x16xf32, #tpu.memory_space<vmem>>)
      tpu.yield
    }) : () -> ()
    %add3A_144 = arith.constant 1584 : i32
    %add3A_145 = arith.addi %add3A_144, %mul3A_0 : i32
    %run_scoped3A_146 = arith.constant 11 : i32
    "tpu.region"() ({
      %run_scoped3A_1277 = tpu.sem_alloc : memref<!tpu.dma_semaphore, #tpu.memory_space<semaphore_mem>>
      %dma_start3A = arith.constant 0 : i32
      %dma_start3A_1278 = arith.constant 0 : i32
      %dma_start3A_1279 = tpu.memref_slice %arg10[%run_scoped3A_146, %dma_start3A, %dma_start3A_1278] : memref<16x8x16xf32, #tpu.memory_space<vmem>> -> memref<1x8x16xf32, #tpu.memory_space<vmem>>
      %dma_start3A_1280 = tpu.memref_squeeze %dma_start3A_1279 : memref<1x8x16xf32, #tpu.memory_space<vmem>> -> memref<8x16xf32, #tpu.memory_space<vmem>>
      %dma_start3A_1281 = arith.constant 0 : i32
      %dma_start3A_1282 = tpu.memref_slice %arg12[%add3A_145, %dma_start3A_1281] : memref<2304x16xf32, #tpu.memory_space<vmem_shared>> -> memref<8x16xf32, #tpu.memory_space<vmem_shared>>
      %dma_start3A_1283 = arith.constant 0 : i32
      %dma_start3A_1284 = arith.constant 0 : i32
      %dma_start3A_1285 = tpu.memref_slice %arg10[%run_scoped3A_146, %dma_start3A_1283, %dma_start3A_1284] : memref<16x8x16xf32, #tpu.memory_space<vmem>> -> memref<1x8x16xf32, #tpu.memory_space<vmem>>
      %dma_start3A_1286 = tpu.memref_squeeze %dma_start3A_1285 : memref<1x8x16xf32, #tpu.memory_space<vmem>> -> memref<8x16xf32, #tpu.memory_space<vmem>>
      %dma_start3A_1287 = arith.constant 0 : i32
      %dma_start3A_1288 = tpu.memref_slice %arg12[%add3A_145, %dma_start3A_1287] : memref<2304x16xf32, #tpu.memory_space<vmem_shared>> -> memref<8x16xf32, #tpu.memory_space<vmem_shared>>
      tpu.enqueue_dma source(%dma_start3A_1288 : memref<8x16xf32, #tpu.memory_space<vmem_shared>>) target(%dma_start3A_1286 : memref<8x16xf32, #tpu.memory_space<vmem>>) target_semaphore(%run_scoped3A_1277 : memref<!tpu.dma_semaphore, #tpu.memory_space<semaphore_mem>>)
      %dma_wait3A_1289 = arith.constant 0 : i32
      %dma_wait3A_1290 = arith.constant 0 : i32
      %dma_wait3A_1291 = tpu.memref_slice %arg10[%run_scoped3A_146, %dma_wait3A_1289, %dma_wait3A_1290] : memref<16x8x16xf32, #tpu.memory_space<vmem>> -> memref<1x8x16xf32, #tpu.memory_space<vmem>>
      %dma_wait3A_1292 = tpu.memref_squeeze %dma_wait3A_1291 : memref<1x8x16xf32, #tpu.memory_space<vmem>> -> memref<8x16xf32, #tpu.memory_space<vmem>>
      %dma_wait3A_1293 = arith.constant 0 : i32
      %dma_wait3A_1294 = tpu.memref_slice %arg12[%add3A_145, %dma_wait3A_1293] : memref<2304x16xf32, #tpu.memory_space<vmem_shared>> -> memref<8x16xf32, #tpu.memory_space<vmem_shared>>
      %dma_wait3A_1295 = arith.constant 0 : i32
      %dma_wait3A_1296 = arith.constant 0 : i32
      %dma_wait3A_1297 = tpu.memref_slice %arg10[%run_scoped3A_146, %dma_wait3A_1295, %dma_wait3A_1296] : memref<16x8x16xf32, #tpu.memory_space<vmem>> -> memref<1x8x16xf32, #tpu.memory_space<vmem>>
      %dma_wait3A_1298 = tpu.memref_squeeze %dma_wait3A_1297 : memref<1x8x16xf32, #tpu.memory_space<vmem>> -> memref<8x16xf32, #tpu.memory_space<vmem>>
      %dma_wait3A_1299 = arith.constant 0 : i32
      %dma_wait3A_1300 = tpu.memref_slice %arg12[%add3A_145, %dma_wait3A_1299] : memref<2304x16xf32, #tpu.memory_space<vmem_shared>> -> memref<8x16xf32, #tpu.memory_space<vmem_shared>>
      tpu.wait_dma2 semaphore(%run_scoped3A_1277 : memref<!tpu.dma_semaphore, #tpu.memory_space<semaphore_mem>>) src(%dma_wait3A_1300 : memref<8x16xf32, #tpu.memory_space<vmem_shared>>) dst(%dma_wait3A_1298 : memref<8x16xf32, #tpu.memory_space<vmem>>)
      tpu.yield
    }) : () -> ()
    %add3A_147 = arith.constant 1728 : i32
    %add3A_148 = arith.addi %add3A_147, %mul3A_0 : i32
    %run_scoped3A_149 = arith.constant 12 : i32
    "tpu.region"() ({
      %run_scoped3A_1277 = tpu.sem_alloc : memref<!tpu.dma_semaphore, #tpu.memory_space<semaphore_mem>>
      %dma_start3A = arith.constant 0 : i32
      %dma_start3A_1278 = arith.constant 0 : i32
      %dma_start3A_1279 = tpu.memref_slice %arg10[%run_scoped3A_149, %dma_start3A, %dma_start3A_1278] : memref<16x8x16xf32, #tpu.memory_space<vmem>> -> memref<1x8x16xf32, #tpu.memory_space<vmem>>
      %dma_start3A_1280 = tpu.memref_squeeze %dma_start3A_1279 : memref<1x8x16xf32, #tpu.memory_space<vmem>> -> memref<8x16xf32, #tpu.memory_space<vmem>>
      %dma_start3A_1281 = arith.constant 0 : i32
      %dma_start3A_1282 = tpu.memref_slice %arg12[%add3A_148, %dma_start3A_1281] : memref<2304x16xf32, #tpu.memory_space<vmem_shared>> -> memref<8x16xf32, #tpu.memory_space<vmem_shared>>
      %dma_start3A_1283 = arith.constant 0 : i32
      %dma_start3A_1284 = arith.constant 0 : i32
      %dma_start3A_1285 = tpu.memref_slice %arg10[%run_scoped3A_149, %dma_start3A_1283, %dma_start3A_1284] : memref<16x8x16xf32, #tpu.memory_space<vmem>> -> memref<1x8x16xf32, #tpu.memory_space<vmem>>
      %dma_start3A_1286 = tpu.memref_squeeze %dma_start3A_1285 : memref<1x8x16xf32, #tpu.memory_space<vmem>> -> memref<8x16xf32, #tpu.memory_space<vmem>>
      %dma_start3A_1287 = arith.constant 0 : i32
      %dma_start3A_1288 = tpu.memref_slice %arg12[%add3A_148, %dma_start3A_1287] : memref<2304x16xf32, #tpu.memory_space<vmem_shared>> -> memref<8x16xf32, #tpu.memory_space<vmem_shared>>
      tpu.enqueue_dma source(%dma_start3A_1288 : memref<8x16xf32, #tpu.memory_space<vmem_shared>>) target(%dma_start3A_1286 : memref<8x16xf32, #tpu.memory_space<vmem>>) target_semaphore(%run_scoped3A_1277 : memref<!tpu.dma_semaphore, #tpu.memory_space<semaphore_mem>>)
      %dma_wait3A_1289 = arith.constant 0 : i32
      %dma_wait3A_1290 = arith.constant 0 : i32
      %dma_wait3A_1291 = tpu.memref_slice %arg10[%run_scoped3A_149, %dma_wait3A_1289, %dma_wait3A_1290] : memref<16x8x16xf32, #tpu.memory_space<vmem>> -> memref<1x8x16xf32, #tpu.memory_space<vmem>>
      %dma_wait3A_1292 = tpu.memref_squeeze %dma_wait3A_1291 : memref<1x8x16xf32, #tpu.memory_space<vmem>> -> memref<8x16xf32, #tpu.memory_space<vmem>>
      %dma_wait3A_1293 = arith.constant 0 : i32
      %dma_wait3A_1294 = tpu.memref_slice %arg12[%add3A_148, %dma_wait3A_1293] : memref<2304x16xf32, #tpu.memory_space<vmem_shared>> -> memref<8x16xf32, #tpu.memory_space<vmem_shared>>
      %dma_wait3A_1295 = arith.constant 0 : i32
      %dma_wait3A_1296 = arith.constant 0 : i32
      %dma_wait3A_1297 = tpu.memref_slice %arg10[%run_scoped3A_149, %dma_wait3A_1295, %dma_wait3A_1296] : memref<16x8x16xf32, #tpu.memory_space<vmem>> -> memref<1x8x16xf32, #tpu.memory_space<vmem>>
      %dma_wait3A_1298 = tpu.memref_squeeze %dma_wait3A_1297 : memref<1x8x16xf32, #tpu.memory_space<vmem>> -> memref<8x16xf32, #tpu.memory_space<vmem>>
      %dma_wait3A_1299 = arith.constant 0 : i32
      %dma_wait3A_1300 = tpu.memref_slice %arg12[%add3A_148, %dma_wait3A_1299] : memref<2304x16xf32, #tpu.memory_space<vmem_shared>> -> memref<8x16xf32, #tpu.memory_space<vmem_shared>>
      tpu.wait_dma2 semaphore(%run_scoped3A_1277 : memref<!tpu.dma_semaphore, #tpu.memory_space<semaphore_mem>>) src(%dma_wait3A_1300 : memref<8x16xf32, #tpu.memory_space<vmem_shared>>) dst(%dma_wait3A_1298 : memref<8x16xf32, #tpu.memory_space<vmem>>)
      tpu.yield
    }) : () -> ()
    %add3A_150 = arith.constant 1872 : i32
    %add3A_151 = arith.addi %add3A_150, %mul3A_0 : i32
    %run_scoped3A_152 = arith.constant 13 : i32
    "tpu.region"() ({
      %run_scoped3A_1277 = tpu.sem_alloc : memref<!tpu.dma_semaphore, #tpu.memory_space<semaphore_mem>>
      %dma_start3A = arith.constant 0 : i32
      %dma_start3A_1278 = arith.constant 0 : i32
      %dma_start3A_1279 = tpu.memref_slice %arg10[%run_scoped3A_152, %dma_start3A, %dma_start3A_1278] : memref<16x8x16xf32, #tpu.memory_space<vmem>> -> memref<1x8x16xf32, #tpu.memory_space<vmem>>
      %dma_start3A_1280 = tpu.memref_squeeze %dma_start3A_1279 : memref<1x8x16xf32, #tpu.memory_space<vmem>> -> memref<8x16xf32, #tpu.memory_space<vmem>>
      %dma_start3A_1281 = arith.constant 0 : i32
      %dma_start3A_1282 = tpu.memref_slice %arg12[%add3A_151, %dma_start3A_1281] : memref<2304x16xf32, #tpu.memory_space<vmem_shared>> -> memref<8x16xf32, #tpu.memory_space<vmem_shared>>
      %dma_start3A_1283 = arith.constant 0 : i32
      %dma_start3A_1284 = arith.constant 0 : i32
      %dma_start3A_1285 = tpu.memref_slice %arg10[%run_scoped3A_152, %dma_start3A_1283, %dma_start3A_1284] : memref<16x8x16xf32, #tpu.memory_space<vmem>> -> memref<1x8x16xf32, #tpu.memory_space<vmem>>
      %dma_start3A_1286 = tpu.memref_squeeze %dma_start3A_1285 : memref<1x8x16xf32, #tpu.memory_space<vmem>> -> memref<8x16xf32, #tpu.memory_space<vmem>>
      %dma_start3A_1287 = arith.constant 0 : i32
      %dma_start3A_1288 = tpu.memref_slice %arg12[%add3A_151, %dma_start3A_1287] : memref<2304x16xf32, #tpu.memory_space<vmem_shared>> -> memref<8x16xf32, #tpu.memory_space<vmem_shared>>
      tpu.enqueue_dma source(%dma_start3A_1288 : memref<8x16xf32, #tpu.memory_space<vmem_shared>>) target(%dma_start3A_1286 : memref<8x16xf32, #tpu.memory_space<vmem>>) target_semaphore(%run_scoped3A_1277 : memref<!tpu.dma_semaphore, #tpu.memory_space<semaphore_mem>>)
      %dma_wait3A_1289 = arith.constant 0 : i32
      %dma_wait3A_1290 = arith.constant 0 : i32
      %dma_wait3A_1291 = tpu.memref_slice %arg10[%run_scoped3A_152, %dma_wait3A_1289, %dma_wait3A_1290] : memref<16x8x16xf32, #tpu.memory_space<vmem>> -> memref<1x8x16xf32, #tpu.memory_space<vmem>>
      %dma_wait3A_1292 = tpu.memref_squeeze %dma_wait3A_1291 : memref<1x8x16xf32, #tpu.memory_space<vmem>> -> memref<8x16xf32, #tpu.memory_space<vmem>>
      %dma_wait3A_1293 = arith.constant 0 : i32
      %dma_wait3A_1294 = tpu.memref_slice %arg12[%add3A_151, %dma_wait3A_1293] : memref<2304x16xf32, #tpu.memory_space<vmem_shared>> -> memref<8x16xf32, #tpu.memory_space<vmem_shared>>
      %dma_wait3A_1295 = arith.constant 0 : i32
      %dma_wait3A_1296 = arith.constant 0 : i32
      %dma_wait3A_1297 = tpu.memref_slice %arg10[%run_scoped3A_152, %dma_wait3A_1295, %dma_wait3A_1296] : memref<16x8x16xf32, #tpu.memory_space<vmem>> -> memref<1x8x16xf32, #tpu.memory_space<vmem>>
      %dma_wait3A_1298 = tpu.memref_squeeze %dma_wait3A_1297 : memref<1x8x16xf32, #tpu.memory_space<vmem>> -> memref<8x16xf32, #tpu.memory_space<vmem>>
      %dma_wait3A_1299 = arith.constant 0 : i32
      %dma_wait3A_1300 = tpu.memref_slice %arg12[%add3A_151, %dma_wait3A_1299] : memref<2304x16xf32, #tpu.memory_space<vmem_shared>> -> memref<8x16xf32, #tpu.memory_space<vmem_shared>>
      tpu.wait_dma2 semaphore(%run_scoped3A_1277 : memref<!tpu.dma_semaphore, #tpu.memory_space<semaphore_mem>>) src(%dma_wait3A_1300 : memref<8x16xf32, #tpu.memory_space<vmem_shared>>) dst(%dma_wait3A_1298 : memref<8x16xf32, #tpu.memory_space<vmem>>)
      tpu.yield
    }) : () -> ()
    %add3A_153 = arith.constant 2016 : i32
    %add3A_154 = arith.addi %add3A_153, %mul3A_0 : i32
    %run_scoped3A_155 = arith.constant 14 : i32
    "tpu.region"() ({
      %run_scoped3A_1277 = tpu.sem_alloc : memref<!tpu.dma_semaphore, #tpu.memory_space<semaphore_mem>>
      %dma_start3A = arith.constant 0 : i32
      %dma_start3A_1278 = arith.constant 0 : i32
      %dma_start3A_1279 = tpu.memref_slice %arg10[%run_scoped3A_155, %dma_start3A, %dma_start3A_1278] : memref<16x8x16xf32, #tpu.memory_space<vmem>> -> memref<1x8x16xf32, #tpu.memory_space<vmem>>
      %dma_start3A_1280 = tpu.memref_squeeze %dma_start3A_1279 : memref<1x8x16xf32, #tpu.memory_space<vmem>> -> memref<8x16xf32, #tpu.memory_space<vmem>>
      %dma_start3A_1281 = arith.constant 0 : i32
      %dma_start3A_1282 = tpu.memref_slice %arg12[%add3A_154, %dma_start3A_1281] : memref<2304x16xf32, #tpu.memory_space<vmem_shared>> -> memref<8x16xf32, #tpu.memory_space<vmem_shared>>
      %dma_start3A_1283 = arith.constant 0 : i32
      %dma_start3A_1284 = arith.constant 0 : i32
      %dma_start3A_1285 = tpu.memref_slice %arg10[%run_scoped3A_155, %dma_start3A_1283, %dma_start3A_1284] : memref<16x8x16xf32, #tpu.memory_space<vmem>> -> memref<1x8x16xf32, #tpu.memory_space<vmem>>
      %dma_start3A_1286 = tpu.memref_squeeze %dma_start3A_1285 : memref<1x8x16xf32, #tpu.memory_space<vmem>> -> memref<8x16xf32, #tpu.memory_space<vmem>>
      %dma_start3A_1287 = arith.constant 0 : i32
      %dma_start3A_1288 = tpu.memref_slice %arg12[%add3A_154, %dma_start3A_1287] : memref<2304x16xf32, #tpu.memory_space<vmem_shared>> -> memref<8x16xf32, #tpu.memory_space<vmem_shared>>
      tpu.enqueue_dma source(%dma_start3A_1288 : memref<8x16xf32, #tpu.memory_space<vmem_shared>>) target(%dma_start3A_1286 : memref<8x16xf32, #tpu.memory_space<vmem>>) target_semaphore(%run_scoped3A_1277 : memref<!tpu.dma_semaphore, #tpu.memory_space<semaphore_mem>>)
      %dma_wait3A_1289 = arith.constant 0 : i32
      %dma_wait3A_1290 = arith.constant 0 : i32
      %dma_wait3A_1291 = tpu.memref_slice %arg10[%run_scoped3A_155, %dma_wait3A_1289, %dma_wait3A_1290] : memref<16x8x16xf32, #tpu.memory_space<vmem>> -> memref<1x8x16xf32, #tpu.memory_space<vmem>>
      %dma_wait3A_1292 = tpu.memref_squeeze %dma_wait3A_1291 : memref<1x8x16xf32, #tpu.memory_space<vmem>> -> memref<8x16xf32, #tpu.memory_space<vmem>>
      %dma_wait3A_1293 = arith.constant 0 : i32
      %dma_wait3A_1294 = tpu.memref_slice %arg12[%add3A_154, %dma_wait3A_1293] : memref<2304x16xf32, #tpu.memory_space<vmem_shared>> -> memref<8x16xf32, #tpu.memory_space<vmem_shared>>
      %dma_wait3A_1295 = arith.constant 0 : i32
      %dma_wait3A_1296 = arith.constant 0 : i32
      %dma_wait3A_1297 = tpu.memref_slice %arg10[%run_scoped3A_155, %dma_wait3A_1295, %dma_wait3A_1296] : memref<16x8x16xf32, #tpu.memory_space<vmem>> -> memref<1x8x16xf32, #tpu.memory_space<vmem>>
      %dma_wait3A_1298 = tpu.memref_squeeze %dma_wait3A_1297 : memref<1x8x16xf32, #tpu.memory_space<vmem>> -> memref<8x16xf32, #tpu.memory_space<vmem>>
      %dma_wait3A_1299 = arith.constant 0 : i32
      %dma_wait3A_1300 = tpu.memref_slice %arg12[%add3A_154, %dma_wait3A_1299] : memref<2304x16xf32, #tpu.memory_space<vmem_shared>> -> memref<8x16xf32, #tpu.memory_space<vmem_shared>>
      tpu.wait_dma2 semaphore(%run_scoped3A_1277 : memref<!tpu.dma_semaphore, #tpu.memory_space<semaphore_mem>>) src(%dma_wait3A_1300 : memref<8x16xf32, #tpu.memory_space<vmem_shared>>) dst(%dma_wait3A_1298 : memref<8x16xf32, #tpu.memory_space<vmem>>)
      tpu.yield
    }) : () -> ()
    %add3A_156 = arith.constant 2160 : i32
    %add3A_157 = arith.addi %add3A_156, %mul3A_0 : i32
    %run_scoped3A_158 = arith.constant 15 : i32
    "tpu.region"() ({
      %run_scoped3A_1277 = tpu.sem_alloc : memref<!tpu.dma_semaphore, #tpu.memory_space<semaphore_mem>>
      %dma_start3A = arith.constant 0 : i32
      %dma_start3A_1278 = arith.constant 0 : i32
      %dma_start3A_1279 = tpu.memref_slice %arg10[%run_scoped3A_158, %dma_start3A, %dma_start3A_1278] : memref<16x8x16xf32, #tpu.memory_space<vmem>> -> memref<1x8x16xf32, #tpu.memory_space<vmem>>
      %dma_start3A_1280 = tpu.memref_squeeze %dma_start3A_1279 : memref<1x8x16xf32, #tpu.memory_space<vmem>> -> memref<8x16xf32, #tpu.memory_space<vmem>>
      %dma_start3A_1281 = arith.constant 0 : i32
      %dma_start3A_1282 = tpu.memref_slice %arg12[%add3A_157, %dma_start3A_1281] : memref<2304x16xf32, #tpu.memory_space<vmem_shared>> -> memref<8x16xf32, #tpu.memory_space<vmem_shared>>
      %dma_start3A_1283 = arith.constant 0 : i32
      %dma_start3A_1284 = arith.constant 0 : i32
      %dma_start3A_1285 = tpu.memref_slice %arg10[%run_scoped3A_158, %dma_start3A_1283, %dma_start3A_1284] : memref<16x8x16xf32, #tpu.memory_space<vmem>> -> memref<1x8x16xf32, #tpu.memory_space<vmem>>
      %dma_start3A_1286 = tpu.memref_squeeze %dma_start3A_1285 : memref<1x8x16xf32, #tpu.memory_space<vmem>> -> memref<8x16xf32, #tpu.memory_space<vmem>>
      %dma_start3A_1287 = arith.constant 0 : i32
      %dma_start3A_1288 = tpu.memref_slice %arg12[%add3A_157, %dma_start3A_1287] : memref<2304x16xf32, #tpu.memory_space<vmem_shared>> -> memref<8x16xf32, #tpu.memory_space<vmem_shared>>
      tpu.enqueue_dma source(%dma_start3A_1288 : memref<8x16xf32, #tpu.memory_space<vmem_shared>>) target(%dma_start3A_1286 : memref<8x16xf32, #tpu.memory_space<vmem>>) target_semaphore(%run_scoped3A_1277 : memref<!tpu.dma_semaphore, #tpu.memory_space<semaphore_mem>>)
      %dma_wait3A_1289 = arith.constant 0 : i32
      %dma_wait3A_1290 = arith.constant 0 : i32
      %dma_wait3A_1291 = tpu.memref_slice %arg10[%run_scoped3A_158, %dma_wait3A_1289, %dma_wait3A_1290] : memref<16x8x16xf32, #tpu.memory_space<vmem>> -> memref<1x8x16xf32, #tpu.memory_space<vmem>>
      %dma_wait3A_1292 = tpu.memref_squeeze %dma_wait3A_1291 : memref<1x8x16xf32, #tpu.memory_space<vmem>> -> memref<8x16xf32, #tpu.memory_space<vmem>>
      %dma_wait3A_1293 = arith.constant 0 : i32
      %dma_wait3A_1294 = tpu.memref_slice %arg12[%add3A_157, %dma_wait3A_1293] : memref<2304x16xf32, #tpu.memory_space<vmem_shared>> -> memref<8x16xf32, #tpu.memory_space<vmem_shared>>
      %dma_wait3A_1295 = arith.constant 0 : i32
      %dma_wait3A_1296 = arith.constant 0 : i32
      %dma_wait3A_1297 = tpu.memref_slice %arg10[%run_scoped3A_158, %dma_wait3A_1295, %dma_wait3A_1296] : memref<16x8x16xf32, #tpu.memory_space<vmem>> -> memref<1x8x16xf32, #tpu.memory_space<vmem>>
      %dma_wait3A_1298 = tpu.memref_squeeze %dma_wait3A_1297 : memref<1x8x16xf32, #tpu.memory_space<vmem>> -> memref<8x16xf32, #tpu.memory_space<vmem>>
      %dma_wait3A_1299 = arith.constant 0 : i32
      %dma_wait3A_1300 = tpu.memref_slice %arg12[%add3A_157, %dma_wait3A_1299] : memref<2304x16xf32, #tpu.memory_space<vmem_shared>> -> memref<8x16xf32, #tpu.memory_space<vmem_shared>>
      tpu.wait_dma2 semaphore(%run_scoped3A_1277 : memref<!tpu.dma_semaphore, #tpu.memory_space<semaphore_mem>>) src(%dma_wait3A_1300 : memref<8x16xf32, #tpu.memory_space<vmem_shared>>) dst(%dma_wait3A_1298 : memref<8x16xf32, #tpu.memory_space<vmem>>)
      tpu.yield
    }) : () -> ()
    %get3A = arith.constant 0 : index
    %get3A_159 = tpu.vector_load %arg11[%get3A] {strides = array<i32>} : memref<16xf32, #tpu.memory_space<vmem>>, vector<16xf32>,
    %get3A_160 = vector.shape_cast %get3A_159 : vector<16xf32> to vector<16xf32>
    %get3A_161 = arith.constant 0 : i32
    %get3A_162 = arith.constant 0 : i32
    %get3A_163 = arith.index_cast %get3A_161 : i32 to index
    %get3A_164 = arith.index_cast %get3A_162 : i32 to index
    %get3A_165 = arith.constant 0 : index
    %get3A_166 = tpu.vector_load %arg10[%get3A_163, %get3A_164, %get3A_165] {strides = array<i32>} : memref<16x8x16xf32, #tpu.memory_space<vmem>>, vector<1x1x16xf32>,
    %get3A_167 = vector.shape_cast %get3A_166 : vector<1x1x16xf32> to vector<16xf32>
    %get3A_168 = arith.constant 1 : i32
    %get3A_169 = arith.constant 0 : i32
    %get3A_170 = arith.index_cast %get3A_168 : i32 to index
    %get3A_171 = arith.index_cast %get3A_169 : i32 to index
    %get3A_172 = arith.constant 0 : index
    %get3A_173 = tpu.vector_load %arg10[%get3A_170, %get3A_171, %get3A_172] {strides = array<i32>} : memref<16x8x16xf32, #tpu.memory_space<vmem>>, vector<1x1x16xf32>,
    %get3A_174 = vector.shape_cast %get3A_173 : vector<1x1x16xf32> to vector<16xf32>
    %add3A_175 = arith.addf %get3A_167, %get3A_174 : vector<16xf32>
    %get3A_176 = arith.constant 2 : i32
    %get3A_177 = arith.constant 0 : i32
    %get3A_178 = arith.index_cast %get3A_176 : i32 to index
    %get3A_179 = arith.index_cast %get3A_177 : i32 to index
    %get3A_180 = arith.constant 0 : index
    %get3A_181 = tpu.vector_load %arg10[%get3A_178, %get3A_179, %get3A_180] {strides = array<i32>} : memref<16x8x16xf32, #tpu.memory_space<vmem>>, vector<1x1x16xf32>,
    %get3A_182 = vector.shape_cast %get3A_181 : vector<1x1x16xf32> to vector<16xf32>
    %add3A_183 = arith.addf %add3A_175, %get3A_182 : vector<16xf32>
    %get3A_184 = arith.constant 3 : i32
    %get3A_185 = arith.constant 0 : i32
    %get3A_186 = arith.index_cast %get3A_184 : i32 to index
    %get3A_187 = arith.index_cast %get3A_185 : i32 to index
    %get3A_188 = arith.constant 0 : index
    %get3A_189 = tpu.vector_load %arg10[%get3A_186, %get3A_187, %get3A_188] {strides = array<i32>} : memref<16x8x16xf32, #tpu.memory_space<vmem>>, vector<1x1x16xf32>,
    %get3A_190 = vector.shape_cast %get3A_189 : vector<1x1x16xf32> to vector<16xf32>
    %add3A_191 = arith.addf %add3A_183, %get3A_190 : vector<16xf32>
    %get3A_192 = arith.constant 4 : i32
    %get3A_193 = arith.constant 0 : i32
    %get3A_194 = arith.index_cast %get3A_192 : i32 to index
    %get3A_195 = arith.index_cast %get3A_193 : i32 to index
    %get3A_196 = arith.constant 0 : index
    %get3A_197 = tpu.vector_load %arg10[%get3A_194, %get3A_195, %get3A_196] {strides = array<i32>} : memref<16x8x16xf32, #tpu.memory_space<vmem>>, vector<1x1x16xf32>,
    %get3A_198 = vector.shape_cast %get3A_197 : vector<1x1x16xf32> to vector<16xf32>
    %add3A_199 = arith.addf %add3A_191, %get3A_198 : vector<16xf32>
    %get3A_200 = arith.constant 5 : i32
    %get3A_201 = arith.constant 0 : i32
    %get3A_202 = arith.index_cast %get3A_200 : i32 to index
    %get3A_203 = arith.index_cast %get3A_201 : i32 to index
    %get3A_204 = arith.constant 0 : index
    %get3A_205 = tpu.vector_load %arg10[%get3A_202, %get3A_203, %get3A_204] {strides = array<i32>} : memref<16x8x16xf32, #tpu.memory_space<vmem>>, vector<1x1x16xf32>,
    %get3A_206 = vector.shape_cast %get3A_205 : vector<1x1x16xf32> to vector<16xf32>
    %add3A_207 = arith.addf %add3A_199, %get3A_206 : vector<16xf32>
    %get3A_208 = arith.constant 6 : i32
    %get3A_209 = arith.constant 0 : i32
    %get3A_210 = arith.index_cast %get3A_208 : i32 to index
    %get3A_211 = arith.index_cast %get3A_209 : i32 to index
    %get3A_212 = arith.constant 0 : index
    %get3A_213 = tpu.vector_load %arg10[%get3A_210, %get3A_211, %get3A_212] {strides = array<i32>} : memref<16x8x16xf32, #tpu.memory_space<vmem>>, vector<1x1x16xf32>,
    %get3A_214 = vector.shape_cast %get3A_213 : vector<1x1x16xf32> to vector<16xf32>
    %add3A_215 = arith.addf %add3A_207, %get3A_214 : vector<16xf32>
    %get3A_216 = arith.constant 7 : i32
    %get3A_217 = arith.constant 0 : i32
    %get3A_218 = arith.index_cast %get3A_216 : i32 to index
    %get3A_219 = arith.index_cast %get3A_217 : i32 to index
    %get3A_220 = arith.constant 0 : index
    %get3A_221 = tpu.vector_load %arg10[%get3A_218, %get3A_219, %get3A_220] {strides = array<i32>} : memref<16x8x16xf32, #tpu.memory_space<vmem>>, vector<1x1x16xf32>,
    %get3A_222 = vector.shape_cast %get3A_221 : vector<1x1x16xf32> to vector<16xf32>
    %add3A_223 = arith.addf %add3A_215, %get3A_222 : vector<16xf32>
    %get3A_224 = arith.constant 8 : i32
    %get3A_225 = arith.constant 0 : i32
    %get3A_226 = arith.index_cast %get3A_224 : i32 to index
    %get3A_227 = arith.index_cast %get3A_225 : i32 to index
    %get3A_228 = arith.constant 0 : index
    %get3A_229 = tpu.vector_load %arg10[%get3A_226, %get3A_227, %get3A_228] {strides = array<i32>} : memref<16x8x16xf32, #tpu.memory_space<vmem>>, vector<1x1x16xf32>,
    %get3A_230 = vector.shape_cast %get3A_229 : vector<1x1x16xf32> to vector<16xf32>
    %add3A_231 = arith.addf %add3A_223, %get3A_230 : vector<16xf32>
    %get3A_232 = arith.constant 9 : i32
    %get3A_233 = arith.constant 0 : i32
    %get3A_234 = arith.index_cast %get3A_232 : i32 to index
    %get3A_235 = arith.index_cast %get3A_233 : i32 to index
    %get3A_236 = arith.constant 0 : index
    %get3A_237 = tpu.vector_load %arg10[%get3A_234, %get3A_235, %get3A_236] {strides = array<i32>} : memref<16x8x16xf32, #tpu.memory_space<vmem>>, vector<1x1x16xf32>,
    %get3A_238 = vector.shape_cast %get3A_237 : vector<1x1x16xf32> to vector<16xf32>
    %add3A_239 = arith.addf %add3A_231, %get3A_238 : vector<16xf32>
    %get3A_240 = arith.constant 10 : i32
    %get3A_241 = arith.constant 0 : i32
    %get3A_242 = arith.index_cast %get3A_240 : i32 to index
    %get3A_243 = arith.index_cast %get3A_241 : i32 to index
    %get3A_244 = arith.constant 0 : index
    %get3A_245 = tpu.vector_load %arg10[%get3A_242, %get3A_243, %get3A_244] {strides = array<i32>} : memref<16x8x16xf32, #tpu.memory_space<vmem>>, vector<1x1x16xf32>,
    %get3A_246 = vector.shape_cast %get3A_245 : vector<1x1x16xf32> to vector<16xf32>
    %add3A_247 = arith.addf %add3A_239, %get3A_246 : vector<16xf32>
    %get3A_248 = arith.constant 11 : i32
    %get3A_249 = arith.constant 0 : i32
    %get3A_250 = arith.index_cast %get3A_248 : i32 to index
    %get3A_251 = arith.index_cast %get3A_249 : i32 to index
    %get3A_252 = arith.constant 0 : index
    %get3A_253 = tpu.vector_load %arg10[%get3A_250, %get3A_251, %get3A_252] {strides = array<i32>} : memref<16x8x16xf32, #tpu.memory_space<vmem>>, vector<1x1x16xf32>,
    %get3A_254 = vector.shape_cast %get3A_253 : vector<1x1x16xf32> to vector<16xf32>
    %add3A_255 = arith.addf %add3A_247, %get3A_254 : vector<16xf32>
    %get3A_256 = arith.constant 12 : i32
    %get3A_257 = arith.constant 0 : i32
    %get3A_258 = arith.index_cast %get3A_256 : i32 to index
    %get3A_259 = arith.index_cast %get3A_257 : i32 to index
    %get3A_260 = arith.constant 0 : index
    %get3A_261 = tpu.vector_load %arg10[%get3A_258, %get3A_259, %get3A_260] {strides = array<i32>} : memref<16x8x16xf32, #tpu.memory_space<vmem>>, vector<1x1x16xf32>,
    %get3A_262 = vector.shape_cast %get3A_261 : vector<1x1x16xf32> to vector<16xf32>
    %add3A_263 = arith.addf %add3A_255, %get3A_262 : vector<16xf32>
    %get3A_264 = arith.constant 13 : i32
    %get3A_265 = arith.constant 0 : i32
    %get3A_266 = arith.index_cast %get3A_264 : i32 to index
    %get3A_267 = arith.index_cast %get3A_265 : i32 to index
    %get3A_268 = arith.constant 0 : index
    %get3A_269 = tpu.vector_load %arg10[%get3A_266, %get3A_267, %get3A_268] {strides = array<i32>} : memref<16x8x16xf32, #tpu.memory_space<vmem>>, vector<1x1x16xf32>,
    %get3A_270 = vector.shape_cast %get3A_269 : vector<1x1x16xf32> to vector<16xf32>
    %add3A_271 = arith.addf %add3A_263, %get3A_270 : vector<16xf32>
    %get3A_272 = arith.constant 14 : i32
    %get3A_273 = arith.constant 0 : i32
    %get3A_274 = arith.index_cast %get3A_272 : i32 to index
    %get3A_275 = arith.index_cast %get3A_273 : i32 to index
    %get3A_276 = arith.constant 0 : index
    %get3A_277 = tpu.vector_load %arg10[%get3A_274, %get3A_275, %get3A_276] {strides = array<i32>} : memref<16x8x16xf32, #tpu.memory_space<vmem>>, vector<1x1x16xf32>,
    %get3A_278 = vector.shape_cast %get3A_277 : vector<1x1x16xf32> to vector<16xf32>
    %add3A_279 = arith.addf %add3A_271, %get3A_278 : vector<16xf32>
    %get3A_280 = arith.constant 15 : i32
    %get3A_281 = arith.constant 0 : i32
    %get3A_282 = arith.index_cast %get3A_280 : i32 to index
    %get3A_283 = arith.index_cast %get3A_281 : i32 to index
    %get3A_284 = arith.constant 0 : index
    %get3A_285 = tpu.vector_load %arg10[%get3A_282, %get3A_283, %get3A_284] {strides = array<i32>} : memref<16x8x16xf32, #tpu.memory_space<vmem>>, vector<1x1x16xf32>,
    %get3A_286 = vector.shape_cast %get3A_285 : vector<1x1x16xf32> to vector<16xf32>
    %add3A_287 = arith.addf %add3A_279, %get3A_286 : vector<16xf32>
    %slice3A = vector.extract_strided_slice %add3A_287 {offsets = [8], sizes = [1], strides = [1]} : vector<16xf32> to vector<1xf32>
    %squeeze3A = vector.extract %slice3A[0] : f32 from vector<1xf32>
    %max3A = arith.constant 1.000000e+00 : f32
    %max3A_288 = arith.maximumf %squeeze3A, %max3A : f32
    %div3A = vector.broadcast %max3A_288 : f32 to vector<16xf32>
    %div3A_289 = arith.divf %add3A_287, %div3A : vector<16xf32>
    %add3A_290 = arith.addf %div3A_289, %get3A_160 : vector<16xf32>
    %swap3A_291 = arith.constant 0 : i32
    %swap3A_292 = arith.index_cast %swap3A_291 : i32 to index
    %swap3A_293 = arith.constant 0 : index
    %swap3A_294 = tpu.vector_load %arg9[%swap3A_292, %swap3A_293] {strides = array<i32>} : memref<8x16xf32, #tpu.memory_space<vmem>>, vector<1x16xf32>,
    %swap3A_295 = vector.shape_cast %swap3A_294 : vector<1x16xf32> to vector<16xf32>
    %swap3A_296 = vector.shape_cast %add3A_290 : vector<16xf32> to vector<1x16xf32>
    tpu.vector_store %arg9[%swap3A_292, %swap3A_293], %swap3A_296 {strides = array<i32>} : memref<8x16xf32, #tpu.memory_space<vmem>>, vector<1x16xf32>,
    %get3A_297 = arith.constant 0 : i32
    %get3A_298 = arith.constant 1 : i32
    %get3A_299 = arith.index_cast %get3A_297 : i32 to index
    %get3A_300 = arith.index_cast %get3A_298 : i32 to index
    %get3A_301 = arith.constant 0 : index
    %get3A_302 = tpu.vector_load %arg10[%get3A_299, %get3A_300, %get3A_301] {strides = array<i32>} : memref<16x8x16xf32, #tpu.memory_space<vmem>>, vector<1x1x16xf32>,
    %get3A_303 = vector.shape_cast %get3A_302 : vector<1x1x16xf32> to vector<16xf32>
    %get3A_304 = arith.constant 1 : i32
    %get3A_305 = arith.constant 1 : i32
    %get3A_306 = arith.index_cast %get3A_304 : i32 to index
    %get3A_307 = arith.index_cast %get3A_305 : i32 to index
    %get3A_308 = arith.constant 0 : index
    %get3A_309 = tpu.vector_load %arg10[%get3A_306, %get3A_307, %get3A_308] {strides = array<i32>} : memref<16x8x16xf32, #tpu.memory_space<vmem>>, vector<1x1x16xf32>,
    %get3A_310 = vector.shape_cast %get3A_309 : vector<1x1x16xf32> to vector<16xf32>
    %add3A_311 = arith.addf %get3A_303, %get3A_310 : vector<16xf32>
    %get3A_312 = arith.constant 2 : i32
    %get3A_313 = arith.constant 1 : i32
    %get3A_314 = arith.index_cast %get3A_312 : i32 to index
    %get3A_315 = arith.index_cast %get3A_313 : i32 to index
    %get3A_316 = arith.constant 0 : index
    %get3A_317 = tpu.vector_load %arg10[%get3A_314, %get3A_315, %get3A_316] {strides = array<i32>} : memref<16x8x16xf32, #tpu.memory_space<vmem>>, vector<1x1x16xf32>,
    %get3A_318 = vector.shape_cast %get3A_317 : vector<1x1x16xf32> to vector<16xf32>
    %add3A_319 = arith.addf %add3A_311, %get3A_318 : vector<16xf32>
    %get3A_320 = arith.constant 3 : i32
    %get3A_321 = arith.constant 1 : i32
    %get3A_322 = arith.index_cast %get3A_320 : i32 to index
    %get3A_323 = arith.index_cast %get3A_321 : i32 to index
    %get3A_324 = arith.constant 0 : index
    %get3A_325 = tpu.vector_load %arg10[%get3A_322, %get3A_323, %get3A_324] {strides = array<i32>} : memref<16x8x16xf32, #tpu.memory_space<vmem>>, vector<1x1x16xf32>,
    %get3A_326 = vector.shape_cast %get3A_325 : vector<1x1x16xf32> to vector<16xf32>
    %add3A_327 = arith.addf %add3A_319, %get3A_326 : vector<16xf32>
    %get3A_328 = arith.constant 4 : i32
    %get3A_329 = arith.constant 1 : i32
    %get3A_330 = arith.index_cast %get3A_328 : i32 to index
    %get3A_331 = arith.index_cast %get3A_329 : i32 to index
    %get3A_332 = arith.constant 0 : index
    %get3A_333 = tpu.vector_load %arg10[%get3A_330, %get3A_331, %get3A_332] {strides = array<i32>} : memref<16x8x16xf32, #tpu.memory_space<vmem>>, vector<1x1x16xf32>,
    %get3A_334 = vector.shape_cast %get3A_333 : vector<1x1x16xf32> to vector<16xf32>
    %add3A_335 = arith.addf %add3A_327, %get3A_334 : vector<16xf32>
    %get3A_336 = arith.constant 5 : i32
    %get3A_337 = arith.constant 1 : i32
    %get3A_338 = arith.index_cast %get3A_336 : i32 to index
    %get3A_339 = arith.index_cast %get3A_337 : i32 to index
    %get3A_340 = arith.constant 0 : index
    %get3A_341 = tpu.vector_load %arg10[%get3A_338, %get3A_339, %get3A_340] {strides = array<i32>} : memref<16x8x16xf32, #tpu.memory_space<vmem>>, vector<1x1x16xf32>,
    %get3A_342 = vector.shape_cast %get3A_341 : vector<1x1x16xf32> to vector<16xf32>
    %add3A_343 = arith.addf %add3A_335, %get3A_342 : vector<16xf32>
    %get3A_344 = arith.constant 6 : i32
    %get3A_345 = arith.constant 1 : i32
    %get3A_346 = arith.index_cast %get3A_344 : i32 to index
    %get3A_347 = arith.index_cast %get3A_345 : i32 to index
    %get3A_348 = arith.constant 0 : index
    %get3A_349 = tpu.vector_load %arg10[%get3A_346, %get3A_347, %get3A_348] {strides = array<i32>} : memref<16x8x16xf32, #tpu.memory_space<vmem>>, vector<1x1x16xf32>,
    %get3A_350 = vector.shape_cast %get3A_349 : vector<1x1x16xf32> to vector<16xf32>
    %add3A_351 = arith.addf %add3A_343, %get3A_350 : vector<16xf32>
    %get3A_352 = arith.constant 7 : i32
    %get3A_353 = arith.constant 1 : i32
    %get3A_354 = arith.index_cast %get3A_352 : i32 to index
    %get3A_355 = arith.index_cast %get3A_353 : i32 to index
    %get3A_356 = arith.constant 0 : index
    %get3A_357 = tpu.vector_load %arg10[%get3A_354, %get3A_355, %get3A_356] {strides = array<i32>} : memref<16x8x16xf32, #tpu.memory_space<vmem>>, vector<1x1x16xf32>,
    %get3A_358 = vector.shape_cast %get3A_357 : vector<1x1x16xf32> to vector<16xf32>
    %add3A_359 = arith.addf %add3A_351, %get3A_358 : vector<16xf32>
    %get3A_360 = arith.constant 8 : i32
    %get3A_361 = arith.constant 1 : i32
    %get3A_362 = arith.index_cast %get3A_360 : i32 to index
    %get3A_363 = arith.index_cast %get3A_361 : i32 to index
    %get3A_364 = arith.constant 0 : index
    %get3A_365 = tpu.vector_load %arg10[%get3A_362, %get3A_363, %get3A_364] {strides = array<i32>} : memref<16x8x16xf32, #tpu.memory_space<vmem>>, vector<1x1x16xf32>,
    %get3A_366 = vector.shape_cast %get3A_365 : vector<1x1x16xf32> to vector<16xf32>
    %add3A_367 = arith.addf %add3A_359, %get3A_366 : vector<16xf32>
    %get3A_368 = arith.constant 9 : i32
    %get3A_369 = arith.constant 1 : i32
    %get3A_370 = arith.index_cast %get3A_368 : i32 to index
    %get3A_371 = arith.index_cast %get3A_369 : i32 to index
    %get3A_372 = arith.constant 0 : index
    %get3A_373 = tpu.vector_load %arg10[%get3A_370, %get3A_371, %get3A_372] {strides = array<i32>} : memref<16x8x16xf32, #tpu.memory_space<vmem>>, vector<1x1x16xf32>,
    %get3A_374 = vector.shape_cast %get3A_373 : vector<1x1x16xf32> to vector<16xf32>
    %add3A_375 = arith.addf %add3A_367, %get3A_374 : vector<16xf32>
    %get3A_376 = arith.constant 10 : i32
    %get3A_377 = arith.constant 1 : i32
    %get3A_378 = arith.index_cast %get3A_376 : i32 to index
    %get3A_379 = arith.index_cast %get3A_377 : i32 to index
    %get3A_380 = arith.constant 0 : index
    %get3A_381 = tpu.vector_load %arg10[%get3A_378, %get3A_379, %get3A_380] {strides = array<i32>} : memref<16x8x16xf32, #tpu.memory_space<vmem>>, vector<1x1x16xf32>,
    %get3A_382 = vector.shape_cast %get3A_381 : vector<1x1x16xf32> to vector<16xf32>
    %add3A_383 = arith.addf %add3A_375, %get3A_382 : vector<16xf32>
    %get3A_384 = arith.constant 11 : i32
    %get3A_385 = arith.constant 1 : i32
    %get3A_386 = arith.index_cast %get3A_384 : i32 to index
    %get3A_387 = arith.index_cast %get3A_385 : i32 to index
    %get3A_388 = arith.constant 0 : index
    %get3A_389 = tpu.vector_load %arg10[%get3A_386, %get3A_387, %get3A_388] {strides = array<i32>} : memref<16x8x16xf32, #tpu.memory_space<vmem>>, vector<1x1x16xf32>,
    %get3A_390 = vector.shape_cast %get3A_389 : vector<1x1x16xf32> to vector<16xf32>
    %add3A_391 = arith.addf %add3A_383, %get3A_390 : vector<16xf32>
    %get3A_392 = arith.constant 12 : i32
    %get3A_393 = arith.constant 1 : i32
    %get3A_394 = arith.index_cast %get3A_392 : i32 to index
    %get3A_395 = arith.index_cast %get3A_393 : i32 to index
    %get3A_396 = arith.constant 0 : index
    %get3A_397 = tpu.vector_load %arg10[%get3A_394, %get3A_395, %get3A_396] {strides = array<i32>} : memref<16x8x16xf32, #tpu.memory_space<vmem>>, vector<1x1x16xf32>,
    %get3A_398 = vector.shape_cast %get3A_397 : vector<1x1x16xf32> to vector<16xf32>
    %add3A_399 = arith.addf %add3A_391, %get3A_398 : vector<16xf32>
    %get3A_400 = arith.constant 13 : i32
    %get3A_401 = arith.constant 1 : i32
    %get3A_402 = arith.index_cast %get3A_400 : i32 to index
    %get3A_403 = arith.index_cast %get3A_401 : i32 to index
    %get3A_404 = arith.constant 0 : index
    %get3A_405 = tpu.vector_load %arg10[%get3A_402, %get3A_403, %get3A_404] {strides = array<i32>} : memref<16x8x16xf32, #tpu.memory_space<vmem>>, vector<1x1x16xf32>,
    %get3A_406 = vector.shape_cast %get3A_405 : vector<1x1x16xf32> to vector<16xf32>
    %add3A_407 = arith.addf %add3A_399, %get3A_406 : vector<16xf32>
    %get3A_408 = arith.constant 14 : i32
    %get3A_409 = arith.constant 1 : i32
    %get3A_410 = arith.index_cast %get3A_408 : i32 to index
    %get3A_411 = arith.index_cast %get3A_409 : i32 to index
    %get3A_412 = arith.constant 0 : index
    %get3A_413 = tpu.vector_load %arg10[%get3A_410, %get3A_411, %get3A_412] {strides = array<i32>} : memref<16x8x16xf32, #tpu.memory_space<vmem>>, vector<1x1x16xf32>,
    %get3A_414 = vector.shape_cast %get3A_413 : vector<1x1x16xf32> to vector<16xf32>
    %add3A_415 = arith.addf %add3A_407, %get3A_414 : vector<16xf32>
    %get3A_416 = arith.constant 15 : i32
    %get3A_417 = arith.constant 1 : i32
    %get3A_418 = arith.index_cast %get3A_416 : i32 to index
    %get3A_419 = arith.index_cast %get3A_417 : i32 to index
    %get3A_420 = arith.constant 0 : index
    %get3A_421 = tpu.vector_load %arg10[%get3A_418, %get3A_419, %get3A_420] {strides = array<i32>} : memref<16x8x16xf32, #tpu.memory_space<vmem>>, vector<1x1x16xf32>,
    %get3A_422 = vector.shape_cast %get3A_421 : vector<1x1x16xf32> to vector<16xf32>
    %add3A_423 = arith.addf %add3A_415, %get3A_422 : vector<16xf32>
    %slice3A_424 = vector.extract_strided_slice %add3A_423 {offsets = [8], sizes = [1], strides = [1]} : vector<16xf32> to vector<1xf32>
    %squeeze3A_425 = vector.extract %slice3A_424[0] : f32 from vector<1xf32>
    %max3A_426 = arith.constant 1.000000e+00 : f32
    %max3A_427 = arith.maximumf %squeeze3A_425, %max3A_426 : f32
    %div3A_428 = vector.broadcast %max3A_427 : f32 to vector<16xf32>
    %div3A_429 = arith.divf %add3A_423, %div3A_428 : vector<16xf32>
    %add3A_430 = arith.addf %div3A_429, %get3A_160 : vector<16xf32>
    %swap3A_431 = arith.constant 1 : i32
    %swap3A_432 = arith.index_cast %swap3A_431 : i32 to index
    %swap3A_433 = arith.constant 0 : index
    %swap3A_434 = tpu.vector_load %arg9[%swap3A_432, %swap3A_433] {strides = array<i32>} : memref<8x16xf32, #tpu.memory_space<vmem>>, vector<1x16xf32>,
    %swap3A_435 = vector.shape_cast %swap3A_434 : vector<1x16xf32> to vector<16xf32>
    %swap3A_436 = vector.shape_cast %add3A_430 : vector<16xf32> to vector<1x16xf32>
    tpu.vector_store %arg9[%swap3A_432, %swap3A_433], %swap3A_436 {strides = array<i32>} : memref<8x16xf32, #tpu.memory_space<vmem>>, vector<1x16xf32>,
    %get3A_437 = arith.constant 0 : i32
    %get3A_438 = arith.constant 2 : i32
    %get3A_439 = arith.index_cast %get3A_437 : i32 to index
    %get3A_440 = arith.index_cast %get3A_438 : i32 to index
    %get3A_441 = arith.constant 0 : index
    %get3A_442 = tpu.vector_load %arg10[%get3A_439, %get3A_440, %get3A_441] {strides = array<i32>} : memref<16x8x16xf32, #tpu.memory_space<vmem>>, vector<1x1x16xf32>,
    %get3A_443 = vector.shape_cast %get3A_442 : vector<1x1x16xf32> to vector<16xf32>
    %get3A_444 = arith.constant 1 : i32
    %get3A_445 = arith.constant 2 : i32
    %get3A_446 = arith.index_cast %get3A_444 : i32 to index
    %get3A_447 = arith.index_cast %get3A_445 : i32 to index
    %get3A_448 = arith.constant 0 : index
    %get3A_449 = tpu.vector_load %arg10[%get3A_446, %get3A_447, %get3A_448] {strides = array<i32>} : memref<16x8x16xf32, #tpu.memory_space<vmem>>, vector<1x1x16xf32>,
    %get3A_450 = vector.shape_cast %get3A_449 : vector<1x1x16xf32> to vector<16xf32>
    %add3A_451 = arith.addf %get3A_443, %get3A_450 : vector<16xf32>
    %get3A_452 = arith.constant 2 : i32
    %get3A_453 = arith.constant 2 : i32
    %get3A_454 = arith.index_cast %get3A_452 : i32 to index
    %get3A_455 = arith.index_cast %get3A_453 : i32 to index
    %get3A_456 = arith.constant 0 : index
    %get3A_457 = tpu.vector_load %arg10[%get3A_454, %get3A_455, %get3A_456] {strides = array<i32>} : memref<16x8x16xf32, #tpu.memory_space<vmem>>, vector<1x1x16xf32>,
    %get3A_458 = vector.shape_cast %get3A_457 : vector<1x1x16xf32> to vector<16xf32>
    %add3A_459 = arith.addf %add3A_451, %get3A_458 : vector<16xf32>
    %get3A_460 = arith.constant 3 : i32
    %get3A_461 = arith.constant 2 : i32
    %get3A_462 = arith.index_cast %get3A_460 : i32 to index
    %get3A_463 = arith.index_cast %get3A_461 : i32 to index
    %get3A_464 = arith.constant 0 : index
    %get3A_465 = tpu.vector_load %arg10[%get3A_462, %get3A_463, %get3A_464] {strides = array<i32>} : memref<16x8x16xf32, #tpu.memory_space<vmem>>, vector<1x1x16xf32>,
    %get3A_466 = vector.shape_cast %get3A_465 : vector<1x1x16xf32> to vector<16xf32>
    %add3A_467 = arith.addf %add3A_459, %get3A_466 : vector<16xf32>
    %get3A_468 = arith.constant 4 : i32
    %get3A_469 = arith.constant 2 : i32
    %get3A_470 = arith.index_cast %get3A_468 : i32 to index
    %get3A_471 = arith.index_cast %get3A_469 : i32 to index
    %get3A_472 = arith.constant 0 : index
    %get3A_473 = tpu.vector_load %arg10[%get3A_470, %get3A_471, %get3A_472] {strides = array<i32>} : memref<16x8x16xf32, #tpu.memory_space<vmem>>, vector<1x1x16xf32>,
    %get3A_474 = vector.shape_cast %get3A_473 : vector<1x1x16xf32> to vector<16xf32>
    %add3A_475 = arith.addf %add3A_467, %get3A_474 : vector<16xf32>
    %get3A_476 = arith.constant 5 : i32
    %get3A_477 = arith.constant 2 : i32
    %get3A_478 = arith.index_cast %get3A_476 : i32 to index
    %get3A_479 = arith.index_cast %get3A_477 : i32 to index
    %get3A_480 = arith.constant 0 : index
    %get3A_481 = tpu.vector_load %arg10[%get3A_478, %get3A_479, %get3A_480] {strides = array<i32>} : memref<16x8x16xf32, #tpu.memory_space<vmem>>, vector<1x1x16xf32>,
    %get3A_482 = vector.shape_cast %get3A_481 : vector<1x1x16xf32> to vector<16xf32>
    %add3A_483 = arith.addf %add3A_475, %get3A_482 : vector<16xf32>
    %get3A_484 = arith.constant 6 : i32
    %get3A_485 = arith.constant 2 : i32
    %get3A_486 = arith.index_cast %get3A_484 : i32 to index
    %get3A_487 = arith.index_cast %get3A_485 : i32 to index
    %get3A_488 = arith.constant 0 : index
    %get3A_489 = tpu.vector_load %arg10[%get3A_486, %get3A_487, %get3A_488] {strides = array<i32>} : memref<16x8x16xf32, #tpu.memory_space<vmem>>, vector<1x1x16xf32>,
    %get3A_490 = vector.shape_cast %get3A_489 : vector<1x1x16xf32> to vector<16xf32>
    %add3A_491 = arith.addf %add3A_483, %get3A_490 : vector<16xf32>
    %get3A_492 = arith.constant 7 : i32
    %get3A_493 = arith.constant 2 : i32
    %get3A_494 = arith.index_cast %get3A_492 : i32 to index
    %get3A_495 = arith.index_cast %get3A_493 : i32 to index
    %get3A_496 = arith.constant 0 : index
    %get3A_497 = tpu.vector_load %arg10[%get3A_494, %get3A_495, %get3A_496] {strides = array<i32>} : memref<16x8x16xf32, #tpu.memory_space<vmem>>, vector<1x1x16xf32>,
    %get3A_498 = vector.shape_cast %get3A_497 : vector<1x1x16xf32> to vector<16xf32>
    %add3A_499 = arith.addf %add3A_491, %get3A_498 : vector<16xf32>
    %get3A_500 = arith.constant 8 : i32
    %get3A_501 = arith.constant 2 : i32
    %get3A_502 = arith.index_cast %get3A_500 : i32 to index
    %get3A_503 = arith.index_cast %get3A_501 : i32 to index
    %get3A_504 = arith.constant 0 : index
    %get3A_505 = tpu.vector_load %arg10[%get3A_502, %get3A_503, %get3A_504] {strides = array<i32>} : memref<16x8x16xf32, #tpu.memory_space<vmem>>, vector<1x1x16xf32>,
    %get3A_506 = vector.shape_cast %get3A_505 : vector<1x1x16xf32> to vector<16xf32>
    %add3A_507 = arith.addf %add3A_499, %get3A_506 : vector<16xf32>
    %get3A_508 = arith.constant 9 : i32
    %get3A_509 = arith.constant 2 : i32
    %get3A_510 = arith.index_cast %get3A_508 : i32 to index
    %get3A_511 = arith.index_cast %get3A_509 : i32 to index
    %get3A_512 = arith.constant 0 : index
    %get3A_513 = tpu.vector_load %arg10[%get3A_510, %get3A_511, %get3A_512] {strides = array<i32>} : memref<16x8x16xf32, #tpu.memory_space<vmem>>, vector<1x1x16xf32>,
    %get3A_514 = vector.shape_cast %get3A_513 : vector<1x1x16xf32> to vector<16xf32>
    %add3A_515 = arith.addf %add3A_507, %get3A_514 : vector<16xf32>
    %get3A_516 = arith.constant 10 : i32
    %get3A_517 = arith.constant 2 : i32
    %get3A_518 = arith.index_cast %get3A_516 : i32 to index
    %get3A_519 = arith.index_cast %get3A_517 : i32 to index
    %get3A_520 = arith.constant 0 : index
    %get3A_521 = tpu.vector_load %arg10[%get3A_518, %get3A_519, %get3A_520] {strides = array<i32>} : memref<16x8x16xf32, #tpu.memory_space<vmem>>, vector<1x1x16xf32>,
    %get3A_522 = vector.shape_cast %get3A_521 : vector<1x1x16xf32> to vector<16xf32>
    %add3A_523 = arith.addf %add3A_515, %get3A_522 : vector<16xf32>
    %get3A_524 = arith.constant 11 : i32
    %get3A_525 = arith.constant 2 : i32
    %get3A_526 = arith.index_cast %get3A_524 : i32 to index
    %get3A_527 = arith.index_cast %get3A_525 : i32 to index
    %get3A_528 = arith.constant 0 : index
    %get3A_529 = tpu.vector_load %arg10[%get3A_526, %get3A_527, %get3A_528] {strides = array<i32>} : memref<16x8x16xf32, #tpu.memory_space<vmem>>, vector<1x1x16xf32>,
    %get3A_530 = vector.shape_cast %get3A_529 : vector<1x1x16xf32> to vector<16xf32>
    %add3A_531 = arith.addf %add3A_523, %get3A_530 : vector<16xf32>
    %get3A_532 = arith.constant 12 : i32
    %get3A_533 = arith.constant 2 : i32
    %get3A_534 = arith.index_cast %get3A_532 : i32 to index
    %get3A_535 = arith.index_cast %get3A_533 : i32 to index
    %get3A_536 = arith.constant 0 : index
    %get3A_537 = tpu.vector_load %arg10[%get3A_534, %get3A_535, %get3A_536] {strides = array<i32>} : memref<16x8x16xf32, #tpu.memory_space<vmem>>, vector<1x1x16xf32>,
    %get3A_538 = vector.shape_cast %get3A_537 : vector<1x1x16xf32> to vector<16xf32>
    %add3A_539 = arith.addf %add3A_531, %get3A_538 : vector<16xf32>
    %get3A_540 = arith.constant 13 : i32
    %get3A_541 = arith.constant 2 : i32
    %get3A_542 = arith.index_cast %get3A_540 : i32 to index
    %get3A_543 = arith.index_cast %get3A_541 : i32 to index
    %get3A_544 = arith.constant 0 : index
    %get3A_545 = tpu.vector_load %arg10[%get3A_542, %get3A_543, %get3A_544] {strides = array<i32>} : memref<16x8x16xf32, #tpu.memory_space<vmem>>, vector<1x1x16xf32>,
    %get3A_546 = vector.shape_cast %get3A_545 : vector<1x1x16xf32> to vector<16xf32>
    %add3A_547 = arith.addf %add3A_539, %get3A_546 : vector<16xf32>
    %get3A_548 = arith.constant 14 : i32
    %get3A_549 = arith.constant 2 : i32
    %get3A_550 = arith.index_cast %get3A_548 : i32 to index
    %get3A_551 = arith.index_cast %get3A_549 : i32 to index
    %get3A_552 = arith.constant 0 : index
    %get3A_553 = tpu.vector_load %arg10[%get3A_550, %get3A_551, %get3A_552] {strides = array<i32>} : memref<16x8x16xf32, #tpu.memory_space<vmem>>, vector<1x1x16xf32>,
    %get3A_554 = vector.shape_cast %get3A_553 : vector<1x1x16xf32> to vector<16xf32>
    %add3A_555 = arith.addf %add3A_547, %get3A_554 : vector<16xf32>
    %get3A_556 = arith.constant 15 : i32
    %get3A_557 = arith.constant 2 : i32
    %get3A_558 = arith.index_cast %get3A_556 : i32 to index
    %get3A_559 = arith.index_cast %get3A_557 : i32 to index
    %get3A_560 = arith.constant 0 : index
    %get3A_561 = tpu.vector_load %arg10[%get3A_558, %get3A_559, %get3A_560] {strides = array<i32>} : memref<16x8x16xf32, #tpu.memory_space<vmem>>, vector<1x1x16xf32>,
    %get3A_562 = vector.shape_cast %get3A_561 : vector<1x1x16xf32> to vector<16xf32>
    %add3A_563 = arith.addf %add3A_555, %get3A_562 : vector<16xf32>
    %slice3A_564 = vector.extract_strided_slice %add3A_563 {offsets = [8], sizes = [1], strides = [1]} : vector<16xf32> to vector<1xf32>
    %squeeze3A_565 = vector.extract %slice3A_564[0] : f32 from vector<1xf32>
    %max3A_566 = arith.constant 1.000000e+00 : f32
    %max3A_567 = arith.maximumf %squeeze3A_565, %max3A_566 : f32
    %div3A_568 = vector.broadcast %max3A_567 : f32 to vector<16xf32>
    %div3A_569 = arith.divf %add3A_563, %div3A_568 : vector<16xf32>
    %add3A_570 = arith.addf %div3A_569, %get3A_160 : vector<16xf32>
    %swap3A_571 = arith.constant 2 : i32
    %swap3A_572 = arith.index_cast %swap3A_571 : i32 to index
    %swap3A_573 = arith.constant 0 : index
    %swap3A_574 = tpu.vector_load %arg9[%swap3A_572, %swap3A_573] {strides = array<i32>} : memref<8x16xf32, #tpu.memory_space<vmem>>, vector<1x16xf32>,
    %swap3A_575 = vector.shape_cast %swap3A_574 : vector<1x16xf32> to vector<16xf32>
    %swap3A_576 = vector.shape_cast %add3A_570 : vector<16xf32> to vector<1x16xf32>
    tpu.vector_store %arg9[%swap3A_572, %swap3A_573], %swap3A_576 {strides = array<i32>} : memref<8x16xf32, #tpu.memory_space<vmem>>, vector<1x16xf32>,
    %get3A_577 = arith.constant 0 : i32
    %get3A_578 = arith.constant 3 : i32
    %get3A_579 = arith.index_cast %get3A_577 : i32 to index
    %get3A_580 = arith.index_cast %get3A_578 : i32 to index
    %get3A_581 = arith.constant 0 : index
    %get3A_582 = tpu.vector_load %arg10[%get3A_579, %get3A_580, %get3A_581] {strides = array<i32>} : memref<16x8x16xf32, #tpu.memory_space<vmem>>, vector<1x1x16xf32>,
    %get3A_583 = vector.shape_cast %get3A_582 : vector<1x1x16xf32> to vector<16xf32>
    %get3A_584 = arith.constant 1 : i32
    %get3A_585 = arith.constant 3 : i32
    %get3A_586 = arith.index_cast %get3A_584 : i32 to index
    %get3A_587 = arith.index_cast %get3A_585 : i32 to index
    %get3A_588 = arith.constant 0 : index
    %get3A_589 = tpu.vector_load %arg10[%get3A_586, %get3A_587, %get3A_588] {strides = array<i32>} : memref<16x8x16xf32, #tpu.memory_space<vmem>>, vector<1x1x16xf32>,
    %get3A_590 = vector.shape_cast %get3A_589 : vector<1x1x16xf32> to vector<16xf32>
    %add3A_591 = arith.addf %get3A_583, %get3A_590 : vector<16xf32>
    %get3A_592 = arith.constant 2 : i32
    %get3A_593 = arith.constant 3 : i32
    %get3A_594 = arith.index_cast %get3A_592 : i32 to index
    %get3A_595 = arith.index_cast %get3A_593 : i32 to index
    %get3A_596 = arith.constant 0 : index
    %get3A_597 = tpu.vector_load %arg10[%get3A_594, %get3A_595, %get3A_596] {strides = array<i32>} : memref<16x8x16xf32, #tpu.memory_space<vmem>>, vector<1x1x16xf32>,
    %get3A_598 = vector.shape_cast %get3A_597 : vector<1x1x16xf32> to vector<16xf32>
    %add3A_599 = arith.addf %add3A_591, %get3A_598 : vector<16xf32>
    %get3A_600 = arith.constant 3 : i32
    %get3A_601 = arith.constant 3 : i32
    %get3A_602 = arith.index_cast %get3A_600 : i32 to index
    %get3A_603 = arith.index_cast %get3A_601 : i32 to index
    %get3A_604 = arith.constant 0 : index
    %get3A_605 = tpu.vector_load %arg10[%get3A_602, %get3A_603, %get3A_604] {strides = array<i32>} : memref<16x8x16xf32, #tpu.memory_space<vmem>>, vector<1x1x16xf32>,
    %get3A_606 = vector.shape_cast %get3A_605 : vector<1x1x16xf32> to vector<16xf32>
    %add3A_607 = arith.addf %add3A_599, %get3A_606 : vector<16xf32>
    %get3A_608 = arith.constant 4 : i32
    %get3A_609 = arith.constant 3 : i32
    %get3A_610 = arith.index_cast %get3A_608 : i32 to index
    %get3A_611 = arith.index_cast %get3A_609 : i32 to index
    %get3A_612 = arith.constant 0 : index
    %get3A_613 = tpu.vector_load %arg10[%get3A_610, %get3A_611, %get3A_612] {strides = array<i32>} : memref<16x8x16xf32, #tpu.memory_space<vmem>>, vector<1x1x16xf32>,
    %get3A_614 = vector.shape_cast %get3A_613 : vector<1x1x16xf32> to vector<16xf32>
    %add3A_615 = arith.addf %add3A_607, %get3A_614 : vector<16xf32>
    %get3A_616 = arith.constant 5 : i32
    %get3A_617 = arith.constant 3 : i32
    %get3A_618 = arith.index_cast %get3A_616 : i32 to index
    %get3A_619 = arith.index_cast %get3A_617 : i32 to index
    %get3A_620 = arith.constant 0 : index
    %get3A_621 = tpu.vector_load %arg10[%get3A_618, %get3A_619, %get3A_620] {strides = array<i32>} : memref<16x8x16xf32, #tpu.memory_space<vmem>>, vector<1x1x16xf32>,
    %get3A_622 = vector.shape_cast %get3A_621 : vector<1x1x16xf32> to vector<16xf32>
    %add3A_623 = arith.addf %add3A_615, %get3A_622 : vector<16xf32>
    %get3A_624 = arith.constant 6 : i32
    %get3A_625 = arith.constant 3 : i32
    %get3A_626 = arith.index_cast %get3A_624 : i32 to index
    %get3A_627 = arith.index_cast %get3A_625 : i32 to index
    %get3A_628 = arith.constant 0 : index
    %get3A_629 = tpu.vector_load %arg10[%get3A_626, %get3A_627, %get3A_628] {strides = array<i32>} : memref<16x8x16xf32, #tpu.memory_space<vmem>>, vector<1x1x16xf32>,
    %get3A_630 = vector.shape_cast %get3A_629 : vector<1x1x16xf32> to vector<16xf32>
    %add3A_631 = arith.addf %add3A_623, %get3A_630 : vector<16xf32>
    %get3A_632 = arith.constant 7 : i32
    %get3A_633 = arith.constant 3 : i32
    %get3A_634 = arith.index_cast %get3A_632 : i32 to index
    %get3A_635 = arith.index_cast %get3A_633 : i32 to index
    %get3A_636 = arith.constant 0 : index
    %get3A_637 = tpu.vector_load %arg10[%get3A_634, %get3A_635, %get3A_636] {strides = array<i32>} : memref<16x8x16xf32, #tpu.memory_space<vmem>>, vector<1x1x16xf32>,
    %get3A_638 = vector.shape_cast %get3A_637 : vector<1x1x16xf32> to vector<16xf32>
    %add3A_639 = arith.addf %add3A_631, %get3A_638 : vector<16xf32>
    %get3A_640 = arith.constant 8 : i32
    %get3A_641 = arith.constant 3 : i32
    %get3A_642 = arith.index_cast %get3A_640 : i32 to index
    %get3A_643 = arith.index_cast %get3A_641 : i32 to index
    %get3A_644 = arith.constant 0 : index
    %get3A_645 = tpu.vector_load %arg10[%get3A_642, %get3A_643, %get3A_644] {strides = array<i32>} : memref<16x8x16xf32, #tpu.memory_space<vmem>>, vector<1x1x16xf32>,
    %get3A_646 = vector.shape_cast %get3A_645 : vector<1x1x16xf32> to vector<16xf32>
    %add3A_647 = arith.addf %add3A_639, %get3A_646 : vector<16xf32>
    %get3A_648 = arith.constant 9 : i32
    %get3A_649 = arith.constant 3 : i32
    %get3A_650 = arith.index_cast %get3A_648 : i32 to index
    %get3A_651 = arith.index_cast %get3A_649 : i32 to index
    %get3A_652 = arith.constant 0 : index
    %get3A_653 = tpu.vector_load %arg10[%get3A_650, %get3A_651, %get3A_652] {strides = array<i32>} : memref<16x8x16xf32, #tpu.memory_space<vmem>>, vector<1x1x16xf32>,
    %get3A_654 = vector.shape_cast %get3A_653 : vector<1x1x16xf32> to vector<16xf32>
    %add3A_655 = arith.addf %add3A_647, %get3A_654 : vector<16xf32>
    %get3A_656 = arith.constant 10 : i32
    %get3A_657 = arith.constant 3 : i32
    %get3A_658 = arith.index_cast %get3A_656 : i32 to index
    %get3A_659 = arith.index_cast %get3A_657 : i32 to index
    %get3A_660 = arith.constant 0 : index
    %get3A_661 = tpu.vector_load %arg10[%get3A_658, %get3A_659, %get3A_660] {strides = array<i32>} : memref<16x8x16xf32, #tpu.memory_space<vmem>>, vector<1x1x16xf32>,
    %get3A_662 = vector.shape_cast %get3A_661 : vector<1x1x16xf32> to vector<16xf32>
    %add3A_663 = arith.addf %add3A_655, %get3A_662 : vector<16xf32>
    %get3A_664 = arith.constant 11 : i32
    %get3A_665 = arith.constant 3 : i32
    %get3A_666 = arith.index_cast %get3A_664 : i32 to index
    %get3A_667 = arith.index_cast %get3A_665 : i32 to index
    %get3A_668 = arith.constant 0 : index
    %get3A_669 = tpu.vector_load %arg10[%get3A_666, %get3A_667, %get3A_668] {strides = array<i32>} : memref<16x8x16xf32, #tpu.memory_space<vmem>>, vector<1x1x16xf32>,
    %get3A_670 = vector.shape_cast %get3A_669 : vector<1x1x16xf32> to vector<16xf32>
    %add3A_671 = arith.addf %add3A_663, %get3A_670 : vector<16xf32>
    %get3A_672 = arith.constant 12 : i32
    %get3A_673 = arith.constant 3 : i32
    %get3A_674 = arith.index_cast %get3A_672 : i32 to index
    %get3A_675 = arith.index_cast %get3A_673 : i32 to index
    %get3A_676 = arith.constant 0 : index
    %get3A_677 = tpu.vector_load %arg10[%get3A_674, %get3A_675, %get3A_676] {strides = array<i32>} : memref<16x8x16xf32, #tpu.memory_space<vmem>>, vector<1x1x16xf32>,
    %get3A_678 = vector.shape_cast %get3A_677 : vector<1x1x16xf32> to vector<16xf32>
    %add3A_679 = arith.addf %add3A_671, %get3A_678 : vector<16xf32>
    %get3A_680 = arith.constant 13 : i32
    %get3A_681 = arith.constant 3 : i32
    %get3A_682 = arith.index_cast %get3A_680 : i32 to index
    %get3A_683 = arith.index_cast %get3A_681 : i32 to index
    %get3A_684 = arith.constant 0 : index
    %get3A_685 = tpu.vector_load %arg10[%get3A_682, %get3A_683, %get3A_684] {strides = array<i32>} : memref<16x8x16xf32, #tpu.memory_space<vmem>>, vector<1x1x16xf32>,
    %get3A_686 = vector.shape_cast %get3A_685 : vector<1x1x16xf32> to vector<16xf32>
    %add3A_687 = arith.addf %add3A_679, %get3A_686 : vector<16xf32>
    %get3A_688 = arith.constant 14 : i32
    %get3A_689 = arith.constant 3 : i32
    %get3A_690 = arith.index_cast %get3A_688 : i32 to index
    %get3A_691 = arith.index_cast %get3A_689 : i32 to index
    %get3A_692 = arith.constant 0 : index
    %get3A_693 = tpu.vector_load %arg10[%get3A_690, %get3A_691, %get3A_692] {strides = array<i32>} : memref<16x8x16xf32, #tpu.memory_space<vmem>>, vector<1x1x16xf32>,
    %get3A_694 = vector.shape_cast %get3A_693 : vector<1x1x16xf32> to vector<16xf32>
    %add3A_695 = arith.addf %add3A_687, %get3A_694 : vector<16xf32>
    %get3A_696 = arith.constant 15 : i32
    %get3A_697 = arith.constant 3 : i32
    %get3A_698 = arith.index_cast %get3A_696 : i32 to index
    %get3A_699 = arith.index_cast %get3A_697 : i32 to index
    %get3A_700 = arith.constant 0 : index
    %get3A_701 = tpu.vector_load %arg10[%get3A_698, %get3A_699, %get3A_700] {strides = array<i32>} : memref<16x8x16xf32, #tpu.memory_space<vmem>>, vector<1x1x16xf32>,
    %get3A_702 = vector.shape_cast %get3A_701 : vector<1x1x16xf32> to vector<16xf32>
    %add3A_703 = arith.addf %add3A_695, %get3A_702 : vector<16xf32>
    %slice3A_704 = vector.extract_strided_slice %add3A_703 {offsets = [8], sizes = [1], strides = [1]} : vector<16xf32> to vector<1xf32>
    %squeeze3A_705 = vector.extract %slice3A_704[0] : f32 from vector<1xf32>
    %max3A_706 = arith.constant 1.000000e+00 : f32
    %max3A_707 = arith.maximumf %squeeze3A_705, %max3A_706 : f32
    %div3A_708 = vector.broadcast %max3A_707 : f32 to vector<16xf32>
    %div3A_709 = arith.divf %add3A_703, %div3A_708 : vector<16xf32>
    %add3A_710 = arith.addf %div3A_709, %get3A_160 : vector<16xf32>
    %swap3A_711 = arith.constant 3 : i32
    %swap3A_712 = arith.index_cast %swap3A_711 : i32 to index
    %swap3A_713 = arith.constant 0 : index
    %swap3A_714 = tpu.vector_load %arg9[%swap3A_712, %swap3A_713] {strides = array<i32>} : memref<8x16xf32, #tpu.memory_space<vmem>>, vector<1x16xf32>,
    %swap3A_715 = vector.shape_cast %swap3A_714 : vector<1x16xf32> to vector<16xf32>
    %swap3A_716 = vector.shape_cast %add3A_710 : vector<16xf32> to vector<1x16xf32>
    tpu.vector_store %arg9[%swap3A_712, %swap3A_713], %swap3A_716 {strides = array<i32>} : memref<8x16xf32, #tpu.memory_space<vmem>>, vector<1x16xf32>,
    %get3A_717 = arith.constant 0 : i32
    %get3A_718 = arith.constant 4 : i32
    %get3A_719 = arith.index_cast %get3A_717 : i32 to index
    %get3A_720 = arith.index_cast %get3A_718 : i32 to index
    %get3A_721 = arith.constant 0 : index
    %get3A_722 = tpu.vector_load %arg10[%get3A_719, %get3A_720, %get3A_721] {strides = array<i32>} : memref<16x8x16xf32, #tpu.memory_space<vmem>>, vector<1x1x16xf32>,
    %get3A_723 = vector.shape_cast %get3A_722 : vector<1x1x16xf32> to vector<16xf32>
    %get3A_724 = arith.constant 1 : i32
    %get3A_725 = arith.constant 4 : i32
    %get3A_726 = arith.index_cast %get3A_724 : i32 to index
    %get3A_727 = arith.index_cast %get3A_725 : i32 to index
    %get3A_728 = arith.constant 0 : index
    %get3A_729 = tpu.vector_load %arg10[%get3A_726, %get3A_727, %get3A_728] {strides = array<i32>} : memref<16x8x16xf32, #tpu.memory_space<vmem>>, vector<1x1x16xf32>,
    %get3A_730 = vector.shape_cast %get3A_729 : vector<1x1x16xf32> to vector<16xf32>
    %add3A_731 = arith.addf %get3A_723, %get3A_730 : vector<16xf32>
    %get3A_732 = arith.constant 2 : i32
    %get3A_733 = arith.constant 4 : i32
    %get3A_734 = arith.index_cast %get3A_732 : i32 to index
    %get3A_735 = arith.index_cast %get3A_733 : i32 to index
    %get3A_736 = arith.constant 0 : index
    %get3A_737 = tpu.vector_load %arg10[%get3A_734, %get3A_735, %get3A_736] {strides = array<i32>} : memref<16x8x16xf32, #tpu.memory_space<vmem>>, vector<1x1x16xf32>,
    %get3A_738 = vector.shape_cast %get3A_737 : vector<1x1x16xf32> to vector<16xf32>
    %add3A_739 = arith.addf %add3A_731, %get3A_738 : vector<16xf32>
    %get3A_740 = arith.constant 3 : i32
    %get3A_741 = arith.constant 4 : i32
    %get3A_742 = arith.index_cast %get3A_740 : i32 to index
    %get3A_743 = arith.index_cast %get3A_741 : i32 to index
    %get3A_744 = arith.constant 0 : index
    %get3A_745 = tpu.vector_load %arg10[%get3A_742, %get3A_743, %get3A_744] {strides = array<i32>} : memref<16x8x16xf32, #tpu.memory_space<vmem>>, vector<1x1x16xf32>,
    %get3A_746 = vector.shape_cast %get3A_745 : vector<1x1x16xf32> to vector<16xf32>
    %add3A_747 = arith.addf %add3A_739, %get3A_746 : vector<16xf32>
    %get3A_748 = arith.constant 4 : i32
    %get3A_749 = arith.constant 4 : i32
    %get3A_750 = arith.index_cast %get3A_748 : i32 to index
    %get3A_751 = arith.index_cast %get3A_749 : i32 to index
    %get3A_752 = arith.constant 0 : index
    %get3A_753 = tpu.vector_load %arg10[%get3A_750, %get3A_751, %get3A_752] {strides = array<i32>} : memref<16x8x16xf32, #tpu.memory_space<vmem>>, vector<1x1x16xf32>,
    %get3A_754 = vector.shape_cast %get3A_753 : vector<1x1x16xf32> to vector<16xf32>
    %add3A_755 = arith.addf %add3A_747, %get3A_754 : vector<16xf32>
    %get3A_756 = arith.constant 5 : i32
    %get3A_757 = arith.constant 4 : i32
    %get3A_758 = arith.index_cast %get3A_756 : i32 to index
    %get3A_759 = arith.index_cast %get3A_757 : i32 to index
    %get3A_760 = arith.constant 0 : index
    %get3A_761 = tpu.vector_load %arg10[%get3A_758, %get3A_759, %get3A_760] {strides = array<i32>} : memref<16x8x16xf32, #tpu.memory_space<vmem>>, vector<1x1x16xf32>,
    %get3A_762 = vector.shape_cast %get3A_761 : vector<1x1x16xf32> to vector<16xf32>
    %add3A_763 = arith.addf %add3A_755, %get3A_762 : vector<16xf32>
    %get3A_764 = arith.constant 6 : i32
    %get3A_765 = arith.constant 4 : i32
    %get3A_766 = arith.index_cast %get3A_764 : i32 to index
    %get3A_767 = arith.index_cast %get3A_765 : i32 to index
    %get3A_768 = arith.constant 0 : index
    %get3A_769 = tpu.vector_load %arg10[%get3A_766, %get3A_767, %get3A_768] {strides = array<i32>} : memref<16x8x16xf32, #tpu.memory_space<vmem>>, vector<1x1x16xf32>,
    %get3A_770 = vector.shape_cast %get3A_769 : vector<1x1x16xf32> to vector<16xf32>
    %add3A_771 = arith.addf %add3A_763, %get3A_770 : vector<16xf32>
    %get3A_772 = arith.constant 7 : i32
    %get3A_773 = arith.constant 4 : i32
    %get3A_774 = arith.index_cast %get3A_772 : i32 to index
    %get3A_775 = arith.index_cast %get3A_773 : i32 to index
    %get3A_776 = arith.constant 0 : index
    %get3A_777 = tpu.vector_load %arg10[%get3A_774, %get3A_775, %get3A_776] {strides = array<i32>} : memref<16x8x16xf32, #tpu.memory_space<vmem>>, vector<1x1x16xf32>,
    %get3A_778 = vector.shape_cast %get3A_777 : vector<1x1x16xf32> to vector<16xf32>
    %add3A_779 = arith.addf %add3A_771, %get3A_778 : vector<16xf32>
    %get3A_780 = arith.constant 8 : i32
    %get3A_781 = arith.constant 4 : i32
    %get3A_782 = arith.index_cast %get3A_780 : i32 to index
    %get3A_783 = arith.index_cast %get3A_781 : i32 to index
    %get3A_784 = arith.constant 0 : index
    %get3A_785 = tpu.vector_load %arg10[%get3A_782, %get3A_783, %get3A_784] {strides = array<i32>} : memref<16x8x16xf32, #tpu.memory_space<vmem>>, vector<1x1x16xf32>,
    %get3A_786 = vector.shape_cast %get3A_785 : vector<1x1x16xf32> to vector<16xf32>
    %add3A_787 = arith.addf %add3A_779, %get3A_786 : vector<16xf32>
    %get3A_788 = arith.constant 9 : i32
    %get3A_789 = arith.constant 4 : i32
    %get3A_790 = arith.index_cast %get3A_788 : i32 to index
    %get3A_791 = arith.index_cast %get3A_789 : i32 to index
    %get3A_792 = arith.constant 0 : index
    %get3A_793 = tpu.vector_load %arg10[%get3A_790, %get3A_791, %get3A_792] {strides = array<i32>} : memref<16x8x16xf32, #tpu.memory_space<vmem>>, vector<1x1x16xf32>,
    %get3A_794 = vector.shape_cast %get3A_793 : vector<1x1x16xf32> to vector<16xf32>
    %add3A_795 = arith.addf %add3A_787, %get3A_794 : vector<16xf32>
    %get3A_796 = arith.constant 10 : i32
    %get3A_797 = arith.constant 4 : i32
    %get3A_798 = arith.index_cast %get3A_796 : i32 to index
    %get3A_799 = arith.index_cast %get3A_797 : i32 to index
    %get3A_800 = arith.constant 0 : index
    %get3A_801 = tpu.vector_load %arg10[%get3A_798, %get3A_799, %get3A_800] {strides = array<i32>} : memref<16x8x16xf32, #tpu.memory_space<vmem>>, vector<1x1x16xf32>,
    %get3A_802 = vector.shape_cast %get3A_801 : vector<1x1x16xf32> to vector<16xf32>
    %add3A_803 = arith.addf %add3A_795, %get3A_802 : vector<16xf32>
    %get3A_804 = arith.constant 11 : i32
    %get3A_805 = arith.constant 4 : i32
    %get3A_806 = arith.index_cast %get3A_804 : i32 to index
    %get3A_807 = arith.index_cast %get3A_805 : i32 to index
    %get3A_808 = arith.constant 0 : index
    %get3A_809 = tpu.vector_load %arg10[%get3A_806, %get3A_807, %get3A_808] {strides = array<i32>} : memref<16x8x16xf32, #tpu.memory_space<vmem>>, vector<1x1x16xf32>,
    %get3A_810 = vector.shape_cast %get3A_809 : vector<1x1x16xf32> to vector<16xf32>
    %add3A_811 = arith.addf %add3A_803, %get3A_810 : vector<16xf32>
    %get3A_812 = arith.constant 12 : i32
    %get3A_813 = arith.constant 4 : i32
    %get3A_814 = arith.index_cast %get3A_812 : i32 to index
    %get3A_815 = arith.index_cast %get3A_813 : i32 to index
    %get3A_816 = arith.constant 0 : index
    %get3A_817 = tpu.vector_load %arg10[%get3A_814, %get3A_815, %get3A_816] {strides = array<i32>} : memref<16x8x16xf32, #tpu.memory_space<vmem>>, vector<1x1x16xf32>,
    %get3A_818 = vector.shape_cast %get3A_817 : vector<1x1x16xf32> to vector<16xf32>
    %add3A_819 = arith.addf %add3A_811, %get3A_818 : vector<16xf32>
    %get3A_820 = arith.constant 13 : i32
    %get3A_821 = arith.constant 4 : i32
    %get3A_822 = arith.index_cast %get3A_820 : i32 to index
    %get3A_823 = arith.index_cast %get3A_821 : i32 to index
    %get3A_824 = arith.constant 0 : index
    %get3A_825 = tpu.vector_load %arg10[%get3A_822, %get3A_823, %get3A_824] {strides = array<i32>} : memref<16x8x16xf32, #tpu.memory_space<vmem>>, vector<1x1x16xf32>,
    %get3A_826 = vector.shape_cast %get3A_825 : vector<1x1x16xf32> to vector<16xf32>
    %add3A_827 = arith.addf %add3A_819, %get3A_826 : vector<16xf32>
    %get3A_828 = arith.constant 14 : i32
    %get3A_829 = arith.constant 4 : i32
    %get3A_830 = arith.index_cast %get3A_828 : i32 to index
    %get3A_831 = arith.index_cast %get3A_829 : i32 to index
    %get3A_832 = arith.constant 0 : index
    %get3A_833 = tpu.vector_load %arg10[%get3A_830, %get3A_831, %get3A_832] {strides = array<i32>} : memref<16x8x16xf32, #tpu.memory_space<vmem>>, vector<1x1x16xf32>,
    %get3A_834 = vector.shape_cast %get3A_833 : vector<1x1x16xf32> to vector<16xf32>
    %add3A_835 = arith.addf %add3A_827, %get3A_834 : vector<16xf32>
    %get3A_836 = arith.constant 15 : i32
    %get3A_837 = arith.constant 4 : i32
    %get3A_838 = arith.index_cast %get3A_836 : i32 to index
    %get3A_839 = arith.index_cast %get3A_837 : i32 to index
    %get3A_840 = arith.constant 0 : index
    %get3A_841 = tpu.vector_load %arg10[%get3A_838, %get3A_839, %get3A_840] {strides = array<i32>} : memref<16x8x16xf32, #tpu.memory_space<vmem>>, vector<1x1x16xf32>,
    %get3A_842 = vector.shape_cast %get3A_841 : vector<1x1x16xf32> to vector<16xf32>
    %add3A_843 = arith.addf %add3A_835, %get3A_842 : vector<16xf32>
    %slice3A_844 = vector.extract_strided_slice %add3A_843 {offsets = [8], sizes = [1], strides = [1]} : vector<16xf32> to vector<1xf32>
    %squeeze3A_845 = vector.extract %slice3A_844[0] : f32 from vector<1xf32>
    %max3A_846 = arith.constant 1.000000e+00 : f32
    %max3A_847 = arith.maximumf %squeeze3A_845, %max3A_846 : f32
    %div3A_848 = vector.broadcast %max3A_847 : f32 to vector<16xf32>
    %div3A_849 = arith.divf %add3A_843, %div3A_848 : vector<16xf32>
    %add3A_850 = arith.addf %div3A_849, %get3A_160 : vector<16xf32>
    %swap3A_851 = arith.constant 4 : i32
    %swap3A_852 = arith.index_cast %swap3A_851 : i32 to index
    %swap3A_853 = arith.constant 0 : index
    %swap3A_854 = tpu.vector_load %arg9[%swap3A_852, %swap3A_853] {strides = array<i32>} : memref<8x16xf32, #tpu.memory_space<vmem>>, vector<1x16xf32>,
    %swap3A_855 = vector.shape_cast %swap3A_854 : vector<1x16xf32> to vector<16xf32>
    %swap3A_856 = vector.shape_cast %add3A_850 : vector<16xf32> to vector<1x16xf32>
    tpu.vector_store %arg9[%swap3A_852, %swap3A_853], %swap3A_856 {strides = array<i32>} : memref<8x16xf32, #tpu.memory_space<vmem>>, vector<1x16xf32>,
    %get3A_857 = arith.constant 0 : i32
    %get3A_858 = arith.constant 5 : i32
    %get3A_859 = arith.index_cast %get3A_857 : i32 to index
    %get3A_860 = arith.index_cast %get3A_858 : i32 to index
    %get3A_861 = arith.constant 0 : index
    %get3A_862 = tpu.vector_load %arg10[%get3A_859, %get3A_860, %get3A_861] {strides = array<i32>} : memref<16x8x16xf32, #tpu.memory_space<vmem>>, vector<1x1x16xf32>,
    %get3A_863 = vector.shape_cast %get3A_862 : vector<1x1x16xf32> to vector<16xf32>
    %get3A_864 = arith.constant 1 : i32
    %get3A_865 = arith.constant 5 : i32
    %get3A_866 = arith.index_cast %get3A_864 : i32 to index
    %get3A_867 = arith.index_cast %get3A_865 : i32 to index
    %get3A_868 = arith.constant 0 : index
    %get3A_869 = tpu.vector_load %arg10[%get3A_866, %get3A_867, %get3A_868] {strides = array<i32>} : memref<16x8x16xf32, #tpu.memory_space<vmem>>, vector<1x1x16xf32>,
    %get3A_870 = vector.shape_cast %get3A_869 : vector<1x1x16xf32> to vector<16xf32>
    %add3A_871 = arith.addf %get3A_863, %get3A_870 : vector<16xf32>
    %get3A_872 = arith.constant 2 : i32
    %get3A_873 = arith.constant 5 : i32
    %get3A_874 = arith.index_cast %get3A_872 : i32 to index
    %get3A_875 = arith.index_cast %get3A_873 : i32 to index
    %get3A_876 = arith.constant 0 : index
    %get3A_877 = tpu.vector_load %arg10[%get3A_874, %get3A_875, %get3A_876] {strides = array<i32>} : memref<16x8x16xf32, #tpu.memory_space<vmem>>, vector<1x1x16xf32>,
    %get3A_878 = vector.shape_cast %get3A_877 : vector<1x1x16xf32> to vector<16xf32>
    %add3A_879 = arith.addf %add3A_871, %get3A_878 : vector<16xf32>
    %get3A_880 = arith.constant 3 : i32
    %get3A_881 = arith.constant 5 : i32
    %get3A_882 = arith.index_cast %get3A_880 : i32 to index
    %get3A_883 = arith.index_cast %get3A_881 : i32 to index
    %get3A_884 = arith.constant 0 : index
    %get3A_885 = tpu.vector_load %arg10[%get3A_882, %get3A_883, %get3A_884] {strides = array<i32>} : memref<16x8x16xf32, #tpu.memory_space<vmem>>, vector<1x1x16xf32>,
    %get3A_886 = vector.shape_cast %get3A_885 : vector<1x1x16xf32> to vector<16xf32>
    %add3A_887 = arith.addf %add3A_879, %get3A_886 : vector<16xf32>
    %get3A_888 = arith.constant 4 : i32
    %get3A_889 = arith.constant 5 : i32
    %get3A_890 = arith.index_cast %get3A_888 : i32 to index
    %get3A_891 = arith.index_cast %get3A_889 : i32 to index
    %get3A_892 = arith.constant 0 : index
    %get3A_893 = tpu.vector_load %arg10[%get3A_890, %get3A_891, %get3A_892] {strides = array<i32>} : memref<16x8x16xf32, #tpu.memory_space<vmem>>, vector<1x1x16xf32>,
    %get3A_894 = vector.shape_cast %get3A_893 : vector<1x1x16xf32> to vector<16xf32>
    %add3A_895 = arith.addf %add3A_887, %get3A_894 : vector<16xf32>
    %get3A_896 = arith.constant 5 : i32
    %get3A_897 = arith.constant 5 : i32
    %get3A_898 = arith.index_cast %get3A_896 : i32 to index
    %get3A_899 = arith.index_cast %get3A_897 : i32 to index
    %get3A_900 = arith.constant 0 : index
    %get3A_901 = tpu.vector_load %arg10[%get3A_898, %get3A_899, %get3A_900] {strides = array<i32>} : memref<16x8x16xf32, #tpu.memory_space<vmem>>, vector<1x1x16xf32>,
    %get3A_902 = vector.shape_cast %get3A_901 : vector<1x1x16xf32> to vector<16xf32>
    %add3A_903 = arith.addf %add3A_895, %get3A_902 : vector<16xf32>
    %get3A_904 = arith.constant 6 : i32
    %get3A_905 = arith.constant 5 : i32
    %get3A_906 = arith.index_cast %get3A_904 : i32 to index
    %get3A_907 = arith.index_cast %get3A_905 : i32 to index
    %get3A_908 = arith.constant 0 : index
    %get3A_909 = tpu.vector_load %arg10[%get3A_906, %get3A_907, %get3A_908] {strides = array<i32>} : memref<16x8x16xf32, #tpu.memory_space<vmem>>, vector<1x1x16xf32>,
    %get3A_910 = vector.shape_cast %get3A_909 : vector<1x1x16xf32> to vector<16xf32>
    %add3A_911 = arith.addf %add3A_903, %get3A_910 : vector<16xf32>
    %get3A_912 = arith.constant 7 : i32
    %get3A_913 = arith.constant 5 : i32
    %get3A_914 = arith.index_cast %get3A_912 : i32 to index
    %get3A_915 = arith.index_cast %get3A_913 : i32 to index
    %get3A_916 = arith.constant 0 : index
    %get3A_917 = tpu.vector_load %arg10[%get3A_914, %get3A_915, %get3A_916] {strides = array<i32>} : memref<16x8x16xf32, #tpu.memory_space<vmem>>, vector<1x1x16xf32>,
    %get3A_918 = vector.shape_cast %get3A_917 : vector<1x1x16xf32> to vector<16xf32>
    %add3A_919 = arith.addf %add3A_911, %get3A_918 : vector<16xf32>
    %get3A_920 = arith.constant 8 : i32
    %get3A_921 = arith.constant 5 : i32
    %get3A_922 = arith.index_cast %get3A_920 : i32 to index
    %get3A_923 = arith.index_cast %get3A_921 : i32 to index
    %get3A_924 = arith.constant 0 : index
    %get3A_925 = tpu.vector_load %arg10[%get3A_922, %get3A_923, %get3A_924] {strides = array<i32>} : memref<16x8x16xf32, #tpu.memory_space<vmem>>, vector<1x1x16xf32>,
    %get3A_926 = vector.shape_cast %get3A_925 : vector<1x1x16xf32> to vector<16xf32>
    %add3A_927 = arith.addf %add3A_919, %get3A_926 : vector<16xf32>
    %get3A_928 = arith.constant 9 : i32
    %get3A_929 = arith.constant 5 : i32
    %get3A_930 = arith.index_cast %get3A_928 : i32 to index
    %get3A_931 = arith.index_cast %get3A_929 : i32 to index
    %get3A_932 = arith.constant 0 : index
    %get3A_933 = tpu.vector_load %arg10[%get3A_930, %get3A_931, %get3A_932] {strides = array<i32>} : memref<16x8x16xf32, #tpu.memory_space<vmem>>, vector<1x1x16xf32>,
    %get3A_934 = vector.shape_cast %get3A_933 : vector<1x1x16xf32> to vector<16xf32>
    %add3A_935 = arith.addf %add3A_927, %get3A_934 : vector<16xf32>
    %get3A_936 = arith.constant 10 : i32
    %get3A_937 = arith.constant 5 : i32
    %get3A_938 = arith.index_cast %get3A_936 : i32 to index
    %get3A_939 = arith.index_cast %get3A_937 : i32 to index
    %get3A_940 = arith.constant 0 : index
    %get3A_941 = tpu.vector_load %arg10[%get3A_938, %get3A_939, %get3A_940] {strides = array<i32>} : memref<16x8x16xf32, #tpu.memory_space<vmem>>, vector<1x1x16xf32>,
    %get3A_942 = vector.shape_cast %get3A_941 : vector<1x1x16xf32> to vector<16xf32>
    %add3A_943 = arith.addf %add3A_935, %get3A_942 : vector<16xf32>
    %get3A_944 = arith.constant 11 : i32
    %get3A_945 = arith.constant 5 : i32
    %get3A_946 = arith.index_cast %get3A_944 : i32 to index
    %get3A_947 = arith.index_cast %get3A_945 : i32 to index
    %get3A_948 = arith.constant 0 : index
    %get3A_949 = tpu.vector_load %arg10[%get3A_946, %get3A_947, %get3A_948] {strides = array<i32>} : memref<16x8x16xf32, #tpu.memory_space<vmem>>, vector<1x1x16xf32>,
    %get3A_950 = vector.shape_cast %get3A_949 : vector<1x1x16xf32> to vector<16xf32>
    %add3A_951 = arith.addf %add3A_943, %get3A_950 : vector<16xf32>
    %get3A_952 = arith.constant 12 : i32
    %get3A_953 = arith.constant 5 : i32
    %get3A_954 = arith.index_cast %get3A_952 : i32 to index
    %get3A_955 = arith.index_cast %get3A_953 : i32 to index
    %get3A_956 = arith.constant 0 : index
    %get3A_957 = tpu.vector_load %arg10[%get3A_954, %get3A_955, %get3A_956] {strides = array<i32>} : memref<16x8x16xf32, #tpu.memory_space<vmem>>, vector<1x1x16xf32>,
    %get3A_958 = vector.shape_cast %get3A_957 : vector<1x1x16xf32> to vector<16xf32>
    %add3A_959 = arith.addf %add3A_951, %get3A_958 : vector<16xf32>
    %get3A_960 = arith.constant 13 : i32
    %get3A_961 = arith.constant 5 : i32
    %get3A_962 = arith.index_cast %get3A_960 : i32 to index
    %get3A_963 = arith.index_cast %get3A_961 : i32 to index
    %get3A_964 = arith.constant 0 : index
    %get3A_965 = tpu.vector_load %arg10[%get3A_962, %get3A_963, %get3A_964] {strides = array<i32>} : memref<16x8x16xf32, #tpu.memory_space<vmem>>, vector<1x1x16xf32>,
    %get3A_966 = vector.shape_cast %get3A_965 : vector<1x1x16xf32> to vector<16xf32>
    %add3A_967 = arith.addf %add3A_959, %get3A_966 : vector<16xf32>
    %get3A_968 = arith.constant 14 : i32
    %get3A_969 = arith.constant 5 : i32
    %get3A_970 = arith.index_cast %get3A_968 : i32 to index
    %get3A_971 = arith.index_cast %get3A_969 : i32 to index
    %get3A_972 = arith.constant 0 : index
    %get3A_973 = tpu.vector_load %arg10[%get3A_970, %get3A_971, %get3A_972] {strides = array<i32>} : memref<16x8x16xf32, #tpu.memory_space<vmem>>, vector<1x1x16xf32>,
    %get3A_974 = vector.shape_cast %get3A_973 : vector<1x1x16xf32> to vector<16xf32>
    %add3A_975 = arith.addf %add3A_967, %get3A_974 : vector<16xf32>
    %get3A_976 = arith.constant 15 : i32
    %get3A_977 = arith.constant 5 : i32
    %get3A_978 = arith.index_cast %get3A_976 : i32 to index
    %get3A_979 = arith.index_cast %get3A_977 : i32 to index
    %get3A_980 = arith.constant 0 : index
    %get3A_981 = tpu.vector_load %arg10[%get3A_978, %get3A_979, %get3A_980] {strides = array<i32>} : memref<16x8x16xf32, #tpu.memory_space<vmem>>, vector<1x1x16xf32>,
    %get3A_982 = vector.shape_cast %get3A_981 : vector<1x1x16xf32> to vector<16xf32>
    %add3A_983 = arith.addf %add3A_975, %get3A_982 : vector<16xf32>
    %slice3A_984 = vector.extract_strided_slice %add3A_983 {offsets = [8], sizes = [1], strides = [1]} : vector<16xf32> to vector<1xf32>
    %squeeze3A_985 = vector.extract %slice3A_984[0] : f32 from vector<1xf32>
    %max3A_986 = arith.constant 1.000000e+00 : f32
    %max3A_987 = arith.maximumf %squeeze3A_985, %max3A_986 : f32
    %div3A_988 = vector.broadcast %max3A_987 : f32 to vector<16xf32>
    %div3A_989 = arith.divf %add3A_983, %div3A_988 : vector<16xf32>
    %add3A_990 = arith.addf %div3A_989, %get3A_160 : vector<16xf32>
    %swap3A_991 = arith.constant 5 : i32
    %swap3A_992 = arith.index_cast %swap3A_991 : i32 to index
    %swap3A_993 = arith.constant 0 : index
    %swap3A_994 = tpu.vector_load %arg9[%swap3A_992, %swap3A_993] {strides = array<i32>} : memref<8x16xf32, #tpu.memory_space<vmem>>, vector<1x16xf32>,
    %swap3A_995 = vector.shape_cast %swap3A_994 : vector<1x16xf32> to vector<16xf32>
    %swap3A_996 = vector.shape_cast %add3A_990 : vector<16xf32> to vector<1x16xf32>
    tpu.vector_store %arg9[%swap3A_992, %swap3A_993], %swap3A_996 {strides = array<i32>} : memref<8x16xf32, #tpu.memory_space<vmem>>, vector<1x16xf32>,
    %get3A_997 = arith.constant 0 : i32
    %get3A_998 = arith.constant 6 : i32
    %get3A_999 = arith.index_cast %get3A_997 : i32 to index
    %get3A_1000 = arith.index_cast %get3A_998 : i32 to index
    %get3A_1001 = arith.constant 0 : index
    %get3A_1002 = tpu.vector_load %arg10[%get3A_999, %get3A_1000, %get3A_1001] {strides = array<i32>} : memref<16x8x16xf32, #tpu.memory_space<vmem>>, vector<1x1x16xf32>,
    %get3A_1003 = vector.shape_cast %get3A_1002 : vector<1x1x16xf32> to vector<16xf32>
    %get3A_1004 = arith.constant 1 : i32
    %get3A_1005 = arith.constant 6 : i32
    %get3A_1006 = arith.index_cast %get3A_1004 : i32 to index
    %get3A_1007 = arith.index_cast %get3A_1005 : i32 to index
    %get3A_1008 = arith.constant 0 : index
    %get3A_1009 = tpu.vector_load %arg10[%get3A_1006, %get3A_1007, %get3A_1008] {strides = array<i32>} : memref<16x8x16xf32, #tpu.memory_space<vmem>>, vector<1x1x16xf32>,
    %get3A_1010 = vector.shape_cast %get3A_1009 : vector<1x1x16xf32> to vector<16xf32>
    %add3A_1011 = arith.addf %get3A_1003, %get3A_1010 : vector<16xf32>
    %get3A_1012 = arith.constant 2 : i32
    %get3A_1013 = arith.constant 6 : i32
    %get3A_1014 = arith.index_cast %get3A_1012 : i32 to index
    %get3A_1015 = arith.index_cast %get3A_1013 : i32 to index
    %get3A_1016 = arith.constant 0 : index
    %get3A_1017 = tpu.vector_load %arg10[%get3A_1014, %get3A_1015, %get3A_1016] {strides = array<i32>} : memref<16x8x16xf32, #tpu.memory_space<vmem>>, vector<1x1x16xf32>,
    %get3A_1018 = vector.shape_cast %get3A_1017 : vector<1x1x16xf32> to vector<16xf32>
    %add3A_1019 = arith.addf %add3A_1011, %get3A_1018 : vector<16xf32>
    %get3A_1020 = arith.constant 3 : i32
    %get3A_1021 = arith.constant 6 : i32
    %get3A_1022 = arith.index_cast %get3A_1020 : i32 to index
    %get3A_1023 = arith.index_cast %get3A_1021 : i32 to index
    %get3A_1024 = arith.constant 0 : index
    %get3A_1025 = tpu.vector_load %arg10[%get3A_1022, %get3A_1023, %get3A_1024] {strides = array<i32>} : memref<16x8x16xf32, #tpu.memory_space<vmem>>, vector<1x1x16xf32>,
    %get3A_1026 = vector.shape_cast %get3A_1025 : vector<1x1x16xf32> to vector<16xf32>
    %add3A_1027 = arith.addf %add3A_1019, %get3A_1026 : vector<16xf32>
    %get3A_1028 = arith.constant 4 : i32
    %get3A_1029 = arith.constant 6 : i32
    %get3A_1030 = arith.index_cast %get3A_1028 : i32 to index
    %get3A_1031 = arith.index_cast %get3A_1029 : i32 to index
    %get3A_1032 = arith.constant 0 : index
    %get3A_1033 = tpu.vector_load %arg10[%get3A_1030, %get3A_1031, %get3A_1032] {strides = array<i32>} : memref<16x8x16xf32, #tpu.memory_space<vmem>>, vector<1x1x16xf32>,
    %get3A_1034 = vector.shape_cast %get3A_1033 : vector<1x1x16xf32> to vector<16xf32>
    %add3A_1035 = arith.addf %add3A_1027, %get3A_1034 : vector<16xf32>
    %get3A_1036 = arith.constant 5 : i32
    %get3A_1037 = arith.constant 6 : i32
    %get3A_1038 = arith.index_cast %get3A_1036 : i32 to index
    %get3A_1039 = arith.index_cast %get3A_1037 : i32 to index
    %get3A_1040 = arith.constant 0 : index
    %get3A_1041 = tpu.vector_load %arg10[%get3A_1038, %get3A_1039, %get3A_1040] {strides = array<i32>} : memref<16x8x16xf32, #tpu.memory_space<vmem>>, vector<1x1x16xf32>,
    %get3A_1042 = vector.shape_cast %get3A_1041 : vector<1x1x16xf32> to vector<16xf32>
    %add3A_1043 = arith.addf %add3A_1035, %get3A_1042 : vector<16xf32>
    %get3A_1044 = arith.constant 6 : i32
    %get3A_1045 = arith.constant 6 : i32
    %get3A_1046 = arith.index_cast %get3A_1044 : i32 to index
    %get3A_1047 = arith.index_cast %get3A_1045 : i32 to index
    %get3A_1048 = arith.constant 0 : index
    %get3A_1049 = tpu.vector_load %arg10[%get3A_1046, %get3A_1047, %get3A_1048] {strides = array<i32>} : memref<16x8x16xf32, #tpu.memory_space<vmem>>, vector<1x1x16xf32>,
    %get3A_1050 = vector.shape_cast %get3A_1049 : vector<1x1x16xf32> to vector<16xf32>
    %add3A_1051 = arith.addf %add3A_1043, %get3A_1050 : vector<16xf32>
    %get3A_1052 = arith.constant 7 : i32
    %get3A_1053 = arith.constant 6 : i32
    %get3A_1054 = arith.index_cast %get3A_1052 : i32 to index
    %get3A_1055 = arith.index_cast %get3A_1053 : i32 to index
    %get3A_1056 = arith.constant 0 : index
    %get3A_1057 = tpu.vector_load %arg10[%get3A_1054, %get3A_1055, %get3A_1056] {strides = array<i32>} : memref<16x8x16xf32, #tpu.memory_space<vmem>>, vector<1x1x16xf32>,
    %get3A_1058 = vector.shape_cast %get3A_1057 : vector<1x1x16xf32> to vector<16xf32>
    %add3A_1059 = arith.addf %add3A_1051, %get3A_1058 : vector<16xf32>
    %get3A_1060 = arith.constant 8 : i32
    %get3A_1061 = arith.constant 6 : i32
    %get3A_1062 = arith.index_cast %get3A_1060 : i32 to index
    %get3A_1063 = arith.index_cast %get3A_1061 : i32 to index
    %get3A_1064 = arith.constant 0 : index
    %get3A_1065 = tpu.vector_load %arg10[%get3A_1062, %get3A_1063, %get3A_1064] {strides = array<i32>} : memref<16x8x16xf32, #tpu.memory_space<vmem>>, vector<1x1x16xf32>,
    %get3A_1066 = vector.shape_cast %get3A_1065 : vector<1x1x16xf32> to vector<16xf32>
    %add3A_1067 = arith.addf %add3A_1059, %get3A_1066 : vector<16xf32>
    %get3A_1068 = arith.constant 9 : i32
    %get3A_1069 = arith.constant 6 : i32
    %get3A_1070 = arith.index_cast %get3A_1068 : i32 to index
    %get3A_1071 = arith.index_cast %get3A_1069 : i32 to index
    %get3A_1072 = arith.constant 0 : index
    %get3A_1073 = tpu.vector_load %arg10[%get3A_1070, %get3A_1071, %get3A_1072] {strides = array<i32>} : memref<16x8x16xf32, #tpu.memory_space<vmem>>, vector<1x1x16xf32>,
    %get3A_1074 = vector.shape_cast %get3A_1073 : vector<1x1x16xf32> to vector<16xf32>
    %add3A_1075 = arith.addf %add3A_1067, %get3A_1074 : vector<16xf32>
    %get3A_1076 = arith.constant 10 : i32
    %get3A_1077 = arith.constant 6 : i32
    %get3A_1078 = arith.index_cast %get3A_1076 : i32 to index
    %get3A_1079 = arith.index_cast %get3A_1077 : i32 to index
    %get3A_1080 = arith.constant 0 : index
    %get3A_1081 = tpu.vector_load %arg10[%get3A_1078, %get3A_1079, %get3A_1080] {strides = array<i32>} : memref<16x8x16xf32, #tpu.memory_space<vmem>>, vector<1x1x16xf32>,
    %get3A_1082 = vector.shape_cast %get3A_1081 : vector<1x1x16xf32> to vector<16xf32>
    %add3A_1083 = arith.addf %add3A_1075, %get3A_1082 : vector<16xf32>
    %get3A_1084 = arith.constant 11 : i32
    %get3A_1085 = arith.constant 6 : i32
    %get3A_1086 = arith.index_cast %get3A_1084 : i32 to index
    %get3A_1087 = arith.index_cast %get3A_1085 : i32 to index
    %get3A_1088 = arith.constant 0 : index
    %get3A_1089 = tpu.vector_load %arg10[%get3A_1086, %get3A_1087, %get3A_1088] {strides = array<i32>} : memref<16x8x16xf32, #tpu.memory_space<vmem>>, vector<1x1x16xf32>,
    %get3A_1090 = vector.shape_cast %get3A_1089 : vector<1x1x16xf32> to vector<16xf32>
    %add3A_1091 = arith.addf %add3A_1083, %get3A_1090 : vector<16xf32>
    %get3A_1092 = arith.constant 12 : i32
    %get3A_1093 = arith.constant 6 : i32
    %get3A_1094 = arith.index_cast %get3A_1092 : i32 to index
    %get3A_1095 = arith.index_cast %get3A_1093 : i32 to index
    %get3A_1096 = arith.constant 0 : index
    %get3A_1097 = tpu.vector_load %arg10[%get3A_1094, %get3A_1095, %get3A_1096] {strides = array<i32>} : memref<16x8x16xf32, #tpu.memory_space<vmem>>, vector<1x1x16xf32>,
    %get3A_1098 = vector.shape_cast %get3A_1097 : vector<1x1x16xf32> to vector<16xf32>
    %add3A_1099 = arith.addf %add3A_1091, %get3A_1098 : vector<16xf32>
    %get3A_1100 = arith.constant 13 : i32
    %get3A_1101 = arith.constant 6 : i32
    %get3A_1102 = arith.index_cast %get3A_1100 : i32 to index
    %get3A_1103 = arith.index_cast %get3A_1101 : i32 to index
    %get3A_1104 = arith.constant 0 : index
    %get3A_1105 = tpu.vector_load %arg10[%get3A_1102, %get3A_1103, %get3A_1104] {strides = array<i32>} : memref<16x8x16xf32, #tpu.memory_space<vmem>>, vector<1x1x16xf32>,
    %get3A_1106 = vector.shape_cast %get3A_1105 : vector<1x1x16xf32> to vector<16xf32>
    %add3A_1107 = arith.addf %add3A_1099, %get3A_1106 : vector<16xf32>
    %get3A_1108 = arith.constant 14 : i32
    %get3A_1109 = arith.constant 6 : i32
    %get3A_1110 = arith.index_cast %get3A_1108 : i32 to index
    %get3A_1111 = arith.index_cast %get3A_1109 : i32 to index
    %get3A_1112 = arith.constant 0 : index
    %get3A_1113 = tpu.vector_load %arg10[%get3A_1110, %get3A_1111, %get3A_1112] {strides = array<i32>} : memref<16x8x16xf32, #tpu.memory_space<vmem>>, vector<1x1x16xf32>,
    %get3A_1114 = vector.shape_cast %get3A_1113 : vector<1x1x16xf32> to vector<16xf32>
    %add3A_1115 = arith.addf %add3A_1107, %get3A_1114 : vector<16xf32>
    %get3A_1116 = arith.constant 15 : i32
    %get3A_1117 = arith.constant 6 : i32
    %get3A_1118 = arith.index_cast %get3A_1116 : i32 to index
    %get3A_1119 = arith.index_cast %get3A_1117 : i32 to index
    %get3A_1120 = arith.constant 0 : index
    %get3A_1121 = tpu.vector_load %arg10[%get3A_1118, %get3A_1119, %get3A_1120] {strides = array<i32>} : memref<16x8x16xf32, #tpu.memory_space<vmem>>, vector<1x1x16xf32>,
    %get3A_1122 = vector.shape_cast %get3A_1121 : vector<1x1x16xf32> to vector<16xf32>
    %add3A_1123 = arith.addf %add3A_1115, %get3A_1122 : vector<16xf32>
    %slice3A_1124 = vector.extract_strided_slice %add3A_1123 {offsets = [8], sizes = [1], strides = [1]} : vector<16xf32> to vector<1xf32>
    %squeeze3A_1125 = vector.extract %slice3A_1124[0] : f32 from vector<1xf32>
    %max3A_1126 = arith.constant 1.000000e+00 : f32
    %max3A_1127 = arith.maximumf %squeeze3A_1125, %max3A_1126 : f32
    %div3A_1128 = vector.broadcast %max3A_1127 : f32 to vector<16xf32>
    %div3A_1129 = arith.divf %add3A_1123, %div3A_1128 : vector<16xf32>
    %add3A_1130 = arith.addf %div3A_1129, %get3A_160 : vector<16xf32>
    %swap3A_1131 = arith.constant 6 : i32
    %swap3A_1132 = arith.index_cast %swap3A_1131 : i32 to index
    %swap3A_1133 = arith.constant 0 : index
    %swap3A_1134 = tpu.vector_load %arg9[%swap3A_1132, %swap3A_1133] {strides = array<i32>} : memref<8x16xf32, #tpu.memory_space<vmem>>, vector<1x16xf32>,
    %swap3A_1135 = vector.shape_cast %swap3A_1134 : vector<1x16xf32> to vector<16xf32>
    %swap3A_1136 = vector.shape_cast %add3A_1130 : vector<16xf32> to vector<1x16xf32>
    tpu.vector_store %arg9[%swap3A_1132, %swap3A_1133], %swap3A_1136 {strides = array<i32>} : memref<8x16xf32, #tpu.memory_space<vmem>>, vector<1x16xf32>,
    %get3A_1137 = arith.constant 0 : i32
    %get3A_1138 = arith.constant 7 : i32
    %get3A_1139 = arith.index_cast %get3A_1137 : i32 to index
    %get3A_1140 = arith.index_cast %get3A_1138 : i32 to index
    %get3A_1141 = arith.constant 0 : index
    %get3A_1142 = tpu.vector_load %arg10[%get3A_1139, %get3A_1140, %get3A_1141] {strides = array<i32>} : memref<16x8x16xf32, #tpu.memory_space<vmem>>, vector<1x1x16xf32>,
    %get3A_1143 = vector.shape_cast %get3A_1142 : vector<1x1x16xf32> to vector<16xf32>
    %get3A_1144 = arith.constant 1 : i32
    %get3A_1145 = arith.constant 7 : i32
    %get3A_1146 = arith.index_cast %get3A_1144 : i32 to index
    %get3A_1147 = arith.index_cast %get3A_1145 : i32 to index
    %get3A_1148 = arith.constant 0 : index
    %get3A_1149 = tpu.vector_load %arg10[%get3A_1146, %get3A_1147, %get3A_1148] {strides = array<i32>} : memref<16x8x16xf32, #tpu.memory_space<vmem>>, vector<1x1x16xf32>,
    %get3A_1150 = vector.shape_cast %get3A_1149 : vector<1x1x16xf32> to vector<16xf32>
    %add3A_1151 = arith.addf %get3A_1143, %get3A_1150 : vector<16xf32>
    %get3A_1152 = arith.constant 2 : i32
    %get3A_1153 = arith.constant 7 : i32
    %get3A_1154 = arith.index_cast %get3A_1152 : i32 to index
    %get3A_1155 = arith.index_cast %get3A_1153 : i32 to index
    %get3A_1156 = arith.constant 0 : index
    %get3A_1157 = tpu.vector_load %arg10[%get3A_1154, %get3A_1155, %get3A_1156] {strides = array<i32>} : memref<16x8x16xf32, #tpu.memory_space<vmem>>, vector<1x1x16xf32>,
    %get3A_1158 = vector.shape_cast %get3A_1157 : vector<1x1x16xf32> to vector<16xf32>
    %add3A_1159 = arith.addf %add3A_1151, %get3A_1158 : vector<16xf32>
    %get3A_1160 = arith.constant 3 : i32
    %get3A_1161 = arith.constant 7 : i32
    %get3A_1162 = arith.index_cast %get3A_1160 : i32 to index
    %get3A_1163 = arith.index_cast %get3A_1161 : i32 to index
    %get3A_1164 = arith.constant 0 : index
    %get3A_1165 = tpu.vector_load %arg10[%get3A_1162, %get3A_1163, %get3A_1164] {strides = array<i32>} : memref<16x8x16xf32, #tpu.memory_space<vmem>>, vector<1x1x16xf32>,
    %get3A_1166 = vector.shape_cast %get3A_1165 : vector<1x1x16xf32> to vector<16xf32>
    %add3A_1167 = arith.addf %add3A_1159, %get3A_1166 : vector<16xf32>
    %get3A_1168 = arith.constant 4 : i32
    %get3A_1169 = arith.constant 7 : i32
    %get3A_1170 = arith.index_cast %get3A_1168 : i32 to index
    %get3A_1171 = arith.index_cast %get3A_1169 : i32 to index
    %get3A_1172 = arith.constant 0 : index
    %get3A_1173 = tpu.vector_load %arg10[%get3A_1170, %get3A_1171, %get3A_1172] {strides = array<i32>} : memref<16x8x16xf32, #tpu.memory_space<vmem>>, vector<1x1x16xf32>,
    %get3A_1174 = vector.shape_cast %get3A_1173 : vector<1x1x16xf32> to vector<16xf32>
    %add3A_1175 = arith.addf %add3A_1167, %get3A_1174 : vector<16xf32>
    %get3A_1176 = arith.constant 5 : i32
    %get3A_1177 = arith.constant 7 : i32
    %get3A_1178 = arith.index_cast %get3A_1176 : i32 to index
    %get3A_1179 = arith.index_cast %get3A_1177 : i32 to index
    %get3A_1180 = arith.constant 0 : index
    %get3A_1181 = tpu.vector_load %arg10[%get3A_1178, %get3A_1179, %get3A_1180] {strides = array<i32>} : memref<16x8x16xf32, #tpu.memory_space<vmem>>, vector<1x1x16xf32>,
    %get3A_1182 = vector.shape_cast %get3A_1181 : vector<1x1x16xf32> to vector<16xf32>
    %add3A_1183 = arith.addf %add3A_1175, %get3A_1182 : vector<16xf32>
    %get3A_1184 = arith.constant 6 : i32
    %get3A_1185 = arith.constant 7 : i32
    %get3A_1186 = arith.index_cast %get3A_1184 : i32 to index
    %get3A_1187 = arith.index_cast %get3A_1185 : i32 to index
    %get3A_1188 = arith.constant 0 : index
    %get3A_1189 = tpu.vector_load %arg10[%get3A_1186, %get3A_1187, %get3A_1188] {strides = array<i32>} : memref<16x8x16xf32, #tpu.memory_space<vmem>>, vector<1x1x16xf32>,
    %get3A_1190 = vector.shape_cast %get3A_1189 : vector<1x1x16xf32> to vector<16xf32>
    %add3A_1191 = arith.addf %add3A_1183, %get3A_1190 : vector<16xf32>
    %get3A_1192 = arith.constant 7 : i32
    %get3A_1193 = arith.constant 7 : i32
    %get3A_1194 = arith.index_cast %get3A_1192 : i32 to index
    %get3A_1195 = arith.index_cast %get3A_1193 : i32 to index
    %get3A_1196 = arith.constant 0 : index
    %get3A_1197 = tpu.vector_load %arg10[%get3A_1194, %get3A_1195, %get3A_1196] {strides = array<i32>} : memref<16x8x16xf32, #tpu.memory_space<vmem>>, vector<1x1x16xf32>,
    %get3A_1198 = vector.shape_cast %get3A_1197 : vector<1x1x16xf32> to vector<16xf32>
    %add3A_1199 = arith.addf %add3A_1191, %get3A_1198 : vector<16xf32>
    %get3A_1200 = arith.constant 8 : i32
    %get3A_1201 = arith.constant 7 : i32
    %get3A_1202 = arith.index_cast %get3A_1200 : i32 to index
    %get3A_1203 = arith.index_cast %get3A_1201 : i32 to index
    %get3A_1204 = arith.constant 0 : index
    %get3A_1205 = tpu.vector_load %arg10[%get3A_1202, %get3A_1203, %get3A_1204] {strides = array<i32>} : memref<16x8x16xf32, #tpu.memory_space<vmem>>, vector<1x1x16xf32>,
    %get3A_1206 = vector.shape_cast %get3A_1205 : vector<1x1x16xf32> to vector<16xf32>
    %add3A_1207 = arith.addf %add3A_1199, %get3A_1206 : vector<16xf32>
    %get3A_1208 = arith.constant 9 : i32
    %get3A_1209 = arith.constant 7 : i32
    %get3A_1210 = arith.index_cast %get3A_1208 : i32 to index
    %get3A_1211 = arith.index_cast %get3A_1209 : i32 to index
    %get3A_1212 = arith.constant 0 : index
    %get3A_1213 = tpu.vector_load %arg10[%get3A_1210, %get3A_1211, %get3A_1212] {strides = array<i32>} : memref<16x8x16xf32, #tpu.memory_space<vmem>>, vector<1x1x16xf32>,
    %get3A_1214 = vector.shape_cast %get3A_1213 : vector<1x1x16xf32> to vector<16xf32>
    %add3A_1215 = arith.addf %add3A_1207, %get3A_1214 : vector<16xf32>
    %get3A_1216 = arith.constant 10 : i32
    %get3A_1217 = arith.constant 7 : i32
    %get3A_1218 = arith.index_cast %get3A_1216 : i32 to index
    %get3A_1219 = arith.index_cast %get3A_1217 : i32 to index
    %get3A_1220 = arith.constant 0 : index
    %get3A_1221 = tpu.vector_load %arg10[%get3A_1218, %get3A_1219, %get3A_1220] {strides = array<i32>} : memref<16x8x16xf32, #tpu.memory_space<vmem>>, vector<1x1x16xf32>,
    %get3A_1222 = vector.shape_cast %get3A_1221 : vector<1x1x16xf32> to vector<16xf32>
    %add3A_1223 = arith.addf %add3A_1215, %get3A_1222 : vector<16xf32>
    %get3A_1224 = arith.constant 11 : i32
    %get3A_1225 = arith.constant 7 : i32
    %get3A_1226 = arith.index_cast %get3A_1224 : i32 to index
    %get3A_1227 = arith.index_cast %get3A_1225 : i32 to index
    %get3A_1228 = arith.constant 0 : index
    %get3A_1229 = tpu.vector_load %arg10[%get3A_1226, %get3A_1227, %get3A_1228] {strides = array<i32>} : memref<16x8x16xf32, #tpu.memory_space<vmem>>, vector<1x1x16xf32>,
    %get3A_1230 = vector.shape_cast %get3A_1229 : vector<1x1x16xf32> to vector<16xf32>
    %add3A_1231 = arith.addf %add3A_1223, %get3A_1230 : vector<16xf32>
    %get3A_1232 = arith.constant 12 : i32
    %get3A_1233 = arith.constant 7 : i32
    %get3A_1234 = arith.index_cast %get3A_1232 : i32 to index
    %get3A_1235 = arith.index_cast %get3A_1233 : i32 to index
    %get3A_1236 = arith.constant 0 : index
    %get3A_1237 = tpu.vector_load %arg10[%get3A_1234, %get3A_1235, %get3A_1236] {strides = array<i32>} : memref<16x8x16xf32, #tpu.memory_space<vmem>>, vector<1x1x16xf32>,
    %get3A_1238 = vector.shape_cast %get3A_1237 : vector<1x1x16xf32> to vector<16xf32>
    %add3A_1239 = arith.addf %add3A_1231, %get3A_1238 : vector<16xf32>
    %get3A_1240 = arith.constant 13 : i32
    %get3A_1241 = arith.constant 7 : i32
    %get3A_1242 = arith.index_cast %get3A_1240 : i32 to index
    %get3A_1243 = arith.index_cast %get3A_1241 : i32 to index
    %get3A_1244 = arith.constant 0 : index
    %get3A_1245 = tpu.vector_load %arg10[%get3A_1242, %get3A_1243, %get3A_1244] {strides = array<i32>} : memref<16x8x16xf32, #tpu.memory_space<vmem>>, vector<1x1x16xf32>,
    %get3A_1246 = vector.shape_cast %get3A_1245 : vector<1x1x16xf32> to vector<16xf32>
    %add3A_1247 = arith.addf %add3A_1239, %get3A_1246 : vector<16xf32>
    %get3A_1248 = arith.constant 14 : i32
    %get3A_1249 = arith.constant 7 : i32
    %get3A_1250 = arith.index_cast %get3A_1248 : i32 to index
    %get3A_1251 = arith.index_cast %get3A_1249 : i32 to index
    %get3A_1252 = arith.constant 0 : index
    %get3A_1253 = tpu.vector_load %arg10[%get3A_1250, %get3A_1251, %get3A_1252] {strides = array<i32>} : memref<16x8x16xf32, #tpu.memory_space<vmem>>, vector<1x1x16xf32>,
    %get3A_1254 = vector.shape_cast %get3A_1253 : vector<1x1x16xf32> to vector<16xf32>
    %add3A_1255 = arith.addf %add3A_1247, %get3A_1254 : vector<16xf32>
    %get3A_1256 = arith.constant 15 : i32
    %get3A_1257 = arith.constant 7 : i32
    %get3A_1258 = arith.index_cast %get3A_1256 : i32 to index
    %get3A_1259 = arith.index_cast %get3A_1257 : i32 to index
    %get3A_1260 = arith.constant 0 : index
    %get3A_1261 = tpu.vector_load %arg10[%get3A_1258, %get3A_1259, %get3A_1260] {strides = array<i32>} : memref<16x8x16xf32, #tpu.memory_space<vmem>>, vector<1x1x16xf32>,
    %get3A_1262 = vector.shape_cast %get3A_1261 : vector<1x1x16xf32> to vector<16xf32>
    %add3A_1263 = arith.addf %add3A_1255, %get3A_1262 : vector<16xf32>
    %slice3A_1264 = vector.extract_strided_slice %add3A_1263 {offsets = [8], sizes = [1], strides = [1]} : vector<16xf32> to vector<1xf32>
    %squeeze3A_1265 = vector.extract %slice3A_1264[0] : f32 from vector<1xf32>
    %max3A_1266 = arith.constant 1.000000e+00 : f32
    %max3A_1267 = arith.maximumf %squeeze3A_1265, %max3A_1266 : f32
    %div3A_1268 = vector.broadcast %max3A_1267 : f32 to vector<16xf32>
    %div3A_1269 = arith.divf %add3A_1263, %div3A_1268 : vector<16xf32>
    %add3A_1270 = arith.addf %div3A_1269, %get3A_160 : vector<16xf32>
    %swap3A_1271 = arith.constant 7 : i32
    %swap3A_1272 = arith.index_cast %swap3A_1271 : i32 to index
    %swap3A_1273 = arith.constant 0 : index
    %swap3A_1274 = tpu.vector_load %arg9[%swap3A_1272, %swap3A_1273] {strides = array<i32>} : memref<8x16xf32, #tpu.memory_space<vmem>>, vector<1x16xf32>,
    %swap3A_1275 = vector.shape_cast %swap3A_1274 : vector<1x16xf32> to vector<16xf32>
    %swap3A_1276 = vector.shape_cast %add3A_1270 : vector<16xf32> to vector<1x16xf32>
    tpu.vector_store %arg9[%swap3A_1272, %swap3A_1273], %swap3A_1276 {strides = array<i32>} : memref<8x16xf32, #tpu.memory_space<vmem>>, vector<1x16xf32>,
    "tpu.region"() ({
      %run_scoped3A_1277 = tpu.sem_alloc : memref<!tpu.dma_semaphore, #tpu.memory_space<semaphore_mem>>
      %dma_start3A = arith.constant 0 : i32
      %dma_start3A_1278 = tpu.memref_slice %arg6[%mul3A_0, %dma_start3A] : memref<128x16xf32, #tpu.memory_space<hbm>> -> memref<8x16xf32, #tpu.memory_space<hbm>>
      %dma_start3A_1279 = arith.constant 0 : i32
      %dma_start3A_1280 = tpu.memref_slice %arg6[%mul3A_0, %dma_start3A_1279] : memref<128x16xf32, #tpu.memory_space<hbm>> -> memref<8x16xf32, #tpu.memory_space<hbm>>
      tpu.enqueue_dma source(%arg9 : memref<8x16xf32, #tpu.memory_space<vmem>>) target(%dma_start3A_1280 : memref<8x16xf32, #tpu.memory_space<hbm>>) target_semaphore(%run_scoped3A_1277 : memref<!tpu.dma_semaphore, #tpu.memory_space<semaphore_mem>>)
      %dma_wait3A_1281 = arith.constant 0 : i32
      %dma_wait3A_1282 = tpu.memref_slice %arg6[%mul3A_0, %dma_wait3A_1281] : memref<128x16xf32, #tpu.memory_space<hbm>> -> memref<8x16xf32, #tpu.memory_space<hbm>>
      %dma_wait3A_1283 = arith.constant 0 : i32
      %dma_wait3A_1284 = tpu.memref_slice %arg6[%mul3A_0, %dma_wait3A_1283] : memref<128x16xf32, #tpu.memory_space<hbm>> -> memref<8x16xf32, #tpu.memory_space<hbm>>
      tpu.wait_dma2 semaphore(%run_scoped3A_1277 : memref<!tpu.dma_semaphore, #tpu.memory_space<semaphore_mem>>) src(%arg9 : memref<8x16xf32, #tpu.memory_space<vmem>>) dst(%dma_wait3A_1284 : memref<8x16xf32, #tpu.memory_space<hbm>>)
      tpu.yield
    }) : () -> ()
    return
  }
}

module attributes {stable_mosaic.version = 14 : i64} {
  func.func @_tc_logits_body(%arg0: i32, %arg1: memref<2048x256xf32, #tpu.memory_space<vmem>>, %arg2: memref<2048x256xf32, #tpu.memory_space<vmem>>, %arg3: memref<256x16xbf16, #tpu.memory_space<vmem>>, %arg4: memref<256x16xbf16, #tpu.memory_space<vmem>>, %arg5: memref<2048x16xf32, #tpu.memory_space<vmem>>, %arg6: memref<2048x16xf32, #tpu.memory_space<vmem>>) attributes {dimension_semantics = [#tpu.dimension_semantics<arbitrary>], iteration_bounds = array<i64: 25>, scalar_prefetch = 0 : i64, scratch_operands = 0 : i64, tpu.core_type = #tpu.core_type<tc>, window_params = [{transform_indices = @transform_0, window_bounds = array<i64: 2048, 256>}, {transform_indices = @transform_1, window_bounds = array<i64: 2048, 256>}, {pipeline_mode = #tpu.pipeline_mode<synchronous>, transform_indices = @transform_2, window_bounds = array<i64: 256, 16>}, {pipeline_mode = #tpu.pipeline_mode<synchronous>, transform_indices = @transform_3, window_bounds = array<i64: 256, 16>}, {transform_indices = @transform_4, window_bounds = array<i64: 2048, 16>}, {transform_indices = @transform_5, window_bounds = array<i64: 2048, 16>}]} {
    %get3A = arith.constant 0 : index
    %get3A_0 = arith.constant 0 : index
    %get3A_1 = vector.load %arg3[%get3A, %get3A_0] : memref<256x16xbf16, #tpu.memory_space<vmem>>, vector<256x16xbf16>
    %get3A_2 = arith.constant 0 : index
    %get3A_3 = arith.constant 0 : index
    %get3A_4 = vector.load %arg4[%get3A_2, %get3A_3] : memref<256x16xbf16, #tpu.memory_space<vmem>>, vector<256x16xbf16>
    %iota3A = tpu.iota {dimensions = array<i32: 1>} : vector<1x16xi32>
    %eq3A = arith.constant 8 : i32
    %eq3A_5 = vector.broadcast %eq3A : i32 to vector<1x16xi32>
    %eq3A_6 = arith.cmpi eq, %iota3A, %eq3A_5 : vector<1x16xi32>
    %convert_element_type3A = arith.extui %eq3A_6 : vector<1x16xi1> to vector<1x16xi32>
    %convert_element_type3A_7 = arith.sitofp %convert_element_type3A : vector<1x16xi32> to vector<1x16xf32>
    %iota3A_8 = tpu.iota {dimensions = array<i32: 0>} : vector<2048x1xi32>
    %get3A_9 = arith.constant 0 : index
    %get3A_10 = arith.constant 0 : index
    %get3A_11 = vector.load %arg1[%get3A_9, %get3A_10] : memref<2048x256xf32, #tpu.memory_space<vmem>>, vector<2048x256xf32>
    %convert_element_type3A_12 = arith.truncf %get3A_11 : vector<2048x256xf32> to vector<2048x256xbf16>
    %convert_element_type3A_13 = arith.extf %convert_element_type3A_12 : vector<2048x256xbf16> to vector<2048x256xf32>
    %sub3A = arith.subf %get3A_11, %convert_element_type3A_13 : vector<2048x256xf32>
    %convert_element_type3A_14 = arith.truncf %sub3A : vector<2048x256xf32> to vector<2048x256xbf16>
    %dot_general3A = arith.constant dense<0.000000e+00> : vector<2048x16xf32>
    %dot_general3A_15 = tpu.matmul %convert_element_type3A_12, %get3A_1, %dot_general3A {dimension_numbers = #tpu.dot_dimension_numbers<[1], [0], [0], [1], [0, 0, 1, 1], [], []>, transpose_lhs_hint = false} : vector<2048x256xbf16>, vector<256x16xbf16>, vector<2048x16xf32> -> vector<2048x16xf32>
    %dot_general3A_16 = arith.constant dense<0.000000e+00> : vector<2048x16xf32>
    %dot_general3A_17 = tpu.matmul %convert_element_type3A_12, %get3A_4, %dot_general3A_16 {dimension_numbers = #tpu.dot_dimension_numbers<[1], [0], [0], [1], [0, 0, 1, 1], [], []>, transpose_lhs_hint = false} : vector<2048x256xbf16>, vector<256x16xbf16>, vector<2048x16xf32> -> vector<2048x16xf32>
    %add3A = arith.addf %dot_general3A_15, %dot_general3A_17 : vector<2048x16xf32>
    %dot_general3A_18 = arith.constant dense<0.000000e+00> : vector<2048x16xf32>
    %dot_general3A_19 = tpu.matmul %convert_element_type3A_14, %get3A_1, %dot_general3A_18 {dimension_numbers = #tpu.dot_dimension_numbers<[1], [0], [0], [1], [0, 0, 1, 1], [], []>, transpose_lhs_hint = false} : vector<2048x256xbf16>, vector<256x16xbf16>, vector<2048x16xf32> -> vector<2048x16xf32>
    %add3A_20 = arith.addf %add3A, %dot_general3A_19 : vector<2048x16xf32>
    %add3A_21 = vector.broadcast %convert_element_type3A_7 : vector<1x16xf32> to vector<2048x16xf32>
    %add3A_22 = arith.addf %add3A_20, %add3A_21 : vector<2048x16xf32>
    %swap3A = arith.constant 0 : index
    %swap3A_23 = arith.constant 0 : index
    %swap3A_24 = vector.load %arg5[%swap3A, %swap3A_23] : memref<2048x16xf32, #tpu.memory_space<vmem>>, vector<2048x16xf32>
    tpu.vector_store %arg5[%swap3A, %swap3A_23], %add3A_22 {strides = array<i32>} : memref<2048x16xf32, #tpu.memory_space<vmem>>, vector<2048x16xf32>,
    %get3A_25 = arith.constant 0 : index
    %get3A_26 = arith.constant 0 : index
    %get3A_27 = vector.load %arg2[%get3A_25, %get3A_26] : memref<2048x256xf32, #tpu.memory_space<vmem>>, vector<2048x256xf32>
    %convert_element_type3A_28 = arith.truncf %get3A_27 : vector<2048x256xf32> to vector<2048x256xbf16>
    %convert_element_type3A_29 = arith.extf %convert_element_type3A_28 : vector<2048x256xbf16> to vector<2048x256xf32>
    %sub3A_30 = arith.subf %get3A_27, %convert_element_type3A_29 : vector<2048x256xf32>
    %convert_element_type3A_31 = arith.truncf %sub3A_30 : vector<2048x256xf32> to vector<2048x256xbf16>
    %dot_general3A_32 = arith.constant dense<0.000000e+00> : vector<2048x16xf32>
    %dot_general3A_33 = tpu.matmul %convert_element_type3A_28, %get3A_1, %dot_general3A_32 {dimension_numbers = #tpu.dot_dimension_numbers<[1], [0], [0], [1], [0, 0, 1, 1], [], []>, transpose_lhs_hint = false} : vector<2048x256xbf16>, vector<256x16xbf16>, vector<2048x16xf32> -> vector<2048x16xf32>
    %dot_general3A_34 = arith.constant dense<0.000000e+00> : vector<2048x16xf32>
    %dot_general3A_35 = tpu.matmul %convert_element_type3A_28, %get3A_4, %dot_general3A_34 {dimension_numbers = #tpu.dot_dimension_numbers<[1], [0], [0], [1], [0, 0, 1, 1], [], []>, transpose_lhs_hint = false} : vector<2048x256xbf16>, vector<256x16xbf16>, vector<2048x16xf32> -> vector<2048x16xf32>
    %add3A_36 = arith.addf %dot_general3A_33, %dot_general3A_35 : vector<2048x16xf32>
    %dot_general3A_37 = arith.constant dense<0.000000e+00> : vector<2048x16xf32>
    %dot_general3A_38 = tpu.matmul %convert_element_type3A_31, %get3A_1, %dot_general3A_37 {dimension_numbers = #tpu.dot_dimension_numbers<[1], [0], [0], [1], [0, 0, 1, 1], [], []>, transpose_lhs_hint = false} : vector<2048x256xbf16>, vector<256x16xbf16>, vector<2048x16xf32> -> vector<2048x16xf32>
    %add3A_39 = arith.addf %add3A_36, %dot_general3A_38 : vector<2048x16xf32>
    %mul3A = arith.constant 2048 : i32
    %mul3A_40 = arith.muli %arg0, %mul3A : i32
    %add3A_41 = arith.constant 51200 : i32
    %add3A_42 = arith.addi %add3A_41, %mul3A_40 : i32
    %add3A_43 = vector.broadcast %add3A_42 : i32 to vector<2048x1xi32>
    %add3A_44 = arith.addi %add3A_43, %iota3A_8 : vector<2048x1xi32>
    %lt3A = arith.constant 100000 : i32
    %lt3A_45 = vector.broadcast %lt3A : i32 to vector<2048x1xi32>
    %lt3A_46 = arith.cmpi slt, %add3A_44, %lt3A_45 : vector<2048x1xi32>
    %add3A_47 = vector.broadcast %convert_element_type3A_7 : vector<1x16xf32> to vector<2048x16xf32>
    %add3A_48 = arith.addf %add3A_39, %add3A_47 : vector<2048x16xf32>
    %jit3A = arith.constant 0.000000e+00 : f32
    %broadcast_in_dim3A = vector.shape_cast %lt3A_46 : vector<2048x1xi1> to vector<2048x1xi1>
    %broadcast_in_dim3A_49 = vector.broadcast %broadcast_in_dim3A : vector<2048x1xi1> to vector<2048x16xi1>
    %broadcast_in_dim3A_50 = vector.broadcast %jit3A : f32 to vector<2048x16xf32>
    %select_n3A = arith.select %broadcast_in_dim3A_49, %add3A_48, %broadcast_in_dim3A_50 : vector<2048x16xi1>, vector<2048x16xf32>
    %swap3A_51 = arith.constant 0 : index
    %swap3A_52 = arith.constant 0 : index
    %swap3A_53 = vector.load %arg6[%swap3A_51, %swap3A_52] : memref<2048x16xf32, #tpu.memory_space<vmem>>, vector<2048x16xf32>
    tpu.vector_store %arg6[%swap3A_51, %swap3A_52], %select_n3A {strides = array<i32>} : memref<2048x16xf32, #tpu.memory_space<vmem>>, vector<2048x16xf32>,
    return
  }
  func.func @transform_0(%arg0: i32) -> (i32, i32) {
    %c0_i32 = arith.constant 0 : i32
    %c0_i32_0 = arith.constant 0 : i32
    return %arg0, %c0_i32 : i32, i32
  }
  func.func @transform_1(%arg0: i32) -> (i32, i32) {
    %add3A = arith.constant 25 : i32
    %add3A_0 = arith.addi %arg0, %add3A : i32
    %min3A = arith.constant 48 : i32
    %min3A_1 = arith.minsi %add3A_0, %min3A : i32
    %c0_i32 = arith.constant 0 : i32
    %c0_i32_2 = arith.constant 0 : i32
    return %min3A_1, %c0_i32 : i32, i32
  }
  func.func @transform_2(%arg0: i32) -> (i32, i32) {
    %c0_i32 = arith.constant 0 : i32
    %c0_i32_0 = arith.constant 0 : i32
    %c0_i32_1 = arith.constant 0 : i32
    return %c0_i32, %c0_i32_0 : i32, i32
  }
  func.func @transform_3(%arg0: i32) -> (i32, i32) {
    %c0_i32 = arith.constant 0 : i32
    %c0_i32_0 = arith.constant 0 : i32
    %c0_i32_1 = arith.constant 0 : i32
    return %c0_i32, %c0_i32_0 : i32, i32
  }
  func.func @transform_4(%arg0: i32) -> (i32, i32) {
    %c0_i32 = arith.constant 0 : i32
    %c0_i32_0 = arith.constant 0 : i32
    return %arg0, %c0_i32 : i32, i32
  }
  func.func @transform_5(%arg0: i32) -> (i32, i32) {
    %c0_i32 = arith.constant 0 : i32
    %c0_i32_0 = arith.constant 0 : i32
    return %arg0, %c0_i32 : i32, i32
  }
}

</mosaic_0001>

<sc_bundles>
// kernel: kernel.4.cloned.1.call-start
scs
__scs_entry_jumppad:
0x0: {  	(pc) =	sbr.rel $0x88, $3  }
0x1: {  	(tag) =	ssettag $0x0;
	lr =	simm.s32 $0x1  }
0x2: {  	[smem:$0x3F9D] =	sst lr;
	_ =	strace $0xD0000000  }
0x3: {  	_ = 	snop  }
0x4: {  	_ = 	snop  }
0x5: {  	_ = 	snop  }
0x6: {  	_ = 	snop  }
0x7: {  	_ = 	snop  }
__scs_overlays_trampoline_lowered:
0x8: {  	[smem:$0x3FAC] =	sst s0  }
0x9: {  	[smem:$0x3FAD] =	sst s1  }
0xa: {  	[smem:$0x3FAE] =	sst s2  }
0xb: {  	[smem:$0x3FAF] =	sst s3  }
0xc: {  	[smem:$0x3FB0] =	sst s4  }
0xd: {  	[smem:$0x3FB1] =	sst s5  }
0xe: {  	[smem:$0x3FB2] =	sst s6  }
0xf: {  	[smem:$0x3FB3] =	sst s7  }
0x10: {  	[smem:$0x3FB4] =	sst s8  }
0x11: {  	[smem:$0x3FB5] =	sst s9;
	s0 =	simm.s32 @!p0 $0x0  }
0x12: {  	s1 =	sld [smem:$0x3F9B];
	s0 =	simm.s32 @p0 $0x1  }
0x13: {  	[smem:$0x3FB6] =	sst s0;
	s0 =	simm.s32 @!p1 $0x0  }
0x14: {  	s2 =	sld [smem:$0x3F9A];
	s0 =	simm.s32 @p1 $0x1  }
0x15: {  	[smem:$0x3FB7] =	sst s0;
	s0 =	simm.s32 @!p2 $0x0  }
0x16: {  	s3 =	sld [smem:$0x3FDB];
	s0 =	simm.s32 @p2 $0x1  }
0x17: {  	s4 =	simm.s32 $0x1BF5;
	[smem:$0x3FB9] =	sst s0  }
0x18: {  	s0 =	sld [smem:$0x3F9C];
	_ =	swait.ge [sflag:s4], $0x0  }
0x19: {  	s7 =	sld [smem:$0x3F9D]  }
0x1a: {  	s8 =	sadd.s32 $0xFFFFE003, lr  }
0x1b: {  	s9 =	sadd.s32 $0xFFFFFEF7, lr;
	s5 =	simm.s32 $0xFFFFFFFF;
	p2 =	slt.u32 s8, $0xFFFFF086  }
0x1c: {  	p1 =	slt.u32 s9, $0xF7A;
	s5 =	simm.s32 @!p2 $0x0  }
0x1d: {  	s5 =	simm.s32 @p1 $0x1;
	p0 =	seq.s32 s7, s2  }
0x1e: {  	s7 =	smul.u32 @!p0 $0xF7A, s2;
	p2 =	seq.s32 @!p0 s5, $0x0  }
0x1f: {  	s9 =	smul.u32 $0xF7A, s1;
	s8 =	simm.s32 @!p0 $0x1BF5;
	p2 =	por !p2, p0  }
0x20: {  	[sflag:s8] =	ssyncset.s32 @!p0 $0xFFFFF086;
	s6 =	sadd.s32 @!p0 s3, s7;
	s7 =	simm.s32 @!p0 $0x108  }
0x21: {  	s3 =	sadd.s32 s3, s9;
	s6 =	sadd.s32 @!p0 $0x88, s6;
	s7 =	simm.s32 @p2 $0x1082  }
0x22: {  	[simem:s7], [sflag:s8] =	dma.local @!p0 [hbm:s6], $0xF7A  }
0x23: {  	s9 =	sor.u32 $0xD0000000, s2;
	s6 =	simm.s32 $0x108;
	_ =	swait.ge @!p0 [sflag:s8], $0x0  }
0x24: {  	s3 =	sadd.s32 $0x88, s3;
	s6 =	simm.s32 @!p1 $0x1082;
	[sflag:s4] =	ssyncset.s32 $0xFFFFF086  }
0x25: {  	[simem:s6], [sflag:s4] =	dma.local [hbm:s3], $0xF7A  }
0x26: {  	[smem:$0x3F9D] =	sst s1;
	(tag) =	ssettag s2;
	_ =	strace s9  }
0x27: {  	s1 =	sld [smem:$0x3FAD]  }
0x28: {  	s2 =	sld [smem:$0x3FAE]  }
0x29: {  	s4 =	sld [smem:$0x3FB0]  }
0x2a: {  	p0 =	seq.s32 s5, $0x0;
	s5 =	sld [smem:$0x3FB1]  }
0x2b: {  	s6 =	sld [smem:$0x3FB2]  }
0x2c: {  	s7 =	sld [smem:$0x3FB3]  }
0x2d: {  	s3 =	simm.s32 $0x108;
	s8 =	sld [smem:$0x3FB4]  }
0x2e: {  	s3 =	simm.s32 @!p0 $0x1082;
	s9 =	sld [smem:$0x3FB5]  }
0x2f: {  	lr =	sadd.s32 s0, s3;
	s0 =	sld [smem:$0x3FAC]  }
0x30: {  	s3 =	sld [smem:$0x3FAF]  }
0x31: {  	[smem:$0x3FB8] =	sst s10  }
0x32: {  	s10 =	sld [smem:$0x3FB6];
	_ =	sdelay $0x3  }
0x33: {  	p0 =	seq.s32 s10, $0x1;
	s10 =	sld [smem:$0x3FB8];
	_ =	sdelay $0x3  }
0x34: {  	[smem:$0x3FB8] =	sst s10  }
0x35: {  	s10 =	sld [smem:$0x3FB7];
	_ =	sdelay $0x3  }
0x36: {  	p1 =	seq.s32 s10, $0x1;
	s10 =	sld [smem:$0x3FB8];
	_ =	sdelay $0x3  }
0x37: {  	[smem:$0x3FB8] =	sst s10  }
0x38: {  	s10 =	sld [smem:$0x3FB9]  }
0x39: {  	_ = 	snop;
	(pc) =	sbr.ind lr, $3  }
0x3a: {  	_ = 	snop  }
0x3b: {  	_ = 	snop  }
0x3c: {  	p2 =	seq.s32 s10, $0x1;
	s10 =	sld [smem:$0x3FB8]  }
0x3d: {  	_ =	shalt  }
0x3e: {  	_ =	shalt  }
0x3f: {  	_ =	shalt  }
0x40: {  	_ =	shalt  }
0x41: {  	_ =	shalt  }
0x42: {  	_ =	shalt  }
0x43: {  	_ =	shalt  }
0x44: {  	_ =	shalt  }
0x45: {  	_ =	shalt  }
0x46: {  	_ =	shalt  }
0x47: {  	_ =	shalt  }
0x48: {  	_ =	shalt  }
0x49: {  	_ =	shalt  }
0x4a: {  	_ =	shalt  }
0x4b: {  	_ =	shalt  }
0x4c: {  	_ =	shalt  }
0x4d: {  	_ =	shalt  }
0x4e: {  	_ =	shalt  }
0x4f: {  	_ =	shalt  }
0x50: {  	_ =	shalt  }
0x51: {  	_ =	shalt  }
0x52: {  	_ =	shalt  }
0x53: {  	_ =	shalt  }
0x54: {  	_ =	shalt  }
0x55: {  	_ =	shalt  }
0x56: {  	_ =	shalt  }
0x57: {  	_ =	shalt  }
0x58: {  	_ =	shalt  }
0x59: {  	_ =	shalt  }
0x5a: {  	_ =	shalt  }
0x5b: {  	_ =	shalt  }
0x5c: {  	_ =	shalt  }
0x5d: {  	_ =	shalt  }
0x5e: {  	_ =	shalt  }
0x5f: {  	_ =	shalt  }
0x60: {  	_ =	shalt  }
0x61: {  	_ =	shalt  }
0x62: {  	_ =	shalt  }
0x63: {  	_ =	shalt  }
0x64: {  	_ =	shalt  }
0x65: {  	_ =	shalt  }
0x66: {  	_ =	shalt  }
0x67: {  	_ =	shalt  }
0x68: {  	_ =	shalt  }
0x69: {  	_ =	shalt  }
0x6a: {  	_ =	shalt  }
0x6b: {  	_ =	shalt  }
0x6c: {  	_ =	shalt  }
0x6d: {  	_ =	shalt  }
0x6e: {  	_ =	shalt  }
0x6f: {  	_ =	shalt  }
0x70: {  	_ =	shalt  }
0x71: {  	_ =	shalt  }
0x72: {  	_ =	shalt  }
0x73: {  	_ =	shalt  }
0x74: {  	_ =	shalt  }
0x75: {  	_ =	shalt  }
0x76: {  	_ =	shalt  }
0x77: {  	_ =	shalt  }
0x78: {  	_ =	shalt  }
0x79: {  	_ =	shalt  }
0x7a: {  	_ =	shalt  }
0x7b: {  	_ =	shalt  }
0x7c: {  	_ =	shalt  }
0x7d: {  	_ =	shalt  }
0x7e: {  	_ =	shalt  }
0x7f: {  	_ =	shalt  }
0x80: {  	_ =	shalt  }
0x81: {  	_ =	shalt  }
0x82: {  	_ =	shalt  }
0x83: {  	_ =	shalt  }
0x84: {  	_ =	shalt  }
0x85: {  	_ =	shalt  }
0x86: {  	_ =	shalt  }
0x87: {  	_ =	shalt  }
.Lfunc_end0:
.L_simem_size_0:
called_computation_lowered:
.L_overlay_start_0:
0x88: {  	s0 =	sld [smem:$0x3FD9]  }
0x89: {  	s1 =	sld [smem:$0x3FFE];
	_ =	sdelay $0x3  }
0x8a: {  	s0 =	sadd.s32 s1, s0  }
0x8b: {  	[smem:$0x3FC4] =	sst s0  }
0x8c: {  	_ = 	snop  }
0x8d: {  	s0 =	sld [smem:$0x3FD0];
	(tm) =	ssettm $0x1  }
0x8e: {  	s16 =	sld [smem:$0x3FFB];
	_ =	sdelay $0x3  }
0x8f: {  	_ =	strace s16  }
0x90: {  	s1 =	sld [smem:$0x3FFC];
	_ =	sdelay $0x3  }
0x91: {  	_ =	strace s1  }
0x92: {  	s1 =	sld [smem:$0x3FFD];
	_ =	sdelay $0x3  }
0x93: {  	_ =	strace s1  }
0x94: {  	_ =	strace $0x8FFFFFFF  }
0x95: {  	s17 =	sld [smem:$0x3FDB];
	_ =	sdelay $0x1  }
0x96: {  	s2 =	simm.s32 $_scs_section_size  }
0x97: {  	s3 =	simm.s32 $_size__tile_overlayer_lowered;
	s4 =	simm.s32 $_tile_overlayer_lowered  }
0x98: {  	s20 =	simm.s32 $0x1BFF;
	s19 =	sshll.u32 s4, $0x1;
	s1 =	sadd.s32 s2, s17  }
0x99: {  	s5 =	simm.s32 $0x0;
	s18 =	sshll.u32 s3, $0x1;
	s3 =	sadd.s32 s19, s1  }
0x9a: {  	[timem:s5], [sflag:s20] =	dma.local [hbm:s3], s18  }
0x9b: {  	_ =	swait.ge [sflag:s20], s18  }
0x9c: {  	s2 =	ssub.s32 $0x0, s18;
	[sflag:s20] =	ssyncset.done $0x0  }
0x9d: {  	[sflag:s20] =	ssyncadd.s32 s2;
	_ =	sdelay $0x1  }
0x9e: {  	s21 =	simm.s32 $0x1B8B  }
0x9f: {  	_ =	swait.ge [sflag:s21], $0x1  }
0xa0: {  	[sflag:s21] =	ssyncset.done $0x0  }
0xa1: {  	s23 =	simm.s32 $0x1B8E;
	s22 =	sld [smem:$0x3FFE];
	[sflag:s21] =	ssyncadd.s32 $0xFFFFFFFF  }
0xa2: {  	s24 =	simm.s32 $execute0_lowered;
	[smem:$0x3FD2] =	sst s23  }
0xa3: {  	s3 =	sshll.u32 s24, $0x1;
	_ =	strace $0x80000046;
	[dreg:$0x1] =	wrdreg $0xFFFFFFFF  }
0xa4: {  	s25 =	simm.s32 $_size_execute0_lowered;
	s1 =	sadd.s32 s1, s3;
	[dreg:$0x0] =	wrdreg $0x0  }
0xa5: {  	s3 =	sshll.u32 s25, $0x1;
	[dreg:$0x2] =	wrdreg s1  }
0xa6: {  	[dreg:$0x3] =	wrdreg s3  }
0xa7: {  	[dreg:$0x4] =	wrdreg $0xC0  }
0xa8: {  	_ =	task [dreg:s5], $0x5FFFF  }
0xa9: {  	[dreg:$0x1] =	wrdreg $0xFFFFFFFF  }
0xaa: {  	[dreg:$0x0] =	wrdreg $0x60  }
0xab: {  	[dreg:$0x2] =	wrdreg s22  }
0xac: {  	[dreg:$0x3] =	wrdreg s0  }
0xad: {  	[dreg:$0x4] =	wrdreg $0x1B1900  }
0xae: {  	[dreg:$0x5] =	wrdreg $0x9  }
0xaf: {  	_ =	task.clear_ibuf [dreg:s5], $0x6FFFF;
	_ =	strace $0x90000046  }
0xb0: {  	s26 =	simm.s32 $0x9;
	_ =	strace $0x80000048  }
0xb1: {  	_ =	swait.ge [sflag:s26], $0x1  }
0xb2: {  	[sflag:s26] =	ssyncadd.s32 $0xFFFFFFFF  }
0xb3: {  	_ =	strace $0x90000048  }
0xb4: {  	_ =	sfence  }
0xb5: {  	s28 =	sld [smem:$0x0];
	_ =	sdelay $0x1  }
0xb6: {  	s29 =	srdreg.scid  }
0xb7: {  	s30 =	sshll.u32 s29, $0xD;
	s31 =	sshrl.u32 s29, $0x2  }
0xb8: {  	s2 =	sand.u32 $0x4000, s30;
	s1 =	sand.u32 $0x1, s29;
	s0 =	sadd.s32 s31, s28  }
0xb9: {  	s1 =	sor.u32 s2, s1;
	s0 =	sshll.u32 s0, $0x11  }
0xba: {  	s0 =	sor.u32 s0, s1  }
0xbb: {  	s0 =	sadd.s32 $0x8F2B, s0  }
0xbc: {  	[sflag:s0] =	ssyncadd.remote.s32 $0x1  }
0xbd: {  	_ =	sfence.sel $0xFFFF  }
0xbe: {  	[dreg:$0x0] =	wrdreg $0xFFFFFFFF;
	(pc) =	sbr.abs _section_cstart, $3  }
0xbf: {  	[dreg:$0x1] =	wrdreg $0xFFFFFFFF  }
0xc0: {  	_ =	task.clear_ibuf [dreg:s5], $0x2FFFF;
	_ =	strace $0x9FFFFFFF  }
0xc1: {  	(tm) =	ssettm $0x7FFFFFFF  }
tec
execute0_lowered:
.L_overlay_start_1:
0x0: {  	(tag) =	ssettag $0x1  }
0x1: {  	s5 =	rddreg [dreg:$0x0]  }
0x2: {  	s6 =	rddreg [dreg:$0x1]  }
0x3: {  	s3 =	rddreg [dreg:$0x2]  }
0x4: {  	s0 =	rddreg [dreg:$0x3];
	s1 =	stileid.u32  }
0x5: {  	s7 =	simm.s32 $0xC00;
	s2 =	sand.u32 $0x7, s1;
	p0 =	slt.u32 s1, $0x8  }
0x6: {  	s4 =	simm.s32 $0x0;
	s2 =	smul.u32 $0x3200, s2;
	s7 =	simm.s32 @!p0 $0x190C00  }
0x7: {  	s31 =	simm.s32 $0x2;
	[smem:$0x7FF] =	sst s4;
	s7 =	sadd.s32 s7, s5  }
0x8: {  	s30 =	smul.u32 $0x320, s1;
	_ =	strace $0x80000047;
	s2 =	sadd.s32 s7, s2  }
0x9: {  	[tilespmem:s4], [sflag:$0x2] =	stream.linear.gather [hbm4b:s2+s4], $0x19000, $0x38;
	[tilespmem:$0x1BA90] =	vst v63  }
0xa: {  	_ =	swait.ge [sflag:s31], $0x19000  }
0xb: {  	s7 =	sadd.s32 s30, s5;
	[sflag:s31] =	ssyncset.done $0x0  }
0xc: {  	s8 =	simm.s32 $0x19000;
	s7 =	sadd.s32 $0x19C00, s7;
	[sflag:s31] =	ssyncadd.s32 $0xFFFE7000  }
0xd: {  	[tilespmem:s8], [sflag:$0x2] =	stream.linear.gather [hbm4b:s7+s4], $0x1900, $0x38;
	[tilespmem:$0x1BA90] =	vst v63  }
0xe: {  	_ =	swait.ge [sflag:s31], $0x1900  }
0xf: {  	[sflag:s31] =	ssyncset.done $0x0  }
0x10: {  	s9 =	simm.s32 $0x1B180;
	[sflag:s31] =	ssyncadd.s32 $0xFFFFE700  }
0x11: {  	[tilespmem:s9], [sflag:$0x2] =	stream.linear.gather [hbm4b:s6+s4], $0x10, $0x38;
	[tilespmem:$0x1BA90] =	vst v63  }
0x12: {  	_ =	swait.ge [sflag:s31], $0x10  }
0x13: {  	[sflag:s31] =	ssyncset.done $0x0  }
0x14: {  	v0 =	vimm.f32 $0.0e+00;
	[sflag:s31] =	ssyncadd.s32 $0xFFFFFFF0  }
0x15: {  	[tilespmem:$0x1A900] =	vst v0  }
0x16: {  	[tilespmem:$0x1A910] =	vst v0  }
0x17: {  	[tilespmem:$0x1A920] =	vst v0  }
0x18: {  	[tilespmem:$0x1A930] =	vst v0  }
0x19: {  	s10 =	smul.u32 $0x2400, s1;
	[tilespmem:$0x1A940] =	vst v0  }
0x1a: {  	[tilespmem:$0x1A950] =	vst v0  }
0x1b: {  	s6 =	sshrl.u32 s10, $0x2;
	[tilespmem:$0x1A960] =	vst v0  }
0x1c: {  	s12 =	simm.s32 $0x1A900;
	s11 =	sadd.s32 s6, s3;
	[tilespmem:$0x1A970] =	vst v0  }
0x1d: {  	[spmem:s11] =	stream.linear.scatter [tilespmem:s12], [sflag:$0x2], $0x80, $0x38;
	[tilespmem:$0x1BA90] =	vst v63  }
0x1e: {  	_ =	swait.ge [sflag:s31], $0x80  }
0x1f: {  	[sflag:s31] =	ssyncset.done $0x0  }
0x20: {  	s14 =	sadd.s32 $0x80, s11;
	[sflag:s31] =	ssyncadd.s32 $0xFFFFFF80  }
0x21: {  	[spmem:s14] =	stream.linear.scatter [tilespmem:s12], [sflag:$0x2], $0x80, $0x38;
	[tilespmem:$0x1BA90] =	vst v63  }
0x22: {  	_ =	swait.ge [sflag:s31], $0x80  }
0x23: {  	[sflag:s31] =	ssyncset.done $0x0  }
0x24: {  	s15 =	sadd.s32 $0x100, s11;
	[sflag:s31] =	ssyncadd.s32 $0xFFFFFF80  }
0x25: {  	[spmem:s15] =	stream.linear.scatter [tilespmem:s12], [sflag:$0x2], $0x80, $0x38;
	[tilespmem:$0x1BA90] =	vst v63  }
0x26: {  	_ =	swait.ge [sflag:s31], $0x80  }
0x27: {  	[sflag:s31] =	ssyncset.done $0x0  }
0x28: {  	s16 =	sadd.s32 $0x180, s11;
	[sflag:s31] =	ssyncadd.s32 $0xFFFFFF80  }
0x29: {  	[spmem:s16] =	stream.linear.scatter [tilespmem:s12], [sflag:$0x2], $0x80, $0x38;
	[tilespmem:$0x1BA90] =	vst v63  }
0x2a: {  	_ =	swait.ge [sflag:s31], $0x80  }
0x2b: {  	[sflag:s31] =	ssyncset.done $0x0  }
0x2c: {  	s17 =	sadd.s32 $0x200, s11;
	[sflag:s31] =	ssyncadd.s32 $0xFFFFFF80  }
0x2d: {  	[spmem:s17] =	stream.linear.scatter [tilespmem:s12], [sflag:$0x2], $0x80, $0x38;
	[tilespmem:$0x1BA90] =	vst v63  }
0x2e: {  	_ =	swait.ge [sflag:s31], $0x80  }
0x2f: {  	[sflag:s31] =	ssyncset.done $0x0  }
0x30: {  	s18 =	sadd.s32 $0x280, s11;
	[sflag:s31] =	ssyncadd.s32 $0xFFFFFF80  }
0x31: {  	[spmem:s18] =	stream.linear.scatter [tilespmem:s12], [sflag:$0x2], $0x80, $0x38;
	[tilespmem:$0x1BA90] =	vst v63  }
0x32: {  	_ =	swait.ge [sflag:s31], $0x80  }
0x33: {  	[sflag:s31] =	ssyncset.done $0x0  }
0x34: {  	s19 =	sadd.s32 $0x300, s11;
	[sflag:s31] =	ssyncadd.s32 $0xFFFFFF80  }
0x35: {  	[spmem:s19] =	stream.linear.scatter [tilespmem:s12], [sflag:$0x2], $0x80, $0x38;
	[tilespmem:$0x1BA90] =	vst v63  }
0x36: {  	_ =	swait.ge [sflag:s31], $0x80  }
0x37: {  	[sflag:s31] =	ssyncset.done $0x0  }
0x38: {  	s20 =	sadd.s32 $0x380, s11;
	[sflag:s31] =	ssyncadd.s32 $0xFFFFFF80  }
0x39: {  	[spmem:s20] =	stream.linear.scatter [tilespmem:s12], [sflag:$0x2], $0x80, $0x38;
	[tilespmem:$0x1BA90] =	vst v63  }
0x3a: {  	_ =	swait.ge [sflag:s31], $0x80  }
0x3b: {  	[sflag:s31] =	ssyncset.done $0x0  }
0x3c: {  	s21 =	sadd.s32 $0x400, s11;
	[sflag:s31] =	ssyncadd.s32 $0xFFFFFF80  }
0x3d: {  	[spmem:s21] =	stream.linear.scatter [tilespmem:s12], [sflag:$0x2], $0x80, $0x38;
	[tilespmem:$0x1BA90] =	vst v63  }
0x3e: {  	_ =	swait.ge [sflag:s31], $0x80  }
0x3f: {  	[sflag:s31] =	ssyncset.done $0x0  }
0x40: {  	s22 =	sadd.s32 $0x480, s11;
	[sflag:s31] =	ssyncadd.s32 $0xFFFFFF80  }
0x41: {  	[spmem:s22] =	stream.linear.scatter [tilespmem:s12], [sflag:$0x2], $0x80, $0x38;
	[tilespmem:$0x1BA90] =	vst v63  }
0x42: {  	_ =	swait.ge [sflag:s31], $0x80  }
0x43: {  	[sflag:s31] =	ssyncset.done $0x0  }
0x44: {  	s23 =	sadd.s32 $0x500, s11;
	[sflag:s31] =	ssyncadd.s32 $0xFFFFFF80  }
0x45: {  	[spmem:s23] =	stream.linear.scatter [tilespmem:s12], [sflag:$0x2], $0x80, $0x38;
	[tilespmem:$0x1BA90] =	vst v63  }
0x46: {  	_ =	swait.ge [sflag:s31], $0x80  }
0x47: {  	[sflag:s31] =	ssyncset.done $0x0  }
0x48: {  	s24 =	sadd.s32 $0x580, s11;
	[sflag:s31] =	ssyncadd.s32 $0xFFFFFF80  }
0x49: {  	[spmem:s24] =	stream.linear.scatter [tilespmem:s12], [sflag:$0x2], $0x80, $0x38;
	[tilespmem:$0x1BA90] =	vst v63  }
0x4a: {  	_ =	swait.ge [sflag:s31], $0x80  }
0x4b: {  	s26 =	sshll.u32 s1, $0x4;
	[sflag:s31] =	ssyncset.done $0x0  }
0x4c: {  	s28 =	sshll.u32 s1, $0x7;
	s25 =	sadd.s32 $0x600, s11;
	[sflag:s31] =	ssyncadd.s32 $0xFFFFFF80  }
0x4d: {  	[spmem:s25] =	stream.linear.scatter [tilespmem:s12], [sflag:$0x2], $0x80, $0x38;
	[tilespmem:$0x1BA90] =	vst v63  }
0x4e: {  	s9 =	sadd.s32 $0x680, s11;
	s29 =	sadd.s32 $0x700, s11;
	_ =	swait.ge [sflag:s31], $0x80  }
0x4f: {  	s30 =	sadd.s32 $0x780, s11;
	s20 =	sadd.s32 s28, s3;
	[sflag:s31] =	ssyncset.done $0x0  }
0x50: {  	s19 =	sadd.s32 $0x900, s20;
	s18 =	sadd.s32 $0x1200, s20;
	[sflag:s31] =	ssyncadd.s32 $0xFFFFFF80  }
0x51: {  	[spmem:s9] =	stream.linear.scatter [tilespmem:s12], [sflag:$0x2], $0x80, $0x38;
	[tilespmem:$0x1BA90] =	vst v63  }
0x52: {  	s17 =	sadd.s32 $0x1B00, s20;
	s16 =	sadd.s32 $0x2400, s20;
	_ =	swait.ge [sflag:s31], $0x80  }
0x53: {  	s15 =	sadd.s32 $0x2D00, s20;
	s14 =	sadd.s32 $0x3600, s20;
	[sflag:s31] =	ssyncset.done $0x0  }
0x54: {  	s13 =	sadd.s32 $0x3F00, s20;
	s11 =	sadd.s32 $0x5100, s20;
	[sflag:s31] =	ssyncadd.s32 $0xFFFFFF80  }
0x55: {  	[spmem:s29] =	stream.linear.scatter [tilespmem:s12], [sflag:$0x2], $0x80, $0x38;
	[tilespmem:$0x1BA90] =	vst v63  }
0x56: {  	s10 =	sadd.s32 $0x5A00, s20;
	s8 =	sadd.s32 $0x6300, s20;
	_ =	swait.ge [sflag:s31], $0x80  }
0x57: {  	s7 =	sadd.s32 $0x7500, s20;
	s6 =	sadd.s32 $0x7E00, s20;
	[sflag:s31] =	ssyncset.done $0x0  }
0x58: {  	s21 =	simm.s32 $0x80;
	s22 =	sadd.s32 s26, s5;
	[sflag:s31] =	ssyncadd.s32 $0xFFFFFF80  }
0x59: {  	[spmem:s30] =	stream.linear.scatter [tilespmem:s12], [sflag:$0x2], $0x80, $0x38;
	[tilespmem:$0x1BA90] =	vst v63  }
0x5a: {  	s5 =	sadd.s32 $0x8700, s20;
	s2 =	sadd.s32 $0x1CE00, s22;
	_ =	swait.ge [sflag:s31], $0x80  }
0x5b: {  	s22 =	simm.s32 $0x200;
	s9 =	sadd.s32 $0x6C00, s20;
	[sflag:s31] =	ssyncset.done $0x0  }
0x5c: {  	s12 =	sadd.s32 $0x4800, s20;
	[sflag:s31] =	ssyncadd.s32 $0xFFFFFF80;
	s31 =	simm.s32 $0x19000  }
0x5d: {  	[spmem:s3] =	stream.indirect.scatter.add.f32 [tilespmem:s4], [sflag:$0x1], $0x10, s31, s21, $0xb8;
	[tilespmem:$0x1BA90] =	vst v63  }
.LBB2_1:
0x5e: {  	p0 =	sne.s32 s22, $0x6200  }
.Ltmp0:
0x5f: {  	_ = 	snop;
	(pc) =	sbr.rel @p0 .LBB2_1-.Ltmp0, $4  }
0x60: {  	_ = 	snop  }
0x61: {  	s23 =	sshra.s32 s22, $0x2;
	s22 =	sadd.s32 $0x200, s22  }
0x62: {  	s4 =	sadd.s32 $0x800, s4;
	s23 =	sadd.s32 $0x19000, s23  }
0x63: {  	[spmem:s3] =	stream.indirect.scatter.add.f32 [tilespmem:s4], [sflag:$0x1], $0x10, s23, s21, $0xb8;
	[tilespmem:$0x1BA90] =	vst v63  }
0x64: {  	s3 =	simm.s32 $0x1  }
0x65: {  	_ =	swait.ge [sflag:s3], $0x19000  }
0x66: {  	[sflag:s3] =	ssyncset.done $0x0  }
0x67: {  	[sflag:s3] =	ssyncadd.s32 $0xFFFE7000  }
0x68: {  	s4 =	simm.s32 $0x1A980;
	s3 =	simm.s32 $0x2;
	[bflag:$0x0] =	sbarrier.arrive $0xFFFF  }
0x69: {  	[tilespmem:s4], [sflag:$0x2] =	stream.linear.gather [spmem:s20], $0x80, $0x38;
	[tilespmem:$0x1BA90] =	vst v63  }
0x6a: {  	_ =	swait.ge [sflag:s3], $0x80  }
0x6b: {  	[sflag:s3] =	ssyncset.done $0x0  }
0x6c: {  	s4 =	simm.s32 $0x1AA00;
	[sflag:s3] =	ssyncadd.s32 $0xFFFFFF80  }
0x6d: {  	[tilespmem:s4], [sflag:$0x2] =	stream.linear.gather [spmem:s19], $0x80, $0x38;
	[tilespmem:$0x1BA90] =	vst v63  }
0x6e: {  	_ =	swait.ge [sflag:s3], $0x80  }
0x6f: {  	[sflag:s3] =	ssyncset.done $0x0  }
0x70: {  	s21 =	simm.s32 $0x1AA80;
	[sflag:s3] =	ssyncadd.s32 $0xFFFFFF80  }
0x71: {  	[tilespmem:s21], [sflag:$0x2] =	stream.linear.gather [spmem:s18], $0x80, $0x38;
	[tilespmem:$0x1BA90] =	vst v63  }
0x72: {  	_ =	swait.ge [sflag:s3], $0x80  }
0x73: {  	[sflag:s3] =	ssyncset.done $0x0  }
0x74: {  	s22 =	simm.s32 $0x1AB00;
	[sflag:s3] =	ssyncadd.s32 $0xFFFFFF80  }
0x75: {  	[tilespmem:s22], [sflag:$0x2] =	stream.linear.gather [spmem:s17], $0x80, $0x38;
	[tilespmem:$0x1BA90] =	vst v63  }
0x76: {  	_ =	swait.ge [sflag:s3], $0x80  }
0x77: {  	[sflag:s3] =	ssyncset.done $0x0  }
0x78: {  	s23 =	simm.s32 $0x1AB80;
	[sflag:s3] =	ssyncadd.s32 $0xFFFFFF80  }
0x79: {  	[tilespmem:s23], [sflag:$0x2] =	stream.linear.gather [spmem:s16], $0x80, $0x38;
	[tilespmem:$0x1BA90] =	vst v63  }
0x7a: {  	_ =	swait.ge [sflag:s3], $0x80  }
0x7b: {  	[sflag:s3] =	ssyncset.done $0x0  }
0x7c: {  	s24 =	simm.s32 $0x1AC00;
	[sflag:s3] =	ssyncadd.s32 $0xFFFFFF80  }
0x7d: {  	[tilespmem:s24], [sflag:$0x2] =	stream.linear.gather [spmem:s15], $0x80, $0x38;
	[tilespmem:$0x1BA90] =	vst v63  }
0x7e: {  	_ =	swait.ge [sflag:s3], $0x80  }
0x7f: {  	[sflag:s3] =	ssyncset.done $0x0  }
0x80: {  	s25 =	simm.s32 $0x1AC80;
	[sflag:s3] =	ssyncadd.s32 $0xFFFFFF80  }
0x81: {  	[tilespmem:s25], [sflag:$0x2] =	stream.linear.gather [spmem:s14], $0x80, $0x38;
	[tilespmem:$0x1BA90] =	vst v63  }
0x82: {  	_ =	swait.ge [sflag:s3], $0x80  }
0x83: {  	[sflag:s3] =	ssyncset.done $0x0  }
0x84: {  	s26 =	simm.s32 $0x1AD00;
	[sflag:s3] =	ssyncadd.s32 $0xFFFFFF80  }
0x85: {  	[tilespmem:s26], [sflag:$0x2] =	stream.linear.gather [spmem:s13], $0x80, $0x38;
	[tilespmem:$0x1BA90] =	vst v63  }
0x86: {  	_ =	swait.ge [sflag:s3], $0x80  }
0x87: {  	[sflag:s3] =	ssyncset.done $0x0  }
0x88: {  	s28 =	simm.s32 $0x1AD80;
	[sflag:s3] =	ssyncadd.s32 $0xFFFFFF80  }
0x89: {  	[tilespmem:s28], [sflag:$0x2] =	stream.linear.gather [spmem:s12], $0x80, $0x38;
	[tilespmem:$0x1BA90] =	vst v63  }
0x8a: {  	_ =	swait.ge [sflag:s3], $0x80  }
0x8b: {  	[sflag:s3] =	ssyncset.done $0x0  }
0x8c: {  	s29 =	simm.s32 $0x1AE00;
	[sflag:s3] =	ssyncadd.s32 $0xFFFFFF80  }
0x8d: {  	[tilespmem:s29], [sflag:$0x2] =	stream.linear.gather [spmem:s11], $0x80, $0x38;
	[tilespmem:$0x1BA90] =	vst v63  }
0x8e: {  	_ =	swait.ge [sflag:s3], $0x80  }
0x8f: {  	[sflag:s3] =	ssyncset.done $0x0  }
0x90: {  	s30 =	simm.s32 $0x1AE80;
	[sflag:s3] =	ssyncadd.s32 $0xFFFFFF80  }
0x91: {  	[tilespmem:s30], [sflag:$0x2] =	stream.linear.gather [spmem:s10], $0x80, $0x38;
	[tilespmem:$0x1BA90] =	vst v63  }
0x92: {  	_ =	swait.ge [sflag:s3], $0x80  }
0x93: {  	[sflag:s3] =	ssyncset.done $0x0  }
0x94: {  	s31 =	simm.s32 $0x1AF00;
	[sflag:s3] =	ssyncadd.s32 $0xFFFFFF80  }
0x95: {  	[tilespmem:s31], [sflag:$0x2] =	stream.linear.gather [spmem:s8], $0x80, $0x38;
	[tilespmem:$0x1BA90] =	vst v63  }
0x96: {  	_ =	swait.ge [sflag:s3], $0x80  }
0x97: {  	[sflag:s3] =	ssyncset.done $0x0  }
0x98: {  	s10 =	simm.s32 $0x1AF80;
	[sflag:s3] =	ssyncadd.s32 $0xFFFFFF80  }
0x99: {  	[tilespmem:s10], [sflag:$0x2] =	stream.linear.gather [spmem:s9], $0x80, $0x38;
	[tilespmem:$0x1BA90] =	vst v63  }
0x9a: {  	_ =	swait.ge [sflag:s3], $0x80  }
0x9b: {  	[sflag:s3] =	ssyncset.done $0x0  }
0x9c: {  	s11 =	simm.s32 $0x1B000;
	[sflag:s3] =	ssyncadd.s32 $0xFFFFFF80  }
0x9d: {  	[tilespmem:s11], [sflag:$0x2] =	stream.linear.gather [spmem:s7], $0x80, $0x38;
	[tilespmem:$0x1BA90] =	vst v63  }
0x9e: {  	_ =	swait.ge [sflag:s3], $0x80  }
0x9f: {  	[sflag:s3] =	ssyncset.done $0x0  }
0xa0: {  	s12 =	simm.s32 $0x1B080;
	[sflag:s3] =	ssyncadd.s32 $0xFFFFFF80  }
0xa1: {  	[tilespmem:s12], [sflag:$0x2] =	stream.linear.gather [spmem:s6], $0x80, $0x38;
	[tilespmem:$0x1BA90] =	vst v63  }
0xa2: {  	_ =	swait.ge [sflag:s3], $0x80  }
0xa3: {  	[sflag:s3] =	ssyncset.done $0x0  }
0xa4: {  	s13 =	simm.s32 $0x1B100;
	[sflag:s3] =	ssyncadd.s32 $0xFFFFFF80  }
0xa5: {  	[tilespmem:s13], [sflag:$0x2] =	stream.linear.gather [spmem:s5], $0x80, $0x38;
	[tilespmem:$0x1BA90] =	vst v63  }
0xa6: {  	_ =	swait.ge [sflag:s3], $0x80  }
0xa7: {  	[sflag:s3] =	ssyncset.done $0x0  }
0xa8: {  	[sflag:s3] =	ssyncadd.s32 $0xFFFFFF80  }
0xa9: {  	v1 =	vld [tilespmem:$0x1A980]  }
0xaa: {  	v2 =	vld [tilespmem:$0x1AA00]  }
0xab: {  	v3 =	vld [tilespmem:$0x1AA80]  }
0xac: {  	v4 =	vld [tilespmem:$0x1AB00]  }
0xad: {  	v5 =	vld [tilespmem:$0x1AB80]  }
0xae: {  	v6 =	vld [tilespmem:$0x1AC00]  }
0xaf: {  	v7 =	vld [tilespmem:$0x1AC80]  }
0xb0: {  	v9 =	vld [tilespmem:$0x1AD00]  }
0xb1: {  	v11 =	vld [tilespmem:$0x1AD80]  }
0xb2: {  	v12 =	vld [tilespmem:$0x1AE00]  }
0xb3: {  	v14 =	vld [tilespmem:$0x1AE80]  }
0xb4: {  	v15 =	vld [tilespmem:$0x1AF00]  }
0xb5: {  	v31 =	vld [tilespmem:$0x1AF80]  }
0xb6: {  	v0 =	vld [tilespmem:$0x1B000]  }
0xb7: {  	v46 =	vld [tilespmem:$0x1B080]  }
0xb8: {  	v47 =	vld [tilespmem:$0x1B100]  }
0xb9: {  	v16 =	vld [tilespmem:$0x1A990]  }
0xba: {  	v17 =	vld [tilespmem:$0x1AA10]  }
0xbb: {  	v18 =	vld [tilespmem:$0x1AA90]  }
0xbc: {  	v19 =	vld [tilespmem:$0x1AB10]  }
0xbd: {  	v20 =	vld [tilespmem:$0x1AB90]  }
0xbe: {  	v21 =	vld [tilespmem:$0x1AC10]  }
0xbf: {  	v22 =	vld [tilespmem:$0x1AC90]  }
0xc0: {  	v23 =	vld [tilespmem:$0x1AD10]  }
0xc1: {  	v24 =	vld [tilespmem:$0x1AD90]  }
0xc2: {  	v25 =	vld [tilespmem:$0x1AE10]  }
0xc3: {  	v26 =	vld [tilespmem:$0x1AE90]  }
0xc4: {  	v27 =	vld [tilespmem:$0x1AF10]  }
0xc5: {  	v28 =	vld [tilespmem:$0x1AF90]  }
0xc6: {  	v29 =	vld [tilespmem:$0x1B010]  }
0xc7: {  	v30 =	vld [tilespmem:$0x1B090]  }
0xc8: {  	v48 =	vld [tilespmem:$0x1B110]  }
0xc9: {  	v32 =	vld [tilespmem:$0x1A9A0]  }
0xca: {  	v33 =	vld [tilespmem:$0x1AA20]  }
0xcb: {  	v34 =	vld [tilespmem:$0x1AAA0]  }
0xcc: {  	v35 =	vld [tilespmem:$0x1AB20]  }
0xcd: {  	v36 =	vld [tilespmem:$0x1ABA0]  }
0xce: {  	v37 =	vld [tilespmem:$0x1AC20]  }
0xcf: {  	v38 =	vld [tilespmem:$0x1ACA0]  }
0xd0: {  	v39 =	vld [tilespmem:$0x1AD20]  }
0xd1: {  	v40 =	vld [tilespmem:$0x1ADA0]  }
0xd2: {  	v41 =	vld [tilespmem:$0x1AE20]  }
0xd3: {  	v42 =	vld [tilespmem:$0x1AEA0]  }
0xd4: {  	v43 =	vld [tilespmem:$0x1AF20]  }
0xd5: {  	v44 =	vld [tilespmem:$0x1AFA0]  }
0xd6: {  	v45 =	vld [tilespmem:$0x1B020]  }
0xd7: {  	v49 =	vld [tilespmem:$0x1AA30]  }
0xd8: {  	v50 =	vld [tilespmem:$0x1AAB0]  }
0xd9: {  	v51 =	vld [tilespmem:$0x1AB30]  }
0xda: {  	v52 =	vld [tilespmem:$0x1ABB0]  }
0xdb: {  	v53 =	vld [tilespmem:$0x1AC30]  }
0xdc: {  	v54 =	vld [tilespmem:$0x1ACB0]  }
0xdd: {  	v55 =	vld [tilespmem:$0x1AD30]  }
0xde: {  	v56 =	vld [tilespmem:$0x1ADB0]  }
0xdf: {  	v57 =	vld [tilespmem:$0x1AE30]  }
0xe0: {  	v58 =	vld [tilespmem:$0x1AEB0]  }
0xe1: {  	v59 =	vld [tilespmem:$0x1AF30]  }
0xe2: {  	v60 =	vld [tilespmem:$0x1AFB0]  }
0xe3: {  	v61 =	vld [tilespmem:$0x1B030]  }
0xe4: {  	v62 =	vld [tilespmem:$0x1B0B0]  }
0xe5: {  	v63 =	vld [tilespmem:$0x1B130]  }
0xe6: {  	v8 =	vld [tilespmem:$0x1A9C0]  }
0xe7: {  	v10 =	vld [tilespmem:$0x1AAC0]  }
0xe8: {  	v13 =	vld [tilespmem:$0x1AC40]  }
0xe9: {  	[tilespmem:$0x1FFD0] =	vst v46;
	v46 =	vld [tilespmem:$0x1B0A0]  }
0xea: {  	[tilespmem:$0x1FFE0] =	vst v47;
	v47 =	vld [tilespmem:$0x1B120]  }
0xeb: {  	[tilespmem:$0x1FFF0] =	vst v48;
	v48 =	vld [tilespmem:$0x1A9B0]  }
0xec: {  	[tilespmem:$0x1FFC0] =	vst v0;
	v0 =	vld [tilespmem:$0x1AA40]  }
0xed: {  	v1 =	vadd.f32 v2, v1;
	v2 =	vld [tilespmem:$0x1AB40];
	v16 =	vadd.f32 v17, v16  }
0xee: {  	v17 =	vld [tilespmem:$0x1ABC0]  }
0xef: {  	v1 =	vadd.f32 v3, v1;
	v3 =	vadd.f32 v18, v16;
	v16 =	vld [tilespmem:$0x1ACC0]  }
0xf0: {  	v18 =	vld [tilespmem:$0x1AD40]  }
0xf1: {  	v3 =	vadd.f32 v19, v3;
	v19 =	vld [tilespmem:$0x1ADC0]  }
0xf2: {  	v1 =	vadd.f32 v4, v1;
	v4 =	vadd.f32 v33, v32;
	v32 =	vld [tilespmem:$0x1AE40]  }
0xf3: {  	v33 =	vld [tilespmem:$0x1AF40]  }
0xf4: {  	v49 =	vadd.f32 v49, v48;
	v48 =	vld [tilespmem:$0x1A9E0]  }
0xf5: {  	v3 =	vadd.f32 v20, v3;
	v20 =	vld [tilespmem:$0x1AEC0]  }
0xf6: {  	v0 =	vadd.f32 v0, v8;
	v4 =	vadd.f32 v34, v4;
	v34 =	vld [tilespmem:$0x1B050]  }
0xf7: {  	v1 =	vadd.f32 v5, v1;
	v5 =	vadd.f32 v50, v49;
	v49 =	vld [tilespmem:$0x1AA60]  }
0xf8: {  	v3 =	vadd.f32 v21, v3;
	v21 =	vld [tilespmem:$0x1AFC0]  }
0xf9: {  	v0 =	vadd.f32 v10, v0;
	v1 =	vadd.f32 v6, v1;
	v6 =	vld [tilespmem:$0x1B040]  }
0xfa: {  	v50 =	vadd.f32 v51, v5;
	v5 =	vld [tilespmem:$0x1B0C0]  }
0xfb: {  	v4 =	vadd.f32 v35, v4;
	v51 =	vld [tilespmem:$0x1A9D0];
	v0 =	vadd.f32 v2, v0  }
0xfc: {  	v1 =	vadd.f32 v7, v1;
	v3 =	vadd.f32 v22, v3;
	v22 =	vld [tilespmem:$0x1ADF0]  }
0xfd: {  	v4 =	vadd.f32 v36, v4;
	v7 =	vadd.f32 v52, v50;
	v52 =	vld [tilespmem:$0x1AA50]  }
0xfe: {  	v50 =	vld [tilespmem:$0x1A9F0];
	v0 =	vadd.f32 v17, v0;
	v1 =	vadd.f32 v9, v1  }
0xff: {  	v9 =	vld [tilespmem:$0x1B140];
	v3 =	vadd.f32 v23, v3;
	v4 =	vadd.f32 v37, v4  }
0x100: {  	v8 =	vadd.f32 v49, v48;
	v23 =	vld [tilespmem:$0x1AE60];
	v7 =	vadd.f32 v53, v7  }
0x101: {  	v53 =	vld [tilespmem:$0x1AAD0];
	v0 =	vadd.f32 v13, v0;
	v1 =	vadd.f32 v11, v1  }
0x102: {  	v3 =	vadd.f32 v24, v3;
	v4 =	vadd.f32 v38, v4;
	v24 =	vld [tilespmem:$0x1ABD0]  }
0x103: {  	v7 =	vadd.f32 v54, v7;
	v54 =	vld [tilespmem:$0x1AAF0];
	v0 =	vadd.f32 v16, v0  }
0x104: {  	v1 =	vadd.f32 v12, v1;
	v12 =	vld [tilespmem:$0x1AB50];
	v3 =	vadd.f32 v25, v3  }
0x105: {  	v4 =	vadd.f32 v39, v4;
	v25 =	vld [tilespmem:$0x1ACD0];
	v11 =	vadd.f32 v52, v51  }
0x106: {  	v51 =	vld [tilespmem:$0x1AA70];
	v7 =	vadd.f32 v55, v7;
	v0 =	vadd.f32 v18, v0  }
0x107: {  	v55 =	vld [tilespmem:$0x1AB60];
	v1 =	vadd.f32 v14, v1;
	v3 =	vadd.f32 v26, v3  }
0x108: {  	v18 =	vld [tilespmem:$0x1AD70];
	v4 =	vadd.f32 v40, v4;
	v11 =	vadd.f32 v53, v11  }
0x109: {  	v14 =	vld [tilespmem:$0x1AC50];
	v7 =	vadd.f32 v56, v7;
	v0 =	vadd.f32 v19, v0  }
0x10a: {  	v53 =	vld [tilespmem:$0x1AAE0];
	v1 =	vadd.f32 v15, v1;
	v3 =	vadd.f32 v27, v3  }
0x10b: {  	v26 =	vld [tilespmem:$0x1ADD0];
	v4 =	vadd.f32 v41, v4;
	v7 =	vadd.f32 v57, v7  }
0x10c: {  	v40 =	vld [tilespmem:$0x1B0D0];
	v11 =	vadd.f32 v12, v11;
	v10 =	vadd.f32 v51, v50  }
0x10d: {  	v57 =	vld [tilespmem:$0x1FFC0];
	v1 =	vadd.f32 v31, v1;
	v3 =	vadd.f32 v28, v3  }
0x10e: {  	v56 =	vld [tilespmem:$0x1AB70];
	v4 =	vadd.f32 v42, v4;
	v7 =	vadd.f32 v58, v7  }
0x10f: {  	v58 =	vld [tilespmem:$0x1FFD0];
	v11 =	vadd.f32 v24, v11;
	v8 =	vadd.f32 v53, v8  }
0x110: {  	v19 =	vld [tilespmem:$0x1ADE0];
	v2 =	vadd.f32 v54, v10;
	v3 =	vadd.f32 v29, v3  }
0x111: {  	v41 =	vld [tilespmem:$0x1FFE0];
	v4 =	vadd.f32 v43, v4;
	v59 =	vadd.f32 v59, v7  }
0x112: {  	v43 =	vld [tilespmem:$0x1FFF0];
	v11 =	vadd.f32 v14, v11;
	v1 =	vadd.f32 v57, v1  }
0x113: {  	v15 =	vld [tilespmem:$0x1AD50];
	v8 =	vadd.f32 v55, v8;
	v3 =	vadd.f32 v30, v3  }
0x114: {  	v27 =	vld [tilespmem:$0x1AE50];
	v4 =	vadd.f32 v44, v4;
	v1 =	vadd.f32 v58, v1  }
0x115: {  	v57 =	vld [tilespmem:$0x1ABE0];
	v44 =	vadd.f32 v60, v59;
	v11 =	vadd.f32 v25, v11  }
0x116: {  	v4 =	vadd.f32 v45, v4;
	v58 =	vld [tilespmem:$0x1ABF0];
	v7 =	vadd.f32 v41, v1  }
0x117: {  	v59 =	vld [tilespmem:$0x1AC60];
	v1 =	vadd.f32 v43, v3;
	v3 =	vadd.f32 v61, v44  }
0x118: {  	v2 =	vadd.f32 v56, v2;
	v60 =	vld [tilespmem:$0x1AC70];
	v4 =	vadd.f32 v46, v4  }
0x119: {  	v11 =	vadd.f32 v15, v11;
	v61 =	vld [tilespmem:$0x1ACE0];
	v52 =	vadd.f32 v62, v3  }
0x11a: {  	v8 =	vadd.f32 v57, v8;
	v3 =	vadd.f32 v47, v4;
	v62 =	vld [tilespmem:$0x1ACF0]  }
0x11b: {  	v2 =	vadd.f32 v58, v2;
	v4 =	vadd.f32 v63, v52;
	v63 =	vld [tilespmem:$0x1AD60]  }
0x11c: {  	v0 =	vadd.f32 v32, v0;
	v28 =	vld [tilespmem:$0x1AED0];
	v8 =	vadd.f32 v59, v8  }
0x11d: {  	v32 =	vld [tilespmem:$0x1AFF0];
	v11 =	vadd.f32 v26, v11;
	v2 =	vadd.f32 v60, v2  }
0x11e: {  	v31 =	vld [tilespmem:$0x1AF50];
	v8 =	vadd.f32 v61, v8  }
0x11f: {  	v24 =	vld [tilespmem:$0x1AE70];
	v11 =	vadd.f32 v27, v11;
	v2 =	vadd.f32 v62, v2  }
0x120: {  	v0 =	vadd.f32 v20, v0;
	v29 =	vld [tilespmem:$0x1AFD0];
	v8 =	vadd.f32 v63, v8  }
0x121: {  	v25 =	vld [tilespmem:$0x1AEE0];
	v11 =	vadd.f32 v28, v11;
	v2 =	vadd.f32 v18, v2  }
0x122: {  	v0 =	vadd.f32 v33, v0;
	v26 =	vld [tilespmem:$0x1AEF0];
	v8 =	vadd.f32 v19, v8  }
0x123: {  	v27 =	vld [tilespmem:$0x1AF60];
	v11 =	vadd.f32 v31, v11;
	v2 =	vadd.f32 v22, v2  }
0x124: {  	v0 =	vadd.f32 v21, v0;
	v28 =	vld [tilespmem:$0x1AF70];
	v8 =	vadd.f32 v23, v8  }
0x125: {  	v30 =	vld [tilespmem:$0x1AFE0];
	v11 =	vadd.f32 v29, v11;
	v2 =	vadd.f32 v24, v2  }
0x126: {  	v42 =	vld [tilespmem:$0x1B150];
	v0 =	vadd.f32 v6, v0;
	v31 =	vadd.f32 v25, v8  }
0x127: {  	v33 =	vadd.f32 v34, v11;
	v34 =	vld [tilespmem:$0x1B060];
	v2 =	vadd.f32 v26, v2  }
0x128: {  	v38 =	vld [tilespmem:$0x1B070];
	v0 =	vadd.f32 v5, v0;
	v37 =	vadd.f32 v27, v31  }
0x129: {  	v39 =	vld [tilespmem:$0x1B0E0];
	(v2sf) =	vpush v7, $0x8;
	v2 =	vadd.f32 v28, v2  }
0x12a: {  	v10 =	vadd.f32 v40, v33;
	v40 =	vld [tilespmem:$0x1B0F0];
	v5 =	vadd.f32 v30, v37  }
0x12b: {  	v41 =	vld [tilespmem:$0x1B160];
	v0 =	vadd.f32 v9, v0;
	v2 =	vadd.f32 v32, v2  }
0x12c: {  	v10 =	vadd.f32 v42, v10;
	v42 =	vld [tilespmem:$0x1B170];
	v5 =	vadd.f32 v34, v5  }
0x12d: {  	(v2sf) =	vpush v1, $0x8;
	v2 =	vadd.f32 v38, v2  }
0x12e: {  	(v2sf) =	vpush v3, $0x8;
	v5 =	vadd.f32 v39, v5  }
0x12f: {  	(v2sf) =	vpush v4, $0x8;
	v2 =	vadd.f32 v40, v2  }
0x130: {  	(v2sf) =	vpush v0, $0x8;
	v5 =	vadd.f32 v41, v5  }
0x131: {  	(v2sf) =	vpush v10, $0x8;
	v2 =	vadd.f32 v42, v2  }
0x132: {  	(v2sf) =	vpush v5, $0x8  }
0x133: {  	(v2sf) =	vpush v2, $0x8;
	_ =	sdelay $0x7  }
0x134: {  	s14 =	spop (v2sf)  }
0x135: {  	s15 =	spop (v2sf);
	s4 =	smax.f32 s14, $1.000000000e+00  }
0x136: {  	s16 =	spop (v2sf);
	v43 =	vmov s4;
	s17 =	smax.f32 s15, $1.000000000e+00  }
0x137: {  	(erf) = vrcp.f32 v43;
	v44 =	vmov s17;
	s19 =	smax.f32 s16, $1.000000000e+00;
	s18 =	spop (v2sf)  }
0x138: {  	(erf) = vrcp.f32 v44;
	v45 =	vmov s19;
	s20 =	spop (v2sf);
	s21 =	smax.f32 s18, $1.000000000e+00  }
0x139: {  	(erf) = vrcp.f32 v45;
	v46 =	vmov s21;
	s23 =	smax.f32 s20, $1.000000000e+00;
	s22 =	spop (v2sf)  }
0x13a: {  	(erf) = vrcp.f32 v46;
	v47 =	vmov s23;
	s25 =	smax.f32 s22, $1.000000000e+00;
	s24 =	spop (v2sf)  }
0x13b: {  	(erf) = vrcp.f32 v47;
	v48 =	vmov s25;
	s26 =	smax.f32 s24, $1.000000000e+00;
	s28 =	spop (v2sf)  }
0x13c: {  	(erf) = vrcp.f32 v48;
	v49 =	vmov s26;
	s29 =	smax.f32 s28, $1.000000000e+00  }
0x13d: {  	(erf) = vrcp.f32 v49;
	v50 =	vmov s29  }
0x13e: {  	v51 =	vld [tilespmem:$0x1B180];
	(erf) = vrcp.f32 v50;
	_ =	sdelay $0x1  }
0x13f: {  	v52 =	vpop (erf)  }
0x140: {  	v53 =	vpop (erf);
	v6 =	vmul.f32 v52, v7  }
0x141: {  	v54 =	vpop (erf);
	v1 =	vmul.f32 v53, v1  }
0x142: {  	v6 =	vadd.f32 v6, v51;
	v3 =	vmul.f32 v54, v3;
	v55 =	vpop (erf)  }
0x143: {  	v1 =	vadd.f32 v1, v51;
	v56 =	vpop (erf);
	v4 =	vmul.f32 v55, v4  }
0x144: {  	[tilespmem:$0x1A900] =	vst v6;
	v3 =	vadd.f32 v3, v51;
	v0 =	vmul.f32 v56, v0;
	v57 =	vpop (erf)  }
0x145: {  	[tilespmem:$0x1A910] =	vst v1;
	v4 =	vadd.f32 v4, v51;
	v59 =	vmul.f32 v57, v10;
	v58 =	vpop (erf)  }
0x146: {  	[tilespmem:$0x1A920] =	vst v3;
	v0 =	vadd.f32 v0, v51;
	v60 =	vmul.f32 v58, v5;
	v61 =	vpop (erf)  }
0x147: {  	[tilespmem:$0x1A930] =	vst v4;
	v1 =	vadd.f32 v59, v51;
	v2 =	vmul.f32 v61, v2  }
0x148: {  	[tilespmem:$0x1A940] =	vst v0;
	v62 =	vadd.f32 v60, v51  }
0x149: {  	[tilespmem:$0x1A950] =	vst v1;
	v63 =	vadd.f32 v2, v51  }
0x14a: {  	[tilespmem:$0x1A960] =	vst v62  }
0x14b: {  	s30 =	simm.s32 $0x0;
	s31 =	simm.s32 $0x1A900;
	[tilespmem:$0x1A970] =	vst v63  }
0x14c: {  	[hbm4b:s2+s30] =	stream.linear.scatter [tilespmem:s31], [sflag:$0x2], $0x80, $0x38;
	[tilespmem:$0x1BA90] =	vst v63  }
0x14d: {  	_ =	swait.ge [sflag:s3], $0x80  }
0x14e: {  	[sflag:s3] =	ssyncset.done $0x0  }
0x14f: {  	[sflag:s3] =	ssyncadd.s32 $0xFFFFFF80  }
0x150: {  	_ =	sfence.sel $0x180000  }
0x151: {  	[bflag:$0x0] =	sbarrier.arrive $0xFFFF  }
0x152: {  	p0 =	sne.s32 s1, $0x0;
	_ =	strace $0x90000047  }
0x153: {  	s0 =	sadd.s32 @!p0 $0x100000, s0;
	[bflag:$0x2] =	sbarrier.arrive $0xFFFF  }
0x154: {  	[sflag:s0] =	ssyncadd.tile.s32 @!p0 $0x1;
	_ =	shalt  }
.Lfunc_end2:
_tile_overlayer_lowered:
.L_overlay_start_2:
0x155: {  	(tag) =	ssettag $0x2  }
0x156: {  	s0 =	rddreg [dreg:$0x0];
	s2 =	stileid.u32  }
0x157: {  	s1 =	rddreg [dreg:$0x1];
	p0 =	sne.s32 s2, $0x0  }
0x158: {  	s3 =	rddreg [dreg:$0x2];
	[bflag:$0x3] =	sbarrier.arrive $0xFFFF;
	s2 =	simm.s32 @!p0 $0x1C02  }
0x159: {  	[timem:s3], [sflag:s2] =	dma.local @!p0 [hbm:s0], s1  }
0x15a: {  	s0 =	simm.s32 @!p0 $0x2  }
0x15b: {  	_ =	swait.ge @!p0 [sflag:s0], s1  }
0x15c: {  	s1 =	ssub.s32 @!p0 $0x0, s1;
	[sflag:s0] =	ssyncset.done @!p0 $0x0  }
0x15d: {  	[sflag:s0] =	ssyncadd.s32 @!p0 s1  }
0x15e: {  	[bflag:$0x3] =	sbarrier.arrive $0xFFFF  }
0x15f: {  	_ =	shalt  }

</sc_bundles>
